<compile_context>
chip_gen: v7x
topology: tpu7x:2x2x1
jax: 0.10.2.dev20260603
libtpu: 0.0.44.dev20260713+nightly
codegen_flags: <defaults>
</compile_context>

<pallas_src>
import functools

import jax
import jax.numpy as jnp
from jax import lax
from jax.experimental import pallas as pl
from jax.experimental.pallas import tpu as pltpu
from jax.experimental.pallas import tpu_sc as plsc

N = 10000
NPAD = 10240
E = 320000
EPAD = 327680
NCORES = 2
NSUB = 16
NTILES = NCORES * NSUB
CHUNK = 128
CHUNKS_PER_TILE = EPAD // (NTILES * CHUNK)
SCH = 128
NCHUNKS = EPAD // SCH
NSUB_G = 4
CH0 = 120
CH1 = 40
NCHUNKS_PAD = 2688
ROWS_PER_TILE = NPAD // NSUB
ZROWS = 16
DEGW = 128
F = 128
NROW_BLK = 1024
GRID = NPAD // NROW_BLK


def _vec_mesh():
    return plsc.VectorSubcoreMesh(core_axis_name="c", subcore_axis_name="s")



def _make_sc_degree(width):
    @functools.partial(
        pl.kernel,
        mesh=_vec_mesh(),
        out_type=jax.ShapeDtypeStruct((NCORES * NPAD, width), jnp.float32),
        scratch_types=[
            pltpu.VMEM_SHARED((NPAD, width), jnp.float32),
            pltpu.VMEM((CHUNK,), jnp.int32),
            pltpu.VMEM((CHUNK, width), jnp.float32),
            pltpu.VMEM((ZROWS, width), jnp.float32),
        ],
    )
    def _sc_degree(row_hbm, out_hbm, acc, idx_v, ones_v, zbuf):
        c = lax.axis_index("c")
        s = lax.axis_index("s")
        wid = c * NSUB + s
        zero = jnp.zeros((16,), jnp.float32)
        one = jnp.ones((16,), jnp.float32)

        @pl.loop(0, ZROWS)
        def _(i):
            for j in range(width // 16):
                zbuf[i, pl.ds(j * 16, 16)] = zero

        @pl.loop(0, CHUNK)
        def _(i):
            for j in range(width // 16):
                ones_v[i, pl.ds(j * 16, 16)] = one

        @pl.loop(0, ROWS_PER_TILE // ZROWS)
        def _(i):
            pltpu.sync_copy(zbuf, acc.at[pl.ds(s * ROWS_PER_TILE + i * ZROWS, ZROWS)])

        plsc.subcore_barrier()

        base0 = wid * (CHUNKS_PER_TILE * CHUNK)

        @pl.loop(0, CHUNKS_PER_TILE)
        def _(j):
            pltpu.sync_copy(row_hbm.at[pl.ds(base0 + j * CHUNK, CHUNK)], idx_v)
            pltpu.sync_copy(ones_v, acc.at[idx_v], add=True)

        plsc.subcore_barrier()
        pltpu.sync_copy(
            acc.at[pl.ds(s * ROWS_PER_TILE, ROWS_PER_TILE)],
            out_hbm.at[pl.ds(c * NPAD + s * ROWS_PER_TILE, ROWS_PER_TILE)],
        )

    return _sc_degree


_sc_degree = _make_sc_degree(DEGW)



@functools.partial(
    pl.kernel,
    mesh=_vec_mesh(),
    out_type=jax.ShapeDtypeStruct((NCORES * NPAD, F), jnp.float32),
    scratch_types=[
        pltpu.VMEM_SHARED((NPAD, F), jnp.float32),
        pltpu.VMEM((CH0, SCH), jnp.int32),
        pltpu.VMEM((2, SCH, F), jnp.float32),
        pltpu.VMEM((2, SCH), jnp.int32),
        pltpu.SemaphoreType.DMA,
        pltpu.SemaphoreType.DMA,
        pltpu.SemaphoreType.DMA,
        pltpu.SemaphoreType.DMA,
        pltpu.SemaphoreType.DMA,
        pltpu.SemaphoreType.DMA,
        pltpu.SemaphoreType.DMA,
        pltpu.SemaphoreType.DMA,
        pltpu.SemaphoreType.DMA,
        pltpu.SemaphoreType.DMA,
    ],
)
def _sc_scatter(h_hbm, row_hbm, col_hbm, out_hbm, acc, ridx, rows_v, cbuf,
                g00, g01, g02, g03, g10, g11, g12, g13, c0, c1):
    c = lax.axis_index("c")
    s = lax.axis_index("s")
    zero = jnp.zeros((16,), jnp.float32)
    cbase = jnp.where(c == 0, s * CH0, NSUB * CH0 + s * CH1)
    n = jnp.where(c == 0, CH0, CH1)
    gsems = ((g00, g01, g02, g03), (g10, g11, g12, g13))
    csems = (c0, c1)
    SUBR = SCH // NSUB_G

    cp_r = pltpu.make_async_copy(row_hbm.at[pl.ds(cbase, CH0)], ridx, g00)
    cp_r.start()

    @pl.loop(0, SCH)
    def _(i):
        for j in range(F // 16):
            rows_v[0, i, pl.ds(j * 16, 16)] = zero

    @pl.loop(0, ROWS_PER_TILE // SCH)
    def _(i):
        pltpu.sync_copy(rows_v.at[0], acc.at[pl.ds(s * ROWS_PER_TILE + i * SCH, SCH)])

    cp_r.wait()
    plsc.subcore_barrier()

    def start(j, b):
        for q in range(NSUB_G):
            pltpu.make_async_copy(
                h_hbm.at[ridx.at[j, pl.ds(q * SUBR, SUBR)]],
                rows_v.at[b, pl.ds(q * SUBR, SUBR)],
                gsems[b][q],
            ).start()
        pltpu.make_async_copy(col_hbm.at[cbase + j], cbuf.at[b], csems[b]).start()

    def finish(j, b):
        for q in range(NSUB_G):
            pltpu.make_async_copy(
                h_hbm.at[ridx.at[j, pl.ds(q * SUBR, SUBR)]],
                rows_v.at[b, pl.ds(q * SUBR, SUBR)],
                gsems[b][q],
            ).wait()
        pltpu.make_async_copy(col_hbm.at[cbase + j], cbuf.at[b], csems[b]).wait()
        pltpu.sync_copy(rows_v.at[b], acc.at[cbuf.at[b]], add=True)

    start(0, 0)

    @pl.loop(0, CH0 // 2)
    def _(k):
        @pl.when(k < n // 2)
        def _():
            j = 2 * k
            start(j + 1, 1)
            finish(j, 0)

            @pl.when(j + 2 < n)
            def _():
                start(j + 2, 0)

            finish(j + 1, 1)

    plsc.subcore_barrier()
    pltpu.sync_copy(
        acc.at[pl.ds(s * ROWS_PER_TILE, ROWS_PER_TILE)],
        out_hbm.at[pl.ds(c * NPAD + s * ROWS_PER_TILE, ROWS_PER_TILE)],
    )



def _lin1_body(x_ref, f_ref, w_ref, b_ref, o_ref):
    h = jnp.concatenate([x_ref[...], f_ref[...]], axis=-1)
    o_ref[...] = (
        jnp.dot(h, w_ref[...], preferred_element_type=jnp.float32) + b_ref[...]
    )


def _tc_lin1(x_p, feat_p, W1, b1):
    return pl.pallas_call(
        _lin1_body,
        grid=(GRID,),
        in_specs=[
            pl.BlockSpec((NROW_BLK, 64), lambda i: (i, 0)),
            pl.BlockSpec((NROW_BLK, 64), lambda i: (i, 0)),
            pl.BlockSpec((F, F), lambda i: (0, 0)),
            pl.BlockSpec((1, F), lambda i: (0, 0)),
        ],
        out_specs=pl.BlockSpec((NROW_BLK, F), lambda i: (i, 0)),
        out_shape=jax.ShapeDtypeStruct((NPAD, F), jnp.float32),
    )(x_p, feat_p, W1, b1.reshape(1, F))


def _mk_hs_body(d0_ref, d1_ref, lin_ref, dis_ref, hs_ref):
    i = pl.program_id(0)
    deg = d0_ref[...][:, :1] + d1_ref[...][:, :1] + 1.0
    rowid = i * NROW_BLK + lax.broadcasted_iota(jnp.int32, (NROW_BLK, 1), 0)
    dis = jnp.where(rowid < N, lax.rsqrt(deg), 0.0)
    dis_ref[...] = dis
    hs_ref[...] = dis * lin_ref[...]


def _tc_mk_hs(d0, d1, lin1):
    return pl.pallas_call(
        _mk_hs_body,
        grid=(GRID,),
        in_specs=[
            pl.BlockSpec((NROW_BLK, DEGW), lambda i: (i, 0)),
            pl.BlockSpec((NROW_BLK, DEGW), lambda i: (i, 0)),
            pl.BlockSpec((NROW_BLK, F), lambda i: (i, 0)),
        ],
        out_specs=[
            pl.BlockSpec((NROW_BLK, 1), lambda i: (i, 0)),
            pl.BlockSpec((NROW_BLK, F), lambda i: (i, 0)),
        ],
        out_shape=[
            jax.ShapeDtypeStruct((NPAD, 1), jnp.float32),
            jax.ShapeDtypeStruct((NPAD, F), jnp.float32),
        ],
    )(d0, d1, lin1)


def _combine_body(a0_ref, a1_ref, hs_ref, dis_ref, w_ref, b_ref, o_ref):
    dis = dis_ref[...]
    out1 = jnp.maximum(dis * (a0_ref[...] + a1_ref[...] + hs_ref[...]), 0.0)
    o_ref[...] = dis * (
        jnp.dot(out1, w_ref[...], preferred_element_type=jnp.float32) + b_ref[...]
    )


def _tc_combine(a0, a1, hs1, dis, W2, b2):
    return pl.pallas_call(
        _combine_body,
        grid=(GRID,),
        in_specs=[
            pl.BlockSpec((NROW_BLK, F), lambda i: (i, 0)),
            pl.BlockSpec((NROW_BLK, F), lambda i: (i, 0)),
            pl.BlockSpec((NROW_BLK, F), lambda i: (i, 0)),
            pl.BlockSpec((NROW_BLK, 1), lambda i: (i, 0)),
            pl.BlockSpec((F, F), lambda i: (0, 0)),
            pl.BlockSpec((1, F), lambda i: (0, 0)),
        ],
        out_specs=pl.BlockSpec((NROW_BLK, F), lambda i: (i, 0)),
        out_shape=jax.ShapeDtypeStruct((NPAD, F), jnp.float32),
    )(a0, a1, hs1, dis, W2, b2.reshape(1, F))


def _final_body(a0_ref, a1_ref, hs_ref, dis_ref, wp_ref, bp_ref, wq_ref, bq_ref,
                finx_ref, soft_ref, finy_ref, g_ref):
    i = pl.program_id(0)
    dis = dis_ref[...]
    out2 = jnp.maximum(dis * (a0_ref[...] + a1_ref[...] + hs_ref[...]), 0.0)
    m = jnp.max(out2, axis=0, keepdims=True)

    @pl.when(i == 0)
    def _():
        g_ref[...] = m

    @pl.when(i > 0)
    def _():
        g_ref[...] = jnp.maximum(g_ref[...], m)

    @pl.when(i == GRID - 1)
    def _():
        g = g_ref[...]
        finx = jnp.dot(g, wp_ref[...], preferred_element_type=jnp.float32) + bp_ref[...]
        finx_ref[...] = finx
        mx = jnp.max(finx, axis=-1, keepdims=True)
        e = jnp.exp(finx - mx)
        soft_ref[...] = e / jnp.sum(e, axis=-1, keepdims=True)
        finy_ref[...] = (
            jnp.dot(g, wq_ref[...], preferred_element_type=jnp.float32) + bq_ref[...]
        )


def _tc_final(a0, a1, hs2, dis, Wp, bp, Wq, bq):
    np1 = Wp.shape[1]
    return pl.pallas_call(
        _final_body,
        grid=(GRID,),
        in_specs=[
            pl.BlockSpec((NROW_BLK, F), lambda i: (i, 0)),
            pl.BlockSpec((NROW_BLK, F), lambda i: (i, 0)),
            pl.BlockSpec((NROW_BLK, F), lambda i: (i, 0)),
            pl.BlockSpec((NROW_BLK, 1), lambda i: (i, 0)),
            pl.BlockSpec((F, np1), lambda i: (0, 0)),
            pl.BlockSpec((1, np1), lambda i: (0, 0)),
            pl.BlockSpec((F, 1), lambda i: (0, 0)),
            pl.BlockSpec((1, 1), lambda i: (0, 0)),
        ],
        out_specs=[
            pl.BlockSpec((1, np1), lambda i: (0, 0)),
            pl.BlockSpec((1, np1), lambda i: (0, 0)),
            pl.BlockSpec((1, 1), lambda i: (0, 0)),
        ],
        out_shape=[
            jax.ShapeDtypeStruct((1, np1), jnp.float32),
            jax.ShapeDtypeStruct((1, np1), jnp.float32),
            jax.ShapeDtypeStruct((1, 1), jnp.float32),
        ],
        scratch_shapes=[pltpu.VMEM((1, F), jnp.float32)],
    )(a0, a1, hs2, dis, Wp, bp.reshape(1, np1), Wq, bq.reshape(1, 1))



def kernel(x, feat, edge_index, W1, b1, W2, b2, Wp, bp, Wq, bq):
    row = edge_index[0]
    col = edge_index[1]
    pad = jnp.full((EPAD - E,), N, dtype=row.dtype)
    row_p = jnp.concatenate([row, pad])
    col_p = jnp.concatenate([col, pad])

    x_p = jnp.pad(x, ((0, NPAD - N), (0, 0)))
    feat_p = jnp.pad(feat, ((0, NPAD - N), (0, 0)))

    row2 = jnp.pad(row_p.reshape(NCHUNKS, SCH),
                   ((0, NCHUNKS_PAD - NCHUNKS), (0, 0)), constant_values=N)
    col2 = jnp.pad(col_p.reshape(NCHUNKS, SCH),
                   ((0, NCHUNKS_PAD - NCHUNKS), (0, 0)), constant_values=N)

    degp = _sc_degree(row_p)
    lin1 = _tc_lin1(x_p, feat_p, W1, b1)
    dis, hs1 = _tc_mk_hs(degp[:NPAD], degp[NPAD:], lin1)

    accs1 = _sc_scatter(hs1, row2, col2)
    hs2 = _tc_combine(accs1[:NPAD], accs1[NPAD:], hs1, dis, W2, b2)

    accs2 = _sc_scatter(hs2, row2, col2)
    finx, soft, finy = _tc_final(accs2[:NPAD], accs2[NPAD:], hs2, dis, Wp, bp, Wq, bq)

    return finx.reshape(-1), soft.reshape(-1), finy.reshape(-1)

# --- scband reference (transcript-rebuilt; emitter-appended) ---
"""Pipeline reference for scband-gcnboard-43164421325166 (READ-ONLY COPY).

The authoritative reference and input builder live on the scoring server;
editing this copy changes nothing except your own understanding.
"""

import jax, jax.numpy as jnp
import numpy as np

N = 10000
E = 320000
NFEAT = 128
NHID = 128
NRES = 32


def _gcn_conv(x, edge_index, W, b, num_nodes):
    # add self loops
    loops = jnp.arange(num_nodes, dtype=edge_index.dtype)
    ei = jnp.concatenate([edge_index, jnp.stack([loops, loops], axis=0)], axis=1)
    # linear
    h = x @ W + b
    row, col = ei[0], ei[1]
    deg = jax.ops.segment_sum(jnp.ones((ei.shape[1],), dtype=h.dtype), row, num_segments=num_nodes)
    deg_inv_sqrt = deg ** -0.5
    deg_inv_sqrt = jnp.where(jnp.isinf(deg_inv_sqrt), 0.0, deg_inv_sqrt)
    norm = deg_inv_sqrt[row] * deg_inv_sqrt[col]
    msgs = norm[:, None] * h[row]
    # aggr='add' at target nodes (col)
    return jax.ops.segment_sum(msgs, col, num_segments=num_nodes)


def setup_inputs(seed: int = 0):
    key = jax.random.key(seed)
    ks = jax.random.split(key, 12)
    x = jax.random.normal(ks[0], (N, 64), dtype=jnp.float32)
    feat = jax.random.normal(ks[1], (N, 64), dtype=jnp.float32)
    edge_index = jax.random.randint(ks[2], (2, E), 0, N)
    s1 = 1.0 / np.sqrt(NFEAT)
    s2 = 1.0 / np.sqrt(NHID)
    W1 = jax.random.uniform(ks[3], (NFEAT, NHID), minval=-s1, maxval=s1, dtype=jnp.float32)
    b1 = jax.random.uniform(ks[4], (NHID,), minval=-s1, maxval=s1, dtype=jnp.float32)
    W2 = jax.random.uniform(ks[5], (NHID, NHID), minval=-s2, maxval=s2, dtype=jnp.float32)
    b2 = jax.random.uniform(ks[6], (NHID,), minval=-s2, maxval=s2, dtype=jnp.float32)
    sp = 1.0 / np.sqrt(NRES + 1)
    Wp = jax.random.uniform(ks[7], (NHID, NRES + 1), minval=-sp, maxval=sp, dtype=jnp.float32)
    bp = jax.random.uniform(ks[8], (NRES + 1,), minval=-sp, maxval=sp, dtype=jnp.float32)
    Wq = jax.random.uniform(ks[9], (NHID, 1), minval=-1.0, maxval=1.0, dtype=jnp.float32)
    bq = jax.random.uniform(ks[10], (1,), minval=-1.0, maxval=1.0, dtype=jnp.float32)
    return {"x": x, "feat": feat, "edge_index": edge_index, "W1": W1, "b1": b1, "W2": W2, "b2": b2, "Wp": Wp, "bp": bp, "Wq": Wq, "bq": bq}


def reference(x, feat, edge_index, W1, b1, W2, b2, Wp, bp, Wq, bq):
    h = jnp.concatenate([x, feat], axis=-1)
    h = jnp.squeeze(h)
    n = h.shape[0]
    h = jax.nn.relu(_gcn_conv(h, edge_index, W1, b1, n))
    # dropout p=0.0 -> identity
    h = jax.nn.relu(_gcn_conv(h, edge_index, W2, b2, n))
    # dropout p=0.0 -> identity
    g = jnp.max(h, axis=-2)
    finx = g @ Wp + bp
    finy = g @ Wq + bq
    return (finx, jax.nn.softmax(finx, axis=0), finy)

if __name__ == "__main__":
    import jax
    _d = setup_inputs()
    print(jax.jit(kernel)(*tuple(_d.values())))

</pallas_src>

<mosaic_0001>
#map = affine_map<(d0, d1) -> (0)>
#map1 = affine_map<(d0, d1) -> (0, 0)>
module attributes {stable_mosaic.version = 14 : i64} {
  func.func @_sc_degree(%arg0: i32, %arg1: i32, %arg2: memref<327680xi32, #tpu.memory_space<hbm>>, %arg3: memref<20480x128xf32, #tpu.memory_space<hbm>>, %arg4: memref<10240x128xf32, #tpu.memory_space<vmem_shared>>, %arg5: memref<128xi32, #tpu.memory_space<vmem>>, %arg6: memref<128x128xf32, #tpu.memory_space<vmem>>, %arg7: memref<16x128xf32, #tpu.memory_space<vmem>>) attributes {dimension_semantics = [#tpu.dimension_semantics<core_parallel>, #tpu.dimension_semantics<subcore_parallel>], iteration_bounds = array<i64: 2, 16>, scalar_prefetch = 0 : i64, scratch_operands = 4 : i64, tpu.core_type = #tpu.core_type<sc_vector_subcore>, window_params = [{transform_indices = #map}, {transform_indices = #map1}]} {
    %mul3A = arith.constant 16 : i32
    %mul3A_0 = arith.muli %arg0, %mul3A : i32
    %add3A = arith.addi %mul3A_0, %arg1 : i32
    %broadcast_in_dim3A = arith.constant 0.000000e+00 : f32
    %broadcast_in_dim3A_1 = vector.broadcast %broadcast_in_dim3A : f32 to vector<16xf32>
    %broadcast_in_dim3A_2 = arith.constant 1.000000e+00 : f32
    %broadcast_in_dim3A_3 = vector.broadcast %broadcast_in_dim3A_2 : f32 to vector<16xf32>
    %scan3A = arith.constant 0 : i32
    %scan3A_4 = arith.constant 16 : i32
    %scan3A_5 = arith.addi %scan3A, %scan3A_4 : i32
    %scan3A_6 = arith.constant 1 : i32
    scf.for %scan3A_33 = %scan3A to %scan3A_5 step %scan3A_6  : i32 {
      %mul3A_34 = arith.constant 1 : i32
      %mul3A_35 = arith.muli %scan3A_33, %mul3A_34 : i32
      %add3A_36 = arith.constant 0 : i32
      %add3A_37 = arith.addi %add3A_36, %mul3A_35 : i32
      %swap3A = arith.index_cast %add3A_37 : i32 to index
      %swap3A_38 = arith.constant 0 : index
      %swap3A_39 = tpu.vector_load %arg7[%swap3A, %swap3A_38] {strides = array<i32>} : memref<16x128xf32, #tpu.memory_space<vmem>>, vector<1x16xf32>,
      %swap3A_40 = vector.shape_cast %swap3A_39 : vector<1x16xf32> to vector<16xf32>
      %swap3A_41 = vector.shape_cast %broadcast_in_dim3A_1 : vector<16xf32> to vector<1x16xf32>
      tpu.vector_store %arg7[%swap3A, %swap3A_38], %swap3A_41 {strides = array<i32>} : memref<16x128xf32, #tpu.memory_space<vmem>>, vector<1x16xf32>,
      %swap3A_42 = arith.index_cast %add3A_37 : i32 to index
      %swap3A_43 = arith.constant 16 : index
      %swap3A_44 = tpu.vector_load %arg7[%swap3A_42, %swap3A_43] {strides = array<i32>} : memref<16x128xf32, #tpu.memory_space<vmem>>, vector<1x16xf32>,
      %swap3A_45 = vector.shape_cast %swap3A_44 : vector<1x16xf32> to vector<16xf32>
      %swap3A_46 = vector.shape_cast %broadcast_in_dim3A_1 : vector<16xf32> to vector<1x16xf32>
      tpu.vector_store %arg7[%swap3A_42, %swap3A_43], %swap3A_46 {strides = array<i32>} : memref<16x128xf32, #tpu.memory_space<vmem>>, vector<1x16xf32>,
      %swap3A_47 = arith.index_cast %add3A_37 : i32 to index
      %swap3A_48 = arith.constant 32 : index
      %swap3A_49 = tpu.vector_load %arg7[%swap3A_47, %swap3A_48] {strides = array<i32>} : memref<16x128xf32, #tpu.memory_space<vmem>>, vector<1x16xf32>,
      %swap3A_50 = vector.shape_cast %swap3A_49 : vector<1x16xf32> to vector<16xf32>
      %swap3A_51 = vector.shape_cast %broadcast_in_dim3A_1 : vector<16xf32> to vector<1x16xf32>
      tpu.vector_store %arg7[%swap3A_47, %swap3A_48], %swap3A_51 {strides = array<i32>} : memref<16x128xf32, #tpu.memory_space<vmem>>, vector<1x16xf32>,
      %swap3A_52 = arith.index_cast %add3A_37 : i32 to index
      %swap3A_53 = arith.constant 48 : index
      %swap3A_54 = tpu.vector_load %arg7[%swap3A_52, %swap3A_53] {strides = array<i32>} : memref<16x128xf32, #tpu.memory_space<vmem>>, vector<1x16xf32>,
      %swap3A_55 = vector.shape_cast %swap3A_54 : vector<1x16xf32> to vector<16xf32>
      %swap3A_56 = vector.shape_cast %broadcast_in_dim3A_1 : vector<16xf32> to vector<1x16xf32>
      tpu.vector_store %arg7[%swap3A_52, %swap3A_53], %swap3A_56 {strides = array<i32>} : memref<16x128xf32, #tpu.memory_space<vmem>>, vector<1x16xf32>,
      %swap3A_57 = arith.index_cast %add3A_37 : i32 to index
      %swap3A_58 = arith.constant 64 : index
      %swap3A_59 = tpu.vector_load %arg7[%swap3A_57, %swap3A_58] {strides = array<i32>} : memref<16x128xf32, #tpu.memory_space<vmem>>, vector<1x16xf32>,
      %swap3A_60 = vector.shape_cast %swap3A_59 : vector<1x16xf32> to vector<16xf32>
      %swap3A_61 = vector.shape_cast %broadcast_in_dim3A_1 : vector<16xf32> to vector<1x16xf32>
      tpu.vector_store %arg7[%swap3A_57, %swap3A_58], %swap3A_61 {strides = array<i32>} : memref<16x128xf32, #tpu.memory_space<vmem>>, vector<1x16xf32>,
      %swap3A_62 = arith.index_cast %add3A_37 : i32 to index
      %swap3A_63 = arith.constant 80 : index
      %swap3A_64 = tpu.vector_load %arg7[%swap3A_62, %swap3A_63] {strides = array<i32>} : memref<16x128xf32, #tpu.memory_space<vmem>>, vector<1x16xf32>,
      %swap3A_65 = vector.shape_cast %swap3A_64 : vector<1x16xf32> to vector<16xf32>
      %swap3A_66 = vector.shape_cast %broadcast_in_dim3A_1 : vector<16xf32> to vector<1x16xf32>
      tpu.vector_store %arg7[%swap3A_62, %swap3A_63], %swap3A_66 {strides = array<i32>} : memref<16x128xf32, #tpu.memory_space<vmem>>, vector<1x16xf32>,
      %swap3A_67 = arith.index_cast %add3A_37 : i32 to index
      %swap3A_68 = arith.constant 96 : index
      %swap3A_69 = tpu.vector_load %arg7[%swap3A_67, %swap3A_68] {strides = array<i32>} : memref<16x128xf32, #tpu.memory_space<vmem>>, vector<1x16xf32>,
      %swap3A_70 = vector.shape_cast %swap3A_69 : vector<1x16xf32> to vector<16xf32>
      %swap3A_71 = vector.shape_cast %broadcast_in_dim3A_1 : vector<16xf32> to vector<1x16xf32>
      tpu.vector_store %arg7[%swap3A_67, %swap3A_68], %swap3A_71 {strides = array<i32>} : memref<16x128xf32, #tpu.memory_space<vmem>>, vector<1x16xf32>,
      %swap3A_72 = arith.index_cast %add3A_37 : i32 to index
      %swap3A_73 = arith.constant 112 : index
      %swap3A_74 = tpu.vector_load %arg7[%swap3A_72, %swap3A_73] {strides = array<i32>} : memref<16x128xf32, #tpu.memory_space<vmem>>, vector<1x16xf32>,
      %swap3A_75 = vector.shape_cast %swap3A_74 : vector<1x16xf32> to vector<16xf32>
      %swap3A_76 = vector.shape_cast %broadcast_in_dim3A_1 : vector<16xf32> to vector<1x16xf32>
      tpu.vector_store %arg7[%swap3A_72, %swap3A_73], %swap3A_76 {strides = array<i32>} : memref<16x128xf32, #tpu.memory_space<vmem>>, vector<1x16xf32>,
    }
    %scan3A_7 = arith.constant 16 : i32
    %scan3A_8 = arith.constant 0 : i32
    %scan3A_9 = arith.constant 128 : i32
    %scan3A_10 = arith.addi %scan3A_8, %scan3A_9 : i32
    %scan3A_11 = arith.constant 1 : i32
    scf.for %scan3A_33 = %scan3A_8 to %scan3A_10 step %scan3A_11  : i32 {
      %mul3A_34 = arith.constant 1 : i32
      %mul3A_35 = arith.muli %scan3A_33, %mul3A_34 : i32
      %add3A_36 = arith.constant 0 : i32
      %add3A_37 = arith.addi %add3A_36, %mul3A_35 : i32
      %swap3A = arith.index_cast %add3A_37 : i32 to index
      %swap3A_38 = arith.constant 0 : index
      %swap3A_39 = tpu.vector_load %arg6[%swap3A, %swap3A_38] {strides = array<i32>} : memref<128x128xf32, #tpu.memory_space<vmem>>, vector<1x16xf32>,
      %swap3A_40 = vector.shape_cast %swap3A_39 : vector<1x16xf32> to vector<16xf32>
      %swap3A_41 = vector.shape_cast %broadcast_in_dim3A_3 : vector<16xf32> to vector<1x16xf32>
      tpu.vector_store %arg6[%swap3A, %swap3A_38], %swap3A_41 {strides = array<i32>} : memref<128x128xf32, #tpu.memory_space<vmem>>, vector<1x16xf32>,
      %swap3A_42 = arith.index_cast %add3A_37 : i32 to index
      %swap3A_43 = arith.constant 16 : index
      %swap3A_44 = tpu.vector_load %arg6[%swap3A_42, %swap3A_43] {strides = array<i32>} : memref<128x128xf32, #tpu.memory_space<vmem>>, vector<1x16xf32>,
      %swap3A_45 = vector.shape_cast %swap3A_44 : vector<1x16xf32> to vector<16xf32>
      %swap3A_46 = vector.shape_cast %broadcast_in_dim3A_3 : vector<16xf32> to vector<1x16xf32>
      tpu.vector_store %arg6[%swap3A_42, %swap3A_43], %swap3A_46 {strides = array<i32>} : memref<128x128xf32, #tpu.memory_space<vmem>>, vector<1x16xf32>,
      %swap3A_47 = arith.index_cast %add3A_37 : i32 to index
      %swap3A_48 = arith.constant 32 : index
      %swap3A_49 = tpu.vector_load %arg6[%swap3A_47, %swap3A_48] {strides = array<i32>} : memref<128x128xf32, #tpu.memory_space<vmem>>, vector<1x16xf32>,
      %swap3A_50 = vector.shape_cast %swap3A_49 : vector<1x16xf32> to vector<16xf32>
      %swap3A_51 = vector.shape_cast %broadcast_in_dim3A_3 : vector<16xf32> to vector<1x16xf32>
      tpu.vector_store %arg6[%swap3A_47, %swap3A_48], %swap3A_51 {strides = array<i32>} : memref<128x128xf32, #tpu.memory_space<vmem>>, vector<1x16xf32>,
      %swap3A_52 = arith.index_cast %add3A_37 : i32 to index
      %swap3A_53 = arith.constant 48 : index
      %swap3A_54 = tpu.vector_load %arg6[%swap3A_52, %swap3A_53] {strides = array<i32>} : memref<128x128xf32, #tpu.memory_space<vmem>>, vector<1x16xf32>,
      %swap3A_55 = vector.shape_cast %swap3A_54 : vector<1x16xf32> to vector<16xf32>
      %swap3A_56 = vector.shape_cast %broadcast_in_dim3A_3 : vector<16xf32> to vector<1x16xf32>
      tpu.vector_store %arg6[%swap3A_52, %swap3A_53], %swap3A_56 {strides = array<i32>} : memref<128x128xf32, #tpu.memory_space<vmem>>, vector<1x16xf32>,
      %swap3A_57 = arith.index_cast %add3A_37 : i32 to index
      %swap3A_58 = arith.constant 64 : index
      %swap3A_59 = tpu.vector_load %arg6[%swap3A_57, %swap3A_58] {strides = array<i32>} : memref<128x128xf32, #tpu.memory_space<vmem>>, vector<1x16xf32>,
      %swap3A_60 = vector.shape_cast %swap3A_59 : vector<1x16xf32> to vector<16xf32>
      %swap3A_61 = vector.shape_cast %broadcast_in_dim3A_3 : vector<16xf32> to vector<1x16xf32>
      tpu.vector_store %arg6[%swap3A_57, %swap3A_58], %swap3A_61 {strides = array<i32>} : memref<128x128xf32, #tpu.memory_space<vmem>>, vector<1x16xf32>,
      %swap3A_62 = arith.index_cast %add3A_37 : i32 to index
      %swap3A_63 = arith.constant 80 : index
      %swap3A_64 = tpu.vector_load %arg6[%swap3A_62, %swap3A_63] {strides = array<i32>} : memref<128x128xf32, #tpu.memory_space<vmem>>, vector<1x16xf32>,
      %swap3A_65 = vector.shape_cast %swap3A_64 : vector<1x16xf32> to vector<16xf32>
      %swap3A_66 = vector.shape_cast %broadcast_in_dim3A_3 : vector<16xf32> to vector<1x16xf32>
      tpu.vector_store %arg6[%swap3A_62, %swap3A_63], %swap3A_66 {strides = array<i32>} : memref<128x128xf32, #tpu.memory_space<vmem>>, vector<1x16xf32>,
      %swap3A_67 = arith.index_cast %add3A_37 : i32 to index
      %swap3A_68 = arith.constant 96 : index
      %swap3A_69 = tpu.vector_load %arg6[%swap3A_67, %swap3A_68] {strides = array<i32>} : memref<128x128xf32, #tpu.memory_space<vmem>>, vector<1x16xf32>,
      %swap3A_70 = vector.shape_cast %swap3A_69 : vector<1x16xf32> to vector<16xf32>
      %swap3A_71 = vector.shape_cast %broadcast_in_dim3A_3 : vector<16xf32> to vector<1x16xf32>
      tpu.vector_store %arg6[%swap3A_67, %swap3A_68], %swap3A_71 {strides = array<i32>} : memref<128x128xf32, #tpu.memory_space<vmem>>, vector<1x16xf32>,
      %swap3A_72 = arith.index_cast %add3A_37 : i32 to index
      %swap3A_73 = arith.constant 112 : index
      %swap3A_74 = tpu.vector_load %arg6[%swap3A_72, %swap3A_73] {strides = array<i32>} : memref<128x128xf32, #tpu.memory_space<vmem>>, vector<1x16xf32>,
      %swap3A_75 = vector.shape_cast %swap3A_74 : vector<1x16xf32> to vector<16xf32>
      %swap3A_76 = vector.shape_cast %broadcast_in_dim3A_3 : vector<16xf32> to vector<1x16xf32>
      tpu.vector_store %arg6[%swap3A_72, %swap3A_73], %swap3A_76 {strides = array<i32>} : memref<128x128xf32, #tpu.memory_space<vmem>>, vector<1x16xf32>,
    }
    %scan3A_12 = arith.constant 128 : i32
    %scan3A_13 = arith.constant 0 : i32
    %scan3A_14 = arith.constant 40 : i32
    %scan3A_15 = arith.addi %scan3A_13, %scan3A_14 : i32
    %scan3A_16 = arith.constant 1 : i32
    scf.for %scan3A_33 = %scan3A_13 to %scan3A_15 step %scan3A_16  : i32 {
      %mul3A_34 = arith.constant 1 : i32
      %mul3A_35 = arith.muli %scan3A_33, %mul3A_34 : i32
      %add3A_36 = arith.constant 0 : i32
      %add3A_37 = arith.addi %add3A_36, %mul3A_35 : i32
      %mul3A_38 = arith.constant 640 : i32
      %mul3A_39 = arith.muli %arg1, %mul3A_38 : i32
      %mul3A_40 = arith.constant 16 : i32
      %mul3A_41 = arith.muli %add3A_37, %mul3A_40 : i32
      %add3A_42 = arith.addi %mul3A_39, %mul3A_41 : i32
      "tpu.region"() ({
        %run_scoped3A = tpu.sem_alloc : memref<!tpu.dma_semaphore, #tpu.memory_space<semaphore_mem>>
        %dma_start3A = arith.constant 0 : i32
        %dma_start3A_43 = tpu.memref_slice %arg4[%add3A_42, %dma_start3A] : memref<10240x128xf32, #tpu.memory_space<vmem_shared>> -> memref<16x128xf32, #tpu.memory_space<vmem_shared>>
        %dma_start3A_44 = arith.constant 0 : i32
        %dma_start3A_45 = tpu.memref_slice %arg4[%add3A_42, %dma_start3A_44] : memref<10240x128xf32, #tpu.memory_space<vmem_shared>> -> memref<16x128xf32, #tpu.memory_space<vmem_shared>>
        tpu.enqueue_dma source(%arg7 : memref<16x128xf32, #tpu.memory_space<vmem>>) target(%dma_start3A_45 : memref<16x128xf32, #tpu.memory_space<vmem_shared>>) target_semaphore(%run_scoped3A : memref<!tpu.dma_semaphore, #tpu.memory_space<semaphore_mem>>)
        %dma_wait3A = arith.constant 0 : i32
        %dma_wait3A_46 = tpu.memref_slice %arg4[%add3A_42, %dma_wait3A] : memref<10240x128xf32, #tpu.memory_space<vmem_shared>> -> memref<16x128xf32, #tpu.memory_space<vmem_shared>>
        %dma_wait3A_47 = arith.constant 0 : i32
        %dma_wait3A_48 = tpu.memref_slice %arg4[%add3A_42, %dma_wait3A_47] : memref<10240x128xf32, #tpu.memory_space<vmem_shared>> -> memref<16x128xf32, #tpu.memory_space<vmem_shared>>
        tpu.wait_dma2 semaphore(%run_scoped3A : memref<!tpu.dma_semaphore, #tpu.memory_space<semaphore_mem>>) src(%arg7 : memref<16x128xf32, #tpu.memory_space<vmem>>) dst(%dma_wait3A_48 : memref<16x128xf32, #tpu.memory_space<vmem_shared>>)
        tpu.yield
      }) : () -> ()
    }
    %scan3A_17 = arith.constant 40 : i32
    %barrier3A = arith.constant 0 : index
    tpu.barrier barrier_id(%barrier3A)
    %mul3A_18 = arith.constant 10240 : i32
    %mul3A_19 = arith.muli %add3A, %mul3A_18 : i32
    %scan3A_20 = arith.constant 0 : i32
    %scan3A_21 = arith.constant 80 : i32
    %scan3A_22 = arith.addi %scan3A_20, %scan3A_21 : i32
    %scan3A_23 = arith.constant 1 : i32
    scf.for %scan3A_33 = %scan3A_20 to %scan3A_22 step %scan3A_23  : i32 {
      %mul3A_34 = arith.constant 1 : i32
      %mul3A_35 = arith.muli %scan3A_33, %mul3A_34 : i32
      %add3A_36 = arith.constant 0 : i32
      %add3A_37 = arith.addi %add3A_36, %mul3A_35 : i32
      %mul3A_38 = arith.constant 128 : i32
      %mul3A_39 = arith.muli %add3A_37, %mul3A_38 : i32
      %add3A_40 = arith.addi %mul3A_19, %mul3A_39 : i32
      "tpu.region"() ({
        %run_scoped3A = tpu.sem_alloc : memref<!tpu.dma_semaphore, #tpu.memory_space<semaphore_mem>>
        %dma_start3A = tpu.memref_slice %arg2[%add3A_40] : memref<327680xi32, #tpu.memory_space<hbm>> -> memref<128xi32, #tpu.memory_space<hbm>>
        %dma_start3A_41 = tpu.memref_slice %arg2[%add3A_40] : memref<327680xi32, #tpu.memory_space<hbm>> -> memref<128xi32, #tpu.memory_space<hbm>>
        tpu.enqueue_dma source(%dma_start3A_41 : memref<128xi32, #tpu.memory_space<hbm>>) target(%arg5 : memref<128xi32, #tpu.memory_space<vmem>>) target_semaphore(%run_scoped3A : memref<!tpu.dma_semaphore, #tpu.memory_space<semaphore_mem>>)
        %dma_wait3A = tpu.memref_slice %arg2[%add3A_40] : memref<327680xi32, #tpu.memory_space<hbm>> -> memref<128xi32, #tpu.memory_space<hbm>>
        %dma_wait3A_42 = tpu.memref_slice %arg2[%add3A_40] : memref<327680xi32, #tpu.memory_space<hbm>> -> memref<128xi32, #tpu.memory_space<hbm>>
        tpu.wait_dma2 semaphore(%run_scoped3A : memref<!tpu.dma_semaphore, #tpu.memory_space<semaphore_mem>>) src(%dma_wait3A_42 : memref<128xi32, #tpu.memory_space<hbm>>) dst(%arg5 : memref<128xi32, #tpu.memory_space<vmem>>)
        tpu.yield
      }) : () -> ()
      "tpu.region"() ({
        %run_scoped3A = tpu.sem_alloc : memref<!tpu.dma_semaphore, #tpu.memory_space<semaphore_mem>>
        %dma_start3A = arith.constant 0 : i32
        %dma_start3A_41 = arith.constant 0 : i32
        %dma_start3A_42 = tpu.memref_slice %arg4[%dma_start3A, %dma_start3A_41] : memref<10240x128xf32, #tpu.memory_space<vmem_shared>> -> memref<10240x128xf32, #tpu.memory_space<vmem_shared>>
        tpu.enqueue_indirect_dma source(%arg6 : memref<128x128xf32, #tpu.memory_space<vmem>>) target(%dma_start3A_42 : memref<10240x128xf32, #tpu.memory_space<vmem_shared>>) offsets(%arg5 : memref<128xi32, #tpu.memory_space<vmem>>) semaphore(%run_scoped3A : memref<!tpu.dma_semaphore, #tpu.memory_space<semaphore_mem>>) {add = true}
        %dma_wait3A = arith.constant 0 : i32
        %dma_wait3A_43 = arith.constant 0 : i32
        %dma_wait3A_44 = tpu.memref_slice %arg4[%dma_wait3A, %dma_wait3A_43] : memref<10240x128xf32, #tpu.memory_space<vmem_shared>> -> memref<10240x128xf32, #tpu.memory_space<vmem_shared>>
        tpu.wait_indirect_dma semaphore(%run_scoped3A : memref<!tpu.dma_semaphore, #tpu.memory_space<semaphore_mem>>) src(%arg6 : memref<128x128xf32, #tpu.memory_space<vmem>>) dst(%dma_wait3A_44 : memref<10240x128xf32, #tpu.memory_space<vmem_shared>>)
        tpu.yield
      }) : () -> ()
    }
    %scan3A_24 = arith.constant 80 : i32
    %barrier3A_25 = arith.constant 0 : index
    tpu.barrier barrier_id(%barrier3A_25)
    %mul3A_26 = arith.constant 640 : i32
    %mul3A_27 = arith.muli %arg1, %mul3A_26 : i32
    %mul3A_28 = arith.constant 10240 : i32
    %mul3A_29 = arith.muli %arg0, %mul3A_28 : i32
    %mul3A_30 = arith.constant 640 : i32
    %mul3A_31 = arith.muli %arg1, %mul3A_30 : i32
    %add3A_32 = arith.addi %mul3A_29, %mul3A_31 : i32
    "tpu.region"() ({
      %run_scoped3A = tpu.sem_alloc : memref<!tpu.dma_semaphore, #tpu.memory_space<semaphore_mem>>
      %dma_start3A = arith.constant 0 : i32
      %dma_start3A_33 = tpu.memref_slice %arg3[%add3A_32, %dma_start3A] : memref<20480x128xf32, #tpu.memory_space<hbm>> -> memref<640x128xf32, #tpu.memory_space<hbm>>
      %dma_start3A_34 = arith.constant 0 : i32
      %dma_start3A_35 = tpu.memref_slice %arg4[%mul3A_27, %dma_start3A_34] : memref<10240x128xf32, #tpu.memory_space<vmem_shared>> -> memref<640x128xf32, #tpu.memory_space<vmem_shared>>
      tpu.enqueue_dma source(%dma_start3A_35 : memref<640x128xf32, #tpu.memory_space<vmem_shared>>) target(%dma_start3A_33 : memref<640x128xf32, #tpu.memory_space<hbm>>) target_semaphore(%run_scoped3A : memref<!tpu.dma_semaphore, #tpu.memory_space<semaphore_mem>>)
      %dma_wait3A = arith.constant 0 : i32
      %dma_wait3A_36 = tpu.memref_slice %arg3[%add3A_32, %dma_wait3A] : memref<20480x128xf32, #tpu.memory_space<hbm>> -> memref<640x128xf32, #tpu.memory_space<hbm>>
      %dma_wait3A_37 = arith.constant 0 : i32
      %dma_wait3A_38 = tpu.memref_slice %arg4[%mul3A_27, %dma_wait3A_37] : memref<10240x128xf32, #tpu.memory_space<vmem_shared>> -> memref<640x128xf32, #tpu.memory_space<vmem_shared>>
      tpu.wait_dma2 semaphore(%run_scoped3A : memref<!tpu.dma_semaphore, #tpu.memory_space<semaphore_mem>>) src(%dma_wait3A_38 : memref<640x128xf32, #tpu.memory_space<vmem_shared>>) dst(%dma_wait3A_36 : memref<640x128xf32, #tpu.memory_space<hbm>>)
      tpu.yield
    }) : () -> ()
    return
  }
}

#map = affine_map<(d0, d1) -> (0, 0)>
module attributes {stable_mosaic.version = 14 : i64} {
  func.func @_sc_scatter(%arg0: i32, %arg1: i32, %arg2: memref<10240x128xf32, #tpu.memory_space<hbm>>, %arg3: memref<2688x128xi32, #tpu.memory_space<hbm>>, %arg4: memref<2688x128xi32, #tpu.memory_space<hbm>>, %arg5: memref<20480x128xf32, #tpu.memory_space<hbm>>, %arg6: memref<10240x128xf32, #tpu.memory_space<vmem_shared>>, %arg7: memref<120x128xi32, #tpu.memory_space<vmem>>, %arg8: memref<2x128x128xf32, #tpu.memory_space<vmem>>, %arg9: memref<2x128xi32, #tpu.memory_space<vmem>>, %arg10: memref<!tpu.dma_semaphore, #tpu.memory_space<semaphore_mem>>, %arg11: memref<!tpu.dma_semaphore, #tpu.memory_space<semaphore_mem>>, %arg12: memref<!tpu.dma_semaphore, #tpu.memory_space<semaphore_mem>>, %arg13: memref<!tpu.dma_semaphore, #tpu.memory_space<semaphore_mem>>, %arg14: memref<!tpu.dma_semaphore, #tpu.memory_space<semaphore_mem>>, %arg15: memref<!tpu.dma_semaphore, #tpu.memory_space<semaphore_mem>>, %arg16: memref<!tpu.dma_semaphore, #tpu.memory_space<semaphore_mem>>, %arg17: memref<!tpu.dma_semaphore, #tpu.memory_space<semaphore_mem>>, %arg18: memref<!tpu.dma_semaphore, #tpu.memory_space<semaphore_mem>>, %arg19: memref<!tpu.dma_semaphore, #tpu.memory_space<semaphore_mem>>) attributes {dimension_semantics = [#tpu.dimension_semantics<core_parallel>, #tpu.dimension_semantics<subcore_parallel>], iteration_bounds = array<i64: 2, 16>, scalar_prefetch = 0 : i64, scratch_operands = 14 : i64, tpu.core_type = #tpu.core_type<sc_vector_subcore>, window_params = [{transform_indices = #map}, {transform_indices = #map}, {transform_indices = #map}, {transform_indices = #map}]} {
    %broadcast_in_dim3A = arith.constant 0.000000e+00 : f32
    %broadcast_in_dim3A_0 = vector.broadcast %broadcast_in_dim3A : f32 to vector<16xf32>
    %eq3A = arith.constant 0 : i32
    %eq3A_1 = arith.cmpi eq, %arg0, %eq3A : i32
    %mul3A = arith.constant 120 : i32
    %mul3A_2 = arith.muli %arg1, %mul3A : i32
    %mul3A_3 = arith.constant 40 : i32
    %mul3A_4 = arith.muli %arg1, %mul3A_3 : i32
    %add3A = arith.constant 1920 : i32
    %add3A_5 = arith.addi %add3A, %mul3A_4 : i32
    %select_n3A = arith.select %eq3A_1, %mul3A_2, %add3A_5 : i32
    %eq3A_6 = arith.constant 0 : i32
    %eq3A_7 = arith.cmpi eq, %arg0, %eq3A_6 : i32
    %jit3A = arith.constant 120 : i32
    %jit3A_8 = arith.constant 40 : i32
    %select_n3A_9 = arith.select %eq3A_7, %jit3A, %jit3A_8 : i32
    %dma_start3A = arith.constant 0 : i32
    %dma_start3A_10 = tpu.memref_slice %arg3[%select_n3A, %dma_start3A] : memref<2688x128xi32, #tpu.memory_space<hbm>> -> memref<120x128xi32, #tpu.memory_space<hbm>>
    %dma_start3A_11 = arith.constant 0 : i32
    %dma_start3A_12 = tpu.memref_slice %arg3[%select_n3A, %dma_start3A_11] : memref<2688x128xi32, #tpu.memory_space<hbm>> -> memref<120x128xi32, #tpu.memory_space<hbm>>
    tpu.enqueue_dma source(%dma_start3A_12 : memref<120x128xi32, #tpu.memory_space<hbm>>) target(%arg7 : memref<120x128xi32, #tpu.memory_space<vmem>>) target_semaphore(%arg10 : memref<!tpu.dma_semaphore, #tpu.memory_space<semaphore_mem>>)
    %scan3A = arith.constant 0 : i32
    %scan3A_13 = arith.constant 128 : i32
    %scan3A_14 = arith.addi %scan3A, %scan3A_13 : i32
    %scan3A_15 = arith.constant 1 : i32
    scf.for %scan3A_101 = %scan3A to %scan3A_14 step %scan3A_15  : i32 {
      %mul3A_102 = arith.constant 1 : i32
      %mul3A_103 = arith.muli %scan3A_101, %mul3A_102 : i32
      %add3A_104 = arith.constant 0 : i32
      %add3A_105 = arith.addi %add3A_104, %mul3A_103 : i32
      %swap3A = arith.constant 0 : i32
      %swap3A_106 = arith.index_cast %swap3A : i32 to index
      %swap3A_107 = arith.index_cast %add3A_105 : i32 to index
      %swap3A_108 = arith.constant 0 : index
      %swap3A_109 = tpu.vector_load %arg8[%swap3A_106, %swap3A_107, %swap3A_108] {strides = array<i32>} : memref<2x128x128xf32, #tpu.memory_space<vmem>>, vector<1x1x16xf32>,
      %swap3A_110 = vector.shape_cast %swap3A_109 : vector<1x1x16xf32> to vector<16xf32>
      %swap3A_111 = vector.shape_cast %broadcast_in_dim3A_0 : vector<16xf32> to vector<1x1x16xf32>
      tpu.vector_store %arg8[%swap3A_106, %swap3A_107, %swap3A_108], %swap3A_111 {strides = array<i32>} : memref<2x128x128xf32, #tpu.memory_space<vmem>>, vector<1x1x16xf32>,
      %swap3A_112 = arith.constant 0 : i32
      %swap3A_113 = arith.index_cast %swap3A_112 : i32 to index
      %swap3A_114 = arith.index_cast %add3A_105 : i32 to index
      %swap3A_115 = arith.constant 16 : index
      %swap3A_116 = tpu.vector_load %arg8[%swap3A_113, %swap3A_114, %swap3A_115] {strides = array<i32>} : memref<2x128x128xf32, #tpu.memory_space<vmem>>, vector<1x1x16xf32>,
      %swap3A_117 = vector.shape_cast %swap3A_116 : vector<1x1x16xf32> to vector<16xf32>
      %swap3A_118 = vector.shape_cast %broadcast_in_dim3A_0 : vector<16xf32> to vector<1x1x16xf32>
      tpu.vector_store %arg8[%swap3A_113, %swap3A_114, %swap3A_115], %swap3A_118 {strides = array<i32>} : memref<2x128x128xf32, #tpu.memory_space<vmem>>, vector<1x1x16xf32>,
      %swap3A_119 = arith.constant 0 : i32
      %swap3A_120 = arith.index_cast %swap3A_119 : i32 to index
      %swap3A_121 = arith.index_cast %add3A_105 : i32 to index
      %swap3A_122 = arith.constant 32 : index
      %swap3A_123 = tpu.vector_load %arg8[%swap3A_120, %swap3A_121, %swap3A_122] {strides = array<i32>} : memref<2x128x128xf32, #tpu.memory_space<vmem>>, vector<1x1x16xf32>,
      %swap3A_124 = vector.shape_cast %swap3A_123 : vector<1x1x16xf32> to vector<16xf32>
      %swap3A_125 = vector.shape_cast %broadcast_in_dim3A_0 : vector<16xf32> to vector<1x1x16xf32>
      tpu.vector_store %arg8[%swap3A_120, %swap3A_121, %swap3A_122], %swap3A_125 {strides = array<i32>} : memref<2x128x128xf32, #tpu.memory_space<vmem>>, vector<1x1x16xf32>,
      %swap3A_126 = arith.constant 0 : i32
      %swap3A_127 = arith.index_cast %swap3A_126 : i32 to index
      %swap3A_128 = arith.index_cast %add3A_105 : i32 to index
      %swap3A_129 = arith.constant 48 : index
      %swap3A_130 = tpu.vector_load %arg8[%swap3A_127, %swap3A_128, %swap3A_129] {strides = array<i32>} : memref<2x128x128xf32, #tpu.memory_space<vmem>>, vector<1x1x16xf32>,
      %swap3A_131 = vector.shape_cast %swap3A_130 : vector<1x1x16xf32> to vector<16xf32>
      %swap3A_132 = vector.shape_cast %broadcast_in_dim3A_0 : vector<16xf32> to vector<1x1x16xf32>
      tpu.vector_store %arg8[%swap3A_127, %swap3A_128, %swap3A_129], %swap3A_132 {strides = array<i32>} : memref<2x128x128xf32, #tpu.memory_space<vmem>>, vector<1x1x16xf32>,
      %swap3A_133 = arith.constant 0 : i32
      %swap3A_134 = arith.index_cast %swap3A_133 : i32 to index
      %swap3A_135 = arith.index_cast %add3A_105 : i32 to index
      %swap3A_136 = arith.constant 64 : index
      %swap3A_137 = tpu.vector_load %arg8[%swap3A_134, %swap3A_135, %swap3A_136] {strides = array<i32>} : memref<2x128x128xf32, #tpu.memory_space<vmem>>, vector<1x1x16xf32>,
      %swap3A_138 = vector.shape_cast %swap3A_137 : vector<1x1x16xf32> to vector<16xf32>
      %swap3A_139 = vector.shape_cast %broadcast_in_dim3A_0 : vector<16xf32> to vector<1x1x16xf32>
      tpu.vector_store %arg8[%swap3A_134, %swap3A_135, %swap3A_136], %swap3A_139 {strides = array<i32>} : memref<2x128x128xf32, #tpu.memory_space<vmem>>, vector<1x1x16xf32>,
      %swap3A_140 = arith.constant 0 : i32
      %swap3A_141 = arith.index_cast %swap3A_140 : i32 to index
      %swap3A_142 = arith.index_cast %add3A_105 : i32 to index
      %swap3A_143 = arith.constant 80 : index
      %swap3A_144 = tpu.vector_load %arg8[%swap3A_141, %swap3A_142, %swap3A_143] {strides = array<i32>} : memref<2x128x128xf32, #tpu.memory_space<vmem>>, vector<1x1x16xf32>,
      %swap3A_145 = vector.shape_cast %swap3A_144 : vector<1x1x16xf32> to vector<16xf32>
      %swap3A_146 = vector.shape_cast %broadcast_in_dim3A_0 : vector<16xf32> to vector<1x1x16xf32>
      tpu.vector_store %arg8[%swap3A_141, %swap3A_142, %swap3A_143], %swap3A_146 {strides = array<i32>} : memref<2x128x128xf32, #tpu.memory_space<vmem>>, vector<1x1x16xf32>,
      %swap3A_147 = arith.constant 0 : i32
      %swap3A_148 = arith.index_cast %swap3A_147 : i32 to index
      %swap3A_149 = arith.index_cast %add3A_105 : i32 to index
      %swap3A_150 = arith.constant 96 : index
      %swap3A_151 = tpu.vector_load %arg8[%swap3A_148, %swap3A_149, %swap3A_150] {strides = array<i32>} : memref<2x128x128xf32, #tpu.memory_space<vmem>>, vector<1x1x16xf32>,
      %swap3A_152 = vector.shape_cast %swap3A_151 : vector<1x1x16xf32> to vector<16xf32>
      %swap3A_153 = vector.shape_cast %broadcast_in_dim3A_0 : vector<16xf32> to vector<1x1x16xf32>
      tpu.vector_store %arg8[%swap3A_148, %swap3A_149, %swap3A_150], %swap3A_153 {strides = array<i32>} : memref<2x128x128xf32, #tpu.memory_space<vmem>>, vector<1x1x16xf32>,
      %swap3A_154 = arith.constant 0 : i32
      %swap3A_155 = arith.index_cast %swap3A_154 : i32 to index
      %swap3A_156 = arith.index_cast %add3A_105 : i32 to index
      %swap3A_157 = arith.constant 112 : index
      %swap3A_158 = tpu.vector_load %arg8[%swap3A_155, %swap3A_156, %swap3A_157] {strides = array<i32>} : memref<2x128x128xf32, #tpu.memory_space<vmem>>, vector<1x1x16xf32>,
      %swap3A_159 = vector.shape_cast %swap3A_158 : vector<1x1x16xf32> to vector<16xf32>
      %swap3A_160 = vector.shape_cast %broadcast_in_dim3A_0 : vector<16xf32> to vector<1x1x16xf32>
      tpu.vector_store %arg8[%swap3A_155, %swap3A_156, %swap3A_157], %swap3A_160 {strides = array<i32>} : memref<2x128x128xf32, #tpu.memory_space<vmem>>, vector<1x1x16xf32>,
    }
    %scan3A_16 = arith.constant 128 : i32
    %scan3A_17 = arith.constant 0 : i32
    %scan3A_18 = arith.constant 5 : i32
    %scan3A_19 = arith.addi %scan3A_17, %scan3A_18 : i32
    %scan3A_20 = arith.constant 1 : i32
    scf.for %scan3A_101 = %scan3A_17 to %scan3A_19 step %scan3A_20  : i32 {
      %mul3A_102 = arith.constant 1 : i32
      %mul3A_103 = arith.muli %scan3A_101, %mul3A_102 : i32
      %add3A_104 = arith.constant 0 : i32
      %add3A_105 = arith.addi %add3A_104, %mul3A_103 : i32
      %mul3A_106 = arith.constant 640 : i32
      %mul3A_107 = arith.muli %arg1, %mul3A_106 : i32
      %mul3A_108 = arith.constant 128 : i32
      %mul3A_109 = arith.muli %add3A_105, %mul3A_108 : i32
      %add3A_110 = arith.addi %mul3A_107, %mul3A_109 : i32
      %run_scoped3A = arith.constant 0 : i32
      "tpu.region"() ({
        %run_scoped3A_111 = tpu.sem_alloc : memref<!tpu.dma_semaphore, #tpu.memory_space<semaphore_mem>>
        %dma_start3A_112 = arith.constant 0 : i32
        %dma_start3A_113 = arith.constant 0 : i32
        %dma_start3A_114 = tpu.memref_slice %arg8[%run_scoped3A, %dma_start3A_112, %dma_start3A_113] : memref<2x128x128xf32, #tpu.memory_space<vmem>> -> memref<1x128x128xf32, #tpu.memory_space<vmem>>
        %dma_start3A_115 = tpu.memref_squeeze %dma_start3A_114 : memref<1x128x128xf32, #tpu.memory_space<vmem>> -> memref<128x128xf32, #tpu.memory_space<vmem>>
        %dma_start3A_116 = arith.constant 0 : i32
        %dma_start3A_117 = tpu.memref_slice %arg6[%add3A_110, %dma_start3A_116] : memref<10240x128xf32, #tpu.memory_space<vmem_shared>> -> memref<128x128xf32, #tpu.memory_space<vmem_shared>>
        %dma_start3A_118 = arith.constant 0 : i32
        %dma_start3A_119 = tpu.memref_slice %arg6[%add3A_110, %dma_start3A_118] : memref<10240x128xf32, #tpu.memory_space<vmem_shared>> -> memref<128x128xf32, #tpu.memory_space<vmem_shared>>
        %dma_start3A_120 = arith.constant 0 : i32
        %dma_start3A_121 = arith.constant 0 : i32
        %dma_start3A_122 = tpu.memref_slice %arg8[%run_scoped3A, %dma_start3A_120, %dma_start3A_121] : memref<2x128x128xf32, #tpu.memory_space<vmem>> -> memref<1x128x128xf32, #tpu.memory_space<vmem>>
        %dma_start3A_123 = tpu.memref_squeeze %dma_start3A_122 : memref<1x128x128xf32, #tpu.memory_space<vmem>> -> memref<128x128xf32, #tpu.memory_space<vmem>>
        tpu.enqueue_dma source(%dma_start3A_123 : memref<128x128xf32, #tpu.memory_space<vmem>>) target(%dma_start3A_119 : memref<128x128xf32, #tpu.memory_space<vmem_shared>>) target_semaphore(%run_scoped3A_111 : memref<!tpu.dma_semaphore, #tpu.memory_space<semaphore_mem>>)
        %dma_wait3A_124 = arith.constant 0 : i32
        %dma_wait3A_125 = arith.constant 0 : i32
        %dma_wait3A_126 = tpu.memref_slice %arg8[%run_scoped3A, %dma_wait3A_124, %dma_wait3A_125] : memref<2x128x128xf32, #tpu.memory_space<vmem>> -> memref<1x128x128xf32, #tpu.memory_space<vmem>>
        %dma_wait3A_127 = tpu.memref_squeeze %dma_wait3A_126 : memref<1x128x128xf32, #tpu.memory_space<vmem>> -> memref<128x128xf32, #tpu.memory_space<vmem>>
        %dma_wait3A_128 = arith.constant 0 : i32
        %dma_wait3A_129 = tpu.memref_slice %arg6[%add3A_110, %dma_wait3A_128] : memref<10240x128xf32, #tpu.memory_space<vmem_shared>> -> memref<128x128xf32, #tpu.memory_space<vmem_shared>>
        %dma_wait3A_130 = arith.constant 0 : i32
        %dma_wait3A_131 = tpu.memref_slice %arg6[%add3A_110, %dma_wait3A_130] : memref<10240x128xf32, #tpu.memory_space<vmem_shared>> -> memref<128x128xf32, #tpu.memory_space<vmem_shared>>
        %dma_wait3A_132 = arith.constant 0 : i32
        %dma_wait3A_133 = arith.constant 0 : i32
        %dma_wait3A_134 = tpu.memref_slice %arg8[%run_scoped3A, %dma_wait3A_132, %dma_wait3A_133] : memref<2x128x128xf32, #tpu.memory_space<vmem>> -> memref<1x128x128xf32, #tpu.memory_space<vmem>>
        %dma_wait3A_135 = tpu.memref_squeeze %dma_wait3A_134 : memref<1x128x128xf32, #tpu.memory_space<vmem>> -> memref<128x128xf32, #tpu.memory_space<vmem>>
        tpu.wait_dma2 semaphore(%run_scoped3A_111 : memref<!tpu.dma_semaphore, #tpu.memory_space<semaphore_mem>>) src(%dma_wait3A_135 : memref<128x128xf32, #tpu.memory_space<vmem>>) dst(%dma_wait3A_131 : memref<128x128xf32, #tpu.memory_space<vmem_shared>>)
        tpu.yield
      }) : () -> ()
    }
    %scan3A_21 = arith.constant 5 : i32
    %dma_wait3A = arith.constant 0 : i32
    %dma_wait3A_22 = tpu.memref_slice %arg3[%select_n3A, %dma_wait3A] : memref<2688x128xi32, #tpu.memory_space<hbm>> -> memref<120x128xi32, #tpu.memory_space<hbm>>
    %dma_wait3A_23 = arith.constant 0 : i32
    %dma_wait3A_24 = tpu.memref_slice %arg3[%select_n3A, %dma_wait3A_23] : memref<2688x128xi32, #tpu.memory_space<hbm>> -> memref<120x128xi32, #tpu.memory_space<hbm>>
    tpu.wait_dma2 semaphore(%arg10 : memref<!tpu.dma_semaphore, #tpu.memory_space<semaphore_mem>>) src(%dma_wait3A_24 : memref<120x128xi32, #tpu.memory_space<hbm>>) dst(%arg7 : memref<120x128xi32, #tpu.memory_space<vmem>>)
    %barrier3A = arith.constant 0 : index
    tpu.barrier barrier_id(%barrier3A)
    %dma_start3A_25 = arith.constant 0 : i32
    %dma_start3A_26 = arith.constant 0 : i32
    %dma_start3A_27 = arith.constant 0 : i32
    %dma_start3A_28 = arith.constant 0 : i32
    %dma_start3A_29 = tpu.memref_slice %arg8[%dma_start3A_26, %dma_start3A_27, %dma_start3A_28] : memref<2x128x128xf32, #tpu.memory_space<vmem>> -> memref<1x32x128xf32, #tpu.memory_space<vmem>>
    %dma_start3A_30 = tpu.memref_squeeze %dma_start3A_29 : memref<1x32x128xf32, #tpu.memory_space<vmem>> -> memref<32x128xf32, #tpu.memory_space<vmem>>
    %dma_start3A_31 = arith.constant 0 : i32
    %dma_start3A_32 = tpu.memref_slice %arg7[%dma_start3A_25, %dma_start3A_31] : memref<120x128xi32, #tpu.memory_space<vmem>> -> memref<1x32xi32, #tpu.memory_space<vmem>>
    %dma_start3A_33 = tpu.memref_squeeze %dma_start3A_32 : memref<1x32xi32, #tpu.memory_space<vmem>> -> memref<32xi32, #tpu.memory_space<vmem>>
    %dma_start3A_34 = arith.constant 0 : i32
    %dma_start3A_35 = arith.constant 0 : i32
    %dma_start3A_36 = tpu.memref_slice %arg2[%dma_start3A_34, %dma_start3A_35] : memref<10240x128xf32, #tpu.memory_space<hbm>> -> memref<10240x128xf32, #tpu.memory_space<hbm>>
    tpu.enqueue_indirect_dma source(%dma_start3A_36 : memref<10240x128xf32, #tpu.memory_space<hbm>>) target(%dma_start3A_30 : memref<32x128xf32, #tpu.memory_space<vmem>>) offsets(%dma_start3A_33 : memref<32xi32, #tpu.memory_space<vmem>>) semaphore(%arg10 : memref<!tpu.dma_semaphore, #tpu.memory_space<semaphore_mem>>)
    %dma_start3A_37 = arith.constant 0 : i32
    %dma_start3A_38 = arith.constant 0 : i32
    %dma_start3A_39 = arith.constant 32 : i32
    %dma_start3A_40 = arith.constant 0 : i32
    %dma_start3A_41 = tpu.memref_slice %arg8[%dma_start3A_38, %dma_start3A_39, %dma_start3A_40] : memref<2x128x128xf32, #tpu.memory_space<vmem>> -> memref<1x32x128xf32, #tpu.memory_space<vmem>>
    %dma_start3A_42 = tpu.memref_squeeze %dma_start3A_41 : memref<1x32x128xf32, #tpu.memory_space<vmem>> -> memref<32x128xf32, #tpu.memory_space<vmem>>
    %dma_start3A_43 = arith.constant 32 : i32
    %dma_start3A_44 = tpu.memref_slice %arg7[%dma_start3A_37, %dma_start3A_43] : memref<120x128xi32, #tpu.memory_space<vmem>> -> memref<1x32xi32, #tpu.memory_space<vmem>>
    %dma_start3A_45 = tpu.memref_squeeze %dma_start3A_44 : memref<1x32xi32, #tpu.memory_space<vmem>> -> memref<32xi32, #tpu.memory_space<vmem>>
    %dma_start3A_46 = arith.constant 0 : i32
    %dma_start3A_47 = arith.constant 0 : i32
    %dma_start3A_48 = tpu.memref_slice %arg2[%dma_start3A_46, %dma_start3A_47] : memref<10240x128xf32, #tpu.memory_space<hbm>> -> memref<10240x128xf32, #tpu.memory_space<hbm>>
    tpu.enqueue_indirect_dma source(%dma_start3A_48 : memref<10240x128xf32, #tpu.memory_space<hbm>>) target(%dma_start3A_42 : memref<32x128xf32, #tpu.memory_space<vmem>>) offsets(%dma_start3A_45 : memref<32xi32, #tpu.memory_space<vmem>>) semaphore(%arg11 : memref<!tpu.dma_semaphore, #tpu.memory_space<semaphore_mem>>)
    %dma_start3A_49 = arith.constant 0 : i32
    %dma_start3A_50 = arith.constant 0 : i32
    %dma_start3A_51 = arith.constant 64 : i32
    %dma_start3A_52 = arith.constant 0 : i32
    %dma_start3A_53 = tpu.memref_slice %arg8[%dma_start3A_50, %dma_start3A_51, %dma_start3A_52] : memref<2x128x128xf32, #tpu.memory_space<vmem>> -> memref<1x32x128xf32, #tpu.memory_space<vmem>>
    %dma_start3A_54 = tpu.memref_squeeze %dma_start3A_53 : memref<1x32x128xf32, #tpu.memory_space<vmem>> -> memref<32x128xf32, #tpu.memory_space<vmem>>
    %dma_start3A_55 = arith.constant 64 : i32
    %dma_start3A_56 = tpu.memref_slice %arg7[%dma_start3A_49, %dma_start3A_55] : memref<120x128xi32, #tpu.memory_space<vmem>> -> memref<1x32xi32, #tpu.memory_space<vmem>>
    %dma_start3A_57 = tpu.memref_squeeze %dma_start3A_56 : memref<1x32xi32, #tpu.memory_space<vmem>> -> memref<32xi32, #tpu.memory_space<vmem>>
    %dma_start3A_58 = arith.constant 0 : i32
    %dma_start3A_59 = arith.constant 0 : i32
    %dma_start3A_60 = tpu.memref_slice %arg2[%dma_start3A_58, %dma_start3A_59] : memref<10240x128xf32, #tpu.memory_space<hbm>> -> memref<10240x128xf32, #tpu.memory_space<hbm>>
    tpu.enqueue_indirect_dma source(%dma_start3A_60 : memref<10240x128xf32, #tpu.memory_space<hbm>>) target(%dma_start3A_54 : memref<32x128xf32, #tpu.memory_space<vmem>>) offsets(%dma_start3A_57 : memref<32xi32, #tpu.memory_space<vmem>>) semaphore(%arg12 : memref<!tpu.dma_semaphore, #tpu.memory_space<semaphore_mem>>)
    %dma_start3A_61 = arith.constant 0 : i32
    %dma_start3A_62 = arith.constant 0 : i32
    %dma_start3A_63 = arith.constant 96 : i32
    %dma_start3A_64 = arith.constant 0 : i32
    %dma_start3A_65 = tpu.memref_slice %arg8[%dma_start3A_62, %dma_start3A_63, %dma_start3A_64] : memref<2x128x128xf32, #tpu.memory_space<vmem>> -> memref<1x32x128xf32, #tpu.memory_space<vmem>>
    %dma_start3A_66 = tpu.memref_squeeze %dma_start3A_65 : memref<1x32x128xf32, #tpu.memory_space<vmem>> -> memref<32x128xf32, #tpu.memory_space<vmem>>
    %dma_start3A_67 = arith.constant 96 : i32
    %dma_start3A_68 = tpu.memref_slice %arg7[%dma_start3A_61, %dma_start3A_67] : memref<120x128xi32, #tpu.memory_space<vmem>> -> memref<1x32xi32, #tpu.memory_space<vmem>>
    %dma_start3A_69 = tpu.memref_squeeze %dma_start3A_68 : memref<1x32xi32, #tpu.memory_space<vmem>> -> memref<32xi32, #tpu.memory_space<vmem>>
    %dma_start3A_70 = arith.constant 0 : i32
    %dma_start3A_71 = arith.constant 0 : i32
    %dma_start3A_72 = tpu.memref_slice %arg2[%dma_start3A_70, %dma_start3A_71] : memref<10240x128xf32, #tpu.memory_space<hbm>> -> memref<10240x128xf32, #tpu.memory_space<hbm>>
    tpu.enqueue_indirect_dma source(%dma_start3A_72 : memref<10240x128xf32, #tpu.memory_space<hbm>>) target(%dma_start3A_66 : memref<32x128xf32, #tpu.memory_space<vmem>>) offsets(%dma_start3A_69 : memref<32xi32, #tpu.memory_space<vmem>>) semaphore(%arg13 : memref<!tpu.dma_semaphore, #tpu.memory_space<semaphore_mem>>)
    %add3A_73 = arith.constant 0 : i32
    %add3A_74 = arith.addi %select_n3A, %add3A_73 : i32
    %dma_start3A_75 = arith.constant 0 : i32
    %dma_start3A_76 = arith.constant 0 : i32
    %dma_start3A_77 = tpu.memref_slice %arg9[%dma_start3A_75, %dma_start3A_76] : memref<2x128xi32, #tpu.memory_space<vmem>> -> memref<1x128xi32, #tpu.memory_space<vmem>>
    %dma_start3A_78 = tpu.memref_squeeze %dma_start3A_77 : memref<1x128xi32, #tpu.memory_space<vmem>> -> memref<128xi32, #tpu.memory_space<vmem>>
    %dma_start3A_79 = arith.constant 0 : i32
    %dma_start3A_80 = tpu.memref_slice %arg4[%add3A_74, %dma_start3A_79] : memref<2688x128xi32, #tpu.memory_space<hbm>> -> memref<1x128xi32, #tpu.memory_space<hbm>>
    %dma_start3A_81 = tpu.memref_squeeze %dma_start3A_80 : memref<1x128xi32, #tpu.memory_space<hbm>> -> memref<128xi32, #tpu.memory_space<hbm>>
    %dma_start3A_82 = arith.constant 0 : i32
    %dma_start3A_83 = tpu.memref_slice %arg9[%dma_start3A_75, %dma_start3A_82] : memref<2x128xi32, #tpu.memory_space<vmem>> -> memref<1x128xi32, #tpu.memory_space<vmem>>
    %dma_start3A_84 = tpu.memref_squeeze %dma_start3A_83 : memref<1x128xi32, #tpu.memory_space<vmem>> -> memref<128xi32, #tpu.memory_space<vmem>>
    %dma_start3A_85 = arith.constant 0 : i32
    %dma_start3A_86 = tpu.memref_slice %arg4[%add3A_74, %dma_start3A_85] : memref<2688x128xi32, #tpu.memory_space<hbm>> -> memref<1x128xi32, #tpu.memory_space<hbm>>
    %dma_start3A_87 = tpu.memref_squeeze %dma_start3A_86 : memref<1x128xi32, #tpu.memory_space<hbm>> -> memref<128xi32, #tpu.memory_space<hbm>>
    tpu.enqueue_dma source(%dma_start3A_87 : memref<128xi32, #tpu.memory_space<hbm>>) target(%dma_start3A_84 : memref<128xi32, #tpu.memory_space<vmem>>) target_semaphore(%arg18 : memref<!tpu.dma_semaphore, #tpu.memory_space<semaphore_mem>>)
    %scan3A_88 = arith.constant 0 : i32
    %scan3A_89 = arith.constant 60 : i32
    %scan3A_90 = arith.addi %scan3A_88, %scan3A_89 : i32
    %scan3A_91 = arith.constant 1 : i32
    scf.for %scan3A_101 = %scan3A_88 to %scan3A_90 step %scan3A_91  : i32 {
      %mul3A_102 = arith.constant 1 : i32
      %mul3A_103 = arith.muli %scan3A_101, %mul3A_102 : i32
      %add3A_104 = arith.constant 0 : i32
      %add3A_105 = arith.addi %add3A_104, %mul3A_103 : i32
      %jit3A_106 = arith.constant 2 : i32
      %div3A = arith.divsi %select_n3A_9, %jit3A_106 : i32
      %sign3A = arith.constant 0 : i32
      %sign3A_107 = arith.cmpi sgt, %select_n3A_9, %sign3A : i32
      %sign3A_108 = arith.extui %sign3A_107 : i1 to i32
      %sign3A_109 = arith.constant 0 : i32
      %sign3A_110 = arith.cmpi slt, %select_n3A_9, %sign3A_109 : i32
      %sign3A_111 = arith.extui %sign3A_110 : i1 to i32
      %sign3A_112 = arith.subi %sign3A_108, %sign3A_111 : i32
      %sign3A_113 = arith.constant 0 : i32
      %sign3A_114 = arith.cmpi sgt, %jit3A_106, %sign3A_113 : i32
      %sign3A_115 = arith.extui %sign3A_114 : i1 to i32
      %sign3A_116 = arith.constant 0 : i32
      %sign3A_117 = arith.cmpi slt, %jit3A_106, %sign3A_116 : i32
      %sign3A_118 = arith.extui %sign3A_117 : i1 to i32
      %sign3A_119 = arith.subi %sign3A_115, %sign3A_118 : i32
      %ne3A = arith.cmpi ne, %sign3A_112, %sign3A_119 : i32
      %rem3A = arith.remsi %select_n3A_9, %jit3A_106 : i32
      %ne3A_120 = arith.constant 0 : i32
      %ne3A_121 = arith.cmpi ne, %rem3A, %ne3A_120 : i32
      %and3A = arith.andi %ne3A, %ne3A_121 : i1
      %sub3A = arith.constant 1 : i32
      %sub3A_122 = arith.subi %div3A, %sub3A : i32
      %select_n3A_123 = arith.select %and3A, %sub3A_122, %div3A : i32
      %lt3A = arith.cmpi slt, %add3A_105, %select_n3A_123 : i32
      %convert_element_type3A = arith.extui %lt3A : i1 to i32
      %cond3A = arith.constant 0 : i32
      %cond3A_124 = arith.cmpi ne, %convert_element_type3A, %cond3A : i32
      scf.if %cond3A_124 {
        %mul3A_125 = arith.constant 2 : i32
        %mul3A_126 = arith.muli %mul3A_125, %add3A_105 : i32
        %add3A_127 = arith.constant 1 : i32
        %add3A_128 = arith.addi %mul3A_126, %add3A_127 : i32
        %dma_start3A_129 = arith.constant 1 : i32
        %dma_start3A_130 = arith.constant 0 : i32
        %dma_start3A_131 = arith.constant 0 : i32
        %dma_start3A_132 = tpu.memref_slice %arg8[%dma_start3A_129, %dma_start3A_130, %dma_start3A_131] : memref<2x128x128xf32, #tpu.memory_space<vmem>> -> memref<1x32x128xf32, #tpu.memory_space<vmem>>
        %dma_start3A_133 = tpu.memref_squeeze %dma_start3A_132 : memref<1x32x128xf32, #tpu.memory_space<vmem>> -> memref<32x128xf32, #tpu.memory_space<vmem>>
        %dma_start3A_134 = arith.constant 0 : i32
        %dma_start3A_135 = tpu.memref_slice %arg7[%add3A_128, %dma_start3A_134] : memref<120x128xi32, #tpu.memory_space<vmem>> -> memref<1x32xi32, #tpu.memory_space<vmem>>
        %dma_start3A_136 = tpu.memref_squeeze %dma_start3A_135 : memref<1x32xi32, #tpu.memory_space<vmem>> -> memref<32xi32, #tpu.memory_space<vmem>>
        %dma_start3A_137 = arith.constant 0 : i32
        %dma_start3A_138 = arith.constant 0 : i32
        %dma_start3A_139 = tpu.memref_slice %arg2[%dma_start3A_137, %dma_start3A_138] : memref<10240x128xf32, #tpu.memory_space<hbm>> -> memref<10240x128xf32, #tpu.memory_space<hbm>>
        tpu.enqueue_indirect_dma source(%dma_start3A_139 : memref<10240x128xf32, #tpu.memory_space<hbm>>) target(%dma_start3A_133 : memref<32x128xf32, #tpu.memory_space<vmem>>) offsets(%dma_start3A_136 : memref<32xi32, #tpu.memory_space<vmem>>) semaphore(%arg14 : memref<!tpu.dma_semaphore, #tpu.memory_space<semaphore_mem>>)
        %dma_start3A_140 = arith.constant 1 : i32
        %dma_start3A_141 = arith.constant 32 : i32
        %dma_start3A_142 = arith.constant 0 : i32
        %dma_start3A_143 = tpu.memref_slice %arg8[%dma_start3A_140, %dma_start3A_141, %dma_start3A_142] : memref<2x128x128xf32, #tpu.memory_space<vmem>> -> memref<1x32x128xf32, #tpu.memory_space<vmem>>
        %dma_start3A_144 = tpu.memref_squeeze %dma_start3A_143 : memref<1x32x128xf32, #tpu.memory_space<vmem>> -> memref<32x128xf32, #tpu.memory_space<vmem>>
        %dma_start3A_145 = arith.constant 32 : i32
        %dma_start3A_146 = tpu.memref_slice %arg7[%add3A_128, %dma_start3A_145] : memref<120x128xi32, #tpu.memory_space<vmem>> -> memref<1x32xi32, #tpu.memory_space<vmem>>
        %dma_start3A_147 = tpu.memref_squeeze %dma_start3A_146 : memref<1x32xi32, #tpu.memory_space<vmem>> -> memref<32xi32, #tpu.memory_space<vmem>>
        %dma_start3A_148 = arith.constant 0 : i32
        %dma_start3A_149 = arith.constant 0 : i32
        %dma_start3A_150 = tpu.memref_slice %arg2[%dma_start3A_148, %dma_start3A_149] : memref<10240x128xf32, #tpu.memory_space<hbm>> -> memref<10240x128xf32, #tpu.memory_space<hbm>>
        tpu.enqueue_indirect_dma source(%dma_start3A_150 : memref<10240x128xf32, #tpu.memory_space<hbm>>) target(%dma_start3A_144 : memref<32x128xf32, #tpu.memory_space<vmem>>) offsets(%dma_start3A_147 : memref<32xi32, #tpu.memory_space<vmem>>) semaphore(%arg15 : memref<!tpu.dma_semaphore, #tpu.memory_space<semaphore_mem>>)
        %dma_start3A_151 = arith.constant 1 : i32
        %dma_start3A_152 = arith.constant 64 : i32
        %dma_start3A_153 = arith.constant 0 : i32
        %dma_start3A_154 = tpu.memref_slice %arg8[%dma_start3A_151, %dma_start3A_152, %dma_start3A_153] : memref<2x128x128xf32, #tpu.memory_space<vmem>> -> memref<1x32x128xf32, #tpu.memory_space<vmem>>
        %dma_start3A_155 = tpu.memref_squeeze %dma_start3A_154 : memref<1x32x128xf32, #tpu.memory_space<vmem>> -> memref<32x128xf32, #tpu.memory_space<vmem>>
        %dma_start3A_156 = arith.constant 64 : i32
        %dma_start3A_157 = tpu.memref_slice %arg7[%add3A_128, %dma_start3A_156] : memref<120x128xi32, #tpu.memory_space<vmem>> -> memref<1x32xi32, #tpu.memory_space<vmem>>
        %dma_start3A_158 = tpu.memref_squeeze %dma_start3A_157 : memref<1x32xi32, #tpu.memory_space<vmem>> -> memref<32xi32, #tpu.memory_space<vmem>>
        %dma_start3A_159 = arith.constant 0 : i32
        %dma_start3A_160 = arith.constant 0 : i32
        %dma_start3A_161 = tpu.memref_slice %arg2[%dma_start3A_159, %dma_start3A_160] : memref<10240x128xf32, #tpu.memory_space<hbm>> -> memref<10240x128xf32, #tpu.memory_space<hbm>>
        tpu.enqueue_indirect_dma source(%dma_start3A_161 : memref<10240x128xf32, #tpu.memory_space<hbm>>) target(%dma_start3A_155 : memref<32x128xf32, #tpu.memory_space<vmem>>) offsets(%dma_start3A_158 : memref<32xi32, #tpu.memory_space<vmem>>) semaphore(%arg16 : memref<!tpu.dma_semaphore, #tpu.memory_space<semaphore_mem>>)
        %dma_start3A_162 = arith.constant 1 : i32
        %dma_start3A_163 = arith.constant 96 : i32
        %dma_start3A_164 = arith.constant 0 : i32
        %dma_start3A_165 = tpu.memref_slice %arg8[%dma_start3A_162, %dma_start3A_163, %dma_start3A_164] : memref<2x128x128xf32, #tpu.memory_space<vmem>> -> memref<1x32x128xf32, #tpu.memory_space<vmem>>
        %dma_start3A_166 = tpu.memref_squeeze %dma_start3A_165 : memref<1x32x128xf32, #tpu.memory_space<vmem>> -> memref<32x128xf32, #tpu.memory_space<vmem>>
        %dma_start3A_167 = arith.constant 96 : i32
        %dma_start3A_168 = tpu.memref_slice %arg7[%add3A_128, %dma_start3A_167] : memref<120x128xi32, #tpu.memory_space<vmem>> -> memref<1x32xi32, #tpu.memory_space<vmem>>
        %dma_start3A_169 = tpu.memref_squeeze %dma_start3A_168 : memref<1x32xi32, #tpu.memory_space<vmem>> -> memref<32xi32, #tpu.memory_space<vmem>>
        %dma_start3A_170 = arith.constant 0 : i32
        %dma_start3A_171 = arith.constant 0 : i32
        %dma_start3A_172 = tpu.memref_slice %arg2[%dma_start3A_170, %dma_start3A_171] : memref<10240x128xf32, #tpu.memory_space<hbm>> -> memref<10240x128xf32, #tpu.memory_space<hbm>>
        tpu.enqueue_indirect_dma source(%dma_start3A_172 : memref<10240x128xf32, #tpu.memory_space<hbm>>) target(%dma_start3A_166 : memref<32x128xf32, #tpu.memory_space<vmem>>) offsets(%dma_start3A_169 : memref<32xi32, #tpu.memory_space<vmem>>) semaphore(%arg17 : memref<!tpu.dma_semaphore, #tpu.memory_space<semaphore_mem>>)
        %add3A_173 = arith.addi %select_n3A, %add3A_128 : i32
        %dma_start3A_174 = arith.constant 1 : i32
        %dma_start3A_175 = arith.constant 0 : i32
        %dma_start3A_176 = tpu.memref_slice %arg9[%dma_start3A_174, %dma_start3A_175] : memref<2x128xi32, #tpu.memory_space<vmem>> -> memref<1x128xi32, #tpu.memory_space<vmem>>
        %dma_start3A_177 = tpu.memref_squeeze %dma_start3A_176 : memref<1x128xi32, #tpu.memory_space<vmem>> -> memref<128xi32, #tpu.memory_space<vmem>>
        %dma_start3A_178 = arith.constant 0 : i32
        %dma_start3A_179 = tpu.memref_slice %arg4[%add3A_173, %dma_start3A_178] : memref<2688x128xi32, #tpu.memory_space<hbm>> -> memref<1x128xi32, #tpu.memory_space<hbm>>
        %dma_start3A_180 = tpu.memref_squeeze %dma_start3A_179 : memref<1x128xi32, #tpu.memory_space<hbm>> -> memref<128xi32, #tpu.memory_space<hbm>>
        %dma_start3A_181 = arith.constant 0 : i32
        %dma_start3A_182 = tpu.memref_slice %arg9[%dma_start3A_174, %dma_start3A_181] : memref<2x128xi32, #tpu.memory_space<vmem>> -> memref<1x128xi32, #tpu.memory_space<vmem>>
        %dma_start3A_183 = tpu.memref_squeeze %dma_start3A_182 : memref<1x128xi32, #tpu.memory_space<vmem>> -> memref<128xi32, #tpu.memory_space<vmem>>
        %dma_start3A_184 = arith.constant 0 : i32
        %dma_start3A_185 = tpu.memref_slice %arg4[%add3A_173, %dma_start3A_184] : memref<2688x128xi32, #tpu.memory_space<hbm>> -> memref<1x128xi32, #tpu.memory_space<hbm>>
        %dma_start3A_186 = tpu.memref_squeeze %dma_start3A_185 : memref<1x128xi32, #tpu.memory_space<hbm>> -> memref<128xi32, #tpu.memory_space<hbm>>
        tpu.enqueue_dma source(%dma_start3A_186 : memref<128xi32, #tpu.memory_space<hbm>>) target(%dma_start3A_183 : memref<128xi32, #tpu.memory_space<vmem>>) target_semaphore(%arg19 : memref<!tpu.dma_semaphore, #tpu.memory_space<semaphore_mem>>)
        %dma_wait3A_187 = arith.constant 0 : i32
        %dma_wait3A_188 = arith.constant 0 : i32
        %dma_wait3A_189 = arith.constant 0 : i32
        %dma_wait3A_190 = tpu.memref_slice %arg8[%dma_wait3A_187, %dma_wait3A_188, %dma_wait3A_189] : memref<2x128x128xf32, #tpu.memory_space<vmem>> -> memref<1x32x128xf32, #tpu.memory_space<vmem>>
        %dma_wait3A_191 = tpu.memref_squeeze %dma_wait3A_190 : memref<1x32x128xf32, #tpu.memory_space<vmem>> -> memref<32x128xf32, #tpu.memory_space<vmem>>
        %dma_wait3A_192 = arith.constant 0 : i32
        %dma_wait3A_193 = tpu.memref_slice %arg7[%mul3A_126, %dma_wait3A_192] : memref<120x128xi32, #tpu.memory_space<vmem>> -> memref<1x32xi32, #tpu.memory_space<vmem>>
        %dma_wait3A_194 = tpu.memref_squeeze %dma_wait3A_193 : memref<1x32xi32, #tpu.memory_space<vmem>> -> memref<32xi32, #tpu.memory_space<vmem>>
        %dma_wait3A_195 = arith.constant 0 : i32
        %dma_wait3A_196 = arith.constant 0 : i32
        %dma_wait3A_197 = tpu.memref_slice %arg2[%dma_wait3A_195, %dma_wait3A_196] : memref<10240x128xf32, #tpu.memory_space<hbm>> -> memref<10240x128xf32, #tpu.memory_space<hbm>>
        tpu.wait_indirect_dma semaphore(%arg10 : memref<!tpu.dma_semaphore, #tpu.memory_space<semaphore_mem>>) src(%dma_wait3A_197 : memref<10240x128xf32, #tpu.memory_space<hbm>>) dst(%dma_wait3A_191 : memref<32x128xf32, #tpu.memory_space<vmem>>)
        %dma_wait3A_198 = arith.constant 0 : i32
        %dma_wait3A_199 = arith.constant 32 : i32
        %dma_wait3A_200 = arith.constant 0 : i32
        %dma_wait3A_201 = tpu.memref_slice %arg8[%dma_wait3A_198, %dma_wait3A_199, %dma_wait3A_200] : memref<2x128x128xf32, #tpu.memory_space<vmem>> -> memref<1x32x128xf32, #tpu.memory_space<vmem>>
        %dma_wait3A_202 = tpu.memref_squeeze %dma_wait3A_201 : memref<1x32x128xf32, #tpu.memory_space<vmem>> -> memref<32x128xf32, #tpu.memory_space<vmem>>
        %dma_wait3A_203 = arith.constant 32 : i32
        %dma_wait3A_204 = tpu.memref_slice %arg7[%mul3A_126, %dma_wait3A_203] : memref<120x128xi32, #tpu.memory_space<vmem>> -> memref<1x32xi32, #tpu.memory_space<vmem>>
        %dma_wait3A_205 = tpu.memref_squeeze %dma_wait3A_204 : memref<1x32xi32, #tpu.memory_space<vmem>> -> memref<32xi32, #tpu.memory_space<vmem>>
        %dma_wait3A_206 = arith.constant 0 : i32
        %dma_wait3A_207 = arith.constant 0 : i32
        %dma_wait3A_208 = tpu.memref_slice %arg2[%dma_wait3A_206, %dma_wait3A_207] : memref<10240x128xf32, #tpu.memory_space<hbm>> -> memref<10240x128xf32, #tpu.memory_space<hbm>>
        tpu.wait_indirect_dma semaphore(%arg11 : memref<!tpu.dma_semaphore, #tpu.memory_space<semaphore_mem>>) src(%dma_wait3A_208 : memref<10240x128xf32, #tpu.memory_space<hbm>>) dst(%dma_wait3A_202 : memref<32x128xf32, #tpu.memory_space<vmem>>)
        %dma_wait3A_209 = arith.constant 0 : i32
        %dma_wait3A_210 = arith.constant 64 : i32
        %dma_wait3A_211 = arith.constant 0 : i32
        %dma_wait3A_212 = tpu.memref_slice %arg8[%dma_wait3A_209, %dma_wait3A_210, %dma_wait3A_211] : memref<2x128x128xf32, #tpu.memory_space<vmem>> -> memref<1x32x128xf32, #tpu.memory_space<vmem>>
        %dma_wait3A_213 = tpu.memref_squeeze %dma_wait3A_212 : memref<1x32x128xf32, #tpu.memory_space<vmem>> -> memref<32x128xf32, #tpu.memory_space<vmem>>
        %dma_wait3A_214 = arith.constant 64 : i32
        %dma_wait3A_215 = tpu.memref_slice %arg7[%mul3A_126, %dma_wait3A_214] : memref<120x128xi32, #tpu.memory_space<vmem>> -> memref<1x32xi32, #tpu.memory_space<vmem>>
        %dma_wait3A_216 = tpu.memref_squeeze %dma_wait3A_215 : memref<1x32xi32, #tpu.memory_space<vmem>> -> memref<32xi32, #tpu.memory_space<vmem>>
        %dma_wait3A_217 = arith.constant 0 : i32
        %dma_wait3A_218 = arith.constant 0 : i32
        %dma_wait3A_219 = tpu.memref_slice %arg2[%dma_wait3A_217, %dma_wait3A_218] : memref<10240x128xf32, #tpu.memory_space<hbm>> -> memref<10240x128xf32, #tpu.memory_space<hbm>>
        tpu.wait_indirect_dma semaphore(%arg12 : memref<!tpu.dma_semaphore, #tpu.memory_space<semaphore_mem>>) src(%dma_wait3A_219 : memref<10240x128xf32, #tpu.memory_space<hbm>>) dst(%dma_wait3A_213 : memref<32x128xf32, #tpu.memory_space<vmem>>)
        %dma_wait3A_220 = arith.constant 0 : i32
        %dma_wait3A_221 = arith.constant 96 : i32
        %dma_wait3A_222 = arith.constant 0 : i32
        %dma_wait3A_223 = tpu.memref_slice %arg8[%dma_wait3A_220, %dma_wait3A_221, %dma_wait3A_222] : memref<2x128x128xf32, #tpu.memory_space<vmem>> -> memref<1x32x128xf32, #tpu.memory_space<vmem>>
        %dma_wait3A_224 = tpu.memref_squeeze %dma_wait3A_223 : memref<1x32x128xf32, #tpu.memory_space<vmem>> -> memref<32x128xf32, #tpu.memory_space<vmem>>
        %dma_wait3A_225 = arith.constant 96 : i32
        %dma_wait3A_226 = tpu.memref_slice %arg7[%mul3A_126, %dma_wait3A_225] : memref<120x128xi32, #tpu.memory_space<vmem>> -> memref<1x32xi32, #tpu.memory_space<vmem>>
        %dma_wait3A_227 = tpu.memref_squeeze %dma_wait3A_226 : memref<1x32xi32, #tpu.memory_space<vmem>> -> memref<32xi32, #tpu.memory_space<vmem>>
        %dma_wait3A_228 = arith.constant 0 : i32
        %dma_wait3A_229 = arith.constant 0 : i32
        %dma_wait3A_230 = tpu.memref_slice %arg2[%dma_wait3A_228, %dma_wait3A_229] : memref<10240x128xf32, #tpu.memory_space<hbm>> -> memref<10240x128xf32, #tpu.memory_space<hbm>>
        tpu.wait_indirect_dma semaphore(%arg13 : memref<!tpu.dma_semaphore, #tpu.memory_space<semaphore_mem>>) src(%dma_wait3A_230 : memref<10240x128xf32, #tpu.memory_space<hbm>>) dst(%dma_wait3A_224 : memref<32x128xf32, #tpu.memory_space<vmem>>)
        %add3A_231 = arith.addi %select_n3A, %mul3A_126 : i32
        %dma_wait3A_232 = arith.constant 0 : i32
        %dma_wait3A_233 = arith.constant 0 : i32
        %dma_wait3A_234 = tpu.memref_slice %arg9[%dma_wait3A_232, %dma_wait3A_233] : memref<2x128xi32, #tpu.memory_space<vmem>> -> memref<1x128xi32, #tpu.memory_space<vmem>>
        %dma_wait3A_235 = tpu.memref_squeeze %dma_wait3A_234 : memref<1x128xi32, #tpu.memory_space<vmem>> -> memref<128xi32, #tpu.memory_space<vmem>>
        %dma_wait3A_236 = arith.constant 0 : i32
        %dma_wait3A_237 = tpu.memref_slice %arg4[%add3A_231, %dma_wait3A_236] : memref<2688x128xi32, #tpu.memory_space<hbm>> -> memref<1x128xi32, #tpu.memory_space<hbm>>
        %dma_wait3A_238 = tpu.memref_squeeze %dma_wait3A_237 : memref<1x128xi32, #tpu.memory_space<hbm>> -> memref<128xi32, #tpu.memory_space<hbm>>
        %dma_wait3A_239 = arith.constant 0 : i32
        %dma_wait3A_240 = tpu.memref_slice %arg9[%dma_wait3A_232, %dma_wait3A_239] : memref<2x128xi32, #tpu.memory_space<vmem>> -> memref<1x128xi32, #tpu.memory_space<vmem>>
        %dma_wait3A_241 = tpu.memref_squeeze %dma_wait3A_240 : memref<1x128xi32, #tpu.memory_space<vmem>> -> memref<128xi32, #tpu.memory_space<vmem>>
        %dma_wait3A_242 = arith.constant 0 : i32
        %dma_wait3A_243 = tpu.memref_slice %arg4[%add3A_231, %dma_wait3A_242] : memref<2688x128xi32, #tpu.memory_space<hbm>> -> memref<1x128xi32, #tpu.memory_space<hbm>>
        %dma_wait3A_244 = tpu.memref_squeeze %dma_wait3A_243 : memref<1x128xi32, #tpu.memory_space<hbm>> -> memref<128xi32, #tpu.memory_space<hbm>>
        tpu.wait_dma2 semaphore(%arg18 : memref<!tpu.dma_semaphore, #tpu.memory_space<semaphore_mem>>) src(%dma_wait3A_244 : memref<128xi32, #tpu.memory_space<hbm>>) dst(%dma_wait3A_241 : memref<128xi32, #tpu.memory_space<vmem>>)
        %run_scoped3A = arith.constant 0 : i32
        %run_scoped3A_245 = arith.constant 0 : i32
        "tpu.region"() ({
          %run_scoped3A_314 = tpu.sem_alloc : memref<!tpu.dma_semaphore, #tpu.memory_space<semaphore_mem>>
          %dma_start3A_315 = arith.constant 0 : i32
          %dma_start3A_316 = arith.constant 0 : i32
          %dma_start3A_317 = tpu.memref_slice %arg8[%run_scoped3A, %dma_start3A_315, %dma_start3A_316] : memref<2x128x128xf32, #tpu.memory_space<vmem>> -> memref<1x128x128xf32, #tpu.memory_space<vmem>>
          %dma_start3A_318 = tpu.memref_squeeze %dma_start3A_317 : memref<1x128x128xf32, #tpu.memory_space<vmem>> -> memref<128x128xf32, #tpu.memory_space<vmem>>
          %dma_start3A_319 = arith.constant 0 : i32
          %dma_start3A_320 = tpu.memref_slice %arg9[%run_scoped3A_245, %dma_start3A_319] : memref<2x128xi32, #tpu.memory_space<vmem>> -> memref<1x128xi32, #tpu.memory_space<vmem>>
          %dma_start3A_321 = tpu.memref_squeeze %dma_start3A_320 : memref<1x128xi32, #tpu.memory_space<vmem>> -> memref<128xi32, #tpu.memory_space<vmem>>
          %dma_start3A_322 = arith.constant 0 : i32
          %dma_start3A_323 = arith.constant 0 : i32
          %dma_start3A_324 = tpu.memref_slice %arg6[%dma_start3A_322, %dma_start3A_323] : memref<10240x128xf32, #tpu.memory_space<vmem_shared>> -> memref<10240x128xf32, #tpu.memory_space<vmem_shared>>
          tpu.enqueue_indirect_dma source(%dma_start3A_318 : memref<128x128xf32, #tpu.memory_space<vmem>>) target(%dma_start3A_324 : memref<10240x128xf32, #tpu.memory_space<vmem_shared>>) offsets(%dma_start3A_321 : memref<128xi32, #tpu.memory_space<vmem>>) semaphore(%run_scoped3A_314 : memref<!tpu.dma_semaphore, #tpu.memory_space<semaphore_mem>>) {add = true}
          %dma_wait3A_325 = arith.constant 0 : i32
          %dma_wait3A_326 = arith.constant 0 : i32
          %dma_wait3A_327 = tpu.memref_slice %arg8[%run_scoped3A, %dma_wait3A_325, %dma_wait3A_326] : memref<2x128x128xf32, #tpu.memory_space<vmem>> -> memref<1x128x128xf32, #tpu.memory_space<vmem>>
          %dma_wait3A_328 = tpu.memref_squeeze %dma_wait3A_327 : memref<1x128x128xf32, #tpu.memory_space<vmem>> -> memref<128x128xf32, #tpu.memory_space<vmem>>
          %dma_wait3A_329 = arith.constant 0 : i32
          %dma_wait3A_330 = tpu.memref_slice %arg9[%run_scoped3A_245, %dma_wait3A_329] : memref<2x128xi32, #tpu.memory_space<vmem>> -> memref<1x128xi32, #tpu.memory_space<vmem>>
          %dma_wait3A_331 = tpu.memref_squeeze %dma_wait3A_330 : memref<1x128xi32, #tpu.memory_space<vmem>> -> memref<128xi32, #tpu.memory_space<vmem>>
          %dma_wait3A_332 = arith.constant 0 : i32
          %dma_wait3A_333 = arith.constant 0 : i32
          %dma_wait3A_334 = tpu.memref_slice %arg6[%dma_wait3A_332, %dma_wait3A_333] : memref<10240x128xf32, #tpu.memory_space<vmem_shared>> -> memref<10240x128xf32, #tpu.memory_space<vmem_shared>>
          tpu.wait_indirect_dma semaphore(%run_scoped3A_314 : memref<!tpu.dma_semaphore, #tpu.memory_space<semaphore_mem>>) src(%dma_wait3A_328 : memref<128x128xf32, #tpu.memory_space<vmem>>) dst(%dma_wait3A_334 : memref<10240x128xf32, #tpu.memory_space<vmem_shared>>)
          tpu.yield
        }) : () -> ()
        %add3A_246 = arith.constant 2 : i32
        %add3A_247 = arith.addi %mul3A_126, %add3A_246 : i32
        %lt3A_248 = arith.cmpi slt, %add3A_247, %select_n3A_9 : i32
        %convert_element_type3A_249 = arith.extui %lt3A_248 : i1 to i32
        %cond3A_250 = arith.constant 0 : i32
        %cond3A_251 = arith.cmpi ne, %convert_element_type3A_249, %cond3A_250 : i32
        scf.if %cond3A_251 {
          %add3A_314 = arith.constant 2 : i32
          %add3A_315 = arith.addi %mul3A_126, %add3A_314 : i32
          %dma_start3A_316 = arith.constant 0 : i32
          %dma_start3A_317 = arith.constant 0 : i32
          %dma_start3A_318 = arith.constant 0 : i32
          %dma_start3A_319 = tpu.memref_slice %arg8[%dma_start3A_316, %dma_start3A_317, %dma_start3A_318] : memref<2x128x128xf32, #tpu.memory_space<vmem>> -> memref<1x32x128xf32, #tpu.memory_space<vmem>>
          %dma_start3A_320 = tpu.memref_squeeze %dma_start3A_319 : memref<1x32x128xf32, #tpu.memory_space<vmem>> -> memref<32x128xf32, #tpu.memory_space<vmem>>
          %dma_start3A_321 = arith.constant 0 : i32
          %dma_start3A_322 = tpu.memref_slice %arg7[%add3A_315, %dma_start3A_321] : memref<120x128xi32, #tpu.memory_space<vmem>> -> memref<1x32xi32, #tpu.memory_space<vmem>>
          %dma_start3A_323 = tpu.memref_squeeze %dma_start3A_322 : memref<1x32xi32, #tpu.memory_space<vmem>> -> memref<32xi32, #tpu.memory_space<vmem>>
          %dma_start3A_324 = arith.constant 0 : i32
          %dma_start3A_325 = arith.constant 0 : i32
          %dma_start3A_326 = tpu.memref_slice %arg2[%dma_start3A_324, %dma_start3A_325] : memref<10240x128xf32, #tpu.memory_space<hbm>> -> memref<10240x128xf32, #tpu.memory_space<hbm>>
          tpu.enqueue_indirect_dma source(%dma_start3A_326 : memref<10240x128xf32, #tpu.memory_space<hbm>>) target(%dma_start3A_320 : memref<32x128xf32, #tpu.memory_space<vmem>>) offsets(%dma_start3A_323 : memref<32xi32, #tpu.memory_space<vmem>>) semaphore(%arg10 : memref<!tpu.dma_semaphore, #tpu.memory_space<semaphore_mem>>)
          %dma_start3A_327 = arith.constant 0 : i32
          %dma_start3A_328 = arith.constant 32 : i32
          %dma_start3A_329 = arith.constant 0 : i32
          %dma_start3A_330 = tpu.memref_slice %arg8[%dma_start3A_327, %dma_start3A_328, %dma_start3A_329] : memref<2x128x128xf32, #tpu.memory_space<vmem>> -> memref<1x32x128xf32, #tpu.memory_space<vmem>>
          %dma_start3A_331 = tpu.memref_squeeze %dma_start3A_330 : memref<1x32x128xf32, #tpu.memory_space<vmem>> -> memref<32x128xf32, #tpu.memory_space<vmem>>
          %dma_start3A_332 = arith.constant 32 : i32
          %dma_start3A_333 = tpu.memref_slice %arg7[%add3A_315, %dma_start3A_332] : memref<120x128xi32, #tpu.memory_space<vmem>> -> memref<1x32xi32, #tpu.memory_space<vmem>>
          %dma_start3A_334 = tpu.memref_squeeze %dma_start3A_333 : memref<1x32xi32, #tpu.memory_space<vmem>> -> memref<32xi32, #tpu.memory_space<vmem>>
          %dma_start3A_335 = arith.constant 0 : i32
          %dma_start3A_336 = arith.constant 0 : i32
          %dma_start3A_337 = tpu.memref_slice %arg2[%dma_start3A_335, %dma_start3A_336] : memref<10240x128xf32, #tpu.memory_space<hbm>> -> memref<10240x128xf32, #tpu.memory_space<hbm>>
          tpu.enqueue_indirect_dma source(%dma_start3A_337 : memref<10240x128xf32, #tpu.memory_space<hbm>>) target(%dma_start3A_331 : memref<32x128xf32, #tpu.memory_space<vmem>>) offsets(%dma_start3A_334 : memref<32xi32, #tpu.memory_space<vmem>>) semaphore(%arg11 : memref<!tpu.dma_semaphore, #tpu.memory_space<semaphore_mem>>)
          %dma_start3A_338 = arith.constant 0 : i32
          %dma_start3A_339 = arith.constant 64 : i32
          %dma_start3A_340 = arith.constant 0 : i32
          %dma_start3A_341 = tpu.memref_slice %arg8[%dma_start3A_338, %dma_start3A_339, %dma_start3A_340] : memref<2x128x128xf32, #tpu.memory_space<vmem>> -> memref<1x32x128xf32, #tpu.memory_space<vmem>>
          %dma_start3A_342 = tpu.memref_squeeze %dma_start3A_341 : memref<1x32x128xf32, #tpu.memory_space<vmem>> -> memref<32x128xf32, #tpu.memory_space<vmem>>
          %dma_start3A_343 = arith.constant 64 : i32
          %dma_start3A_344 = tpu.memref_slice %arg7[%add3A_315, %dma_start3A_343] : memref<120x128xi32, #tpu.memory_space<vmem>> -> memref<1x32xi32, #tpu.memory_space<vmem>>
          %dma_start3A_345 = tpu.memref_squeeze %dma_start3A_344 : memref<1x32xi32, #tpu.memory_space<vmem>> -> memref<32xi32, #tpu.memory_space<vmem>>
          %dma_start3A_346 = arith.constant 0 : i32
          %dma_start3A_347 = arith.constant 0 : i32
          %dma_start3A_348 = tpu.memref_slice %arg2[%dma_start3A_346, %dma_start3A_347] : memref<10240x128xf32, #tpu.memory_space<hbm>> -> memref<10240x128xf32, #tpu.memory_space<hbm>>
          tpu.enqueue_indirect_dma source(%dma_start3A_348 : memref<10240x128xf32, #tpu.memory_space<hbm>>) target(%dma_start3A_342 : memref<32x128xf32, #tpu.memory_space<vmem>>) offsets(%dma_start3A_345 : memref<32xi32, #tpu.memory_space<vmem>>) semaphore(%arg12 : memref<!tpu.dma_semaphore, #tpu.memory_space<semaphore_mem>>)
          %dma_start3A_349 = arith.constant 0 : i32
          %dma_start3A_350 = arith.constant 96 : i32
          %dma_start3A_351 = arith.constant 0 : i32
          %dma_start3A_352 = tpu.memref_slice %arg8[%dma_start3A_349, %dma_start3A_350, %dma_start3A_351] : memref<2x128x128xf32, #tpu.memory_space<vmem>> -> memref<1x32x128xf32, #tpu.memory_space<vmem>>
          %dma_start3A_353 = tpu.memref_squeeze %dma_start3A_352 : memref<1x32x128xf32, #tpu.memory_space<vmem>> -> memref<32x128xf32, #tpu.memory_space<vmem>>
          %dma_start3A_354 = arith.constant 96 : i32
          %dma_start3A_355 = tpu.memref_slice %arg7[%add3A_315, %dma_start3A_354] : memref<120x128xi32, #tpu.memory_space<vmem>> -> memref<1x32xi32, #tpu.memory_space<vmem>>
          %dma_start3A_356 = tpu.memref_squeeze %dma_start3A_355 : memref<1x32xi32, #tpu.memory_space<vmem>> -> memref<32xi32, #tpu.memory_space<vmem>>
          %dma_start3A_357 = arith.constant 0 : i32
          %dma_start3A_358 = arith.constant 0 : i32
          %dma_start3A_359 = tpu.memref_slice %arg2[%dma_start3A_357, %dma_start3A_358] : memref<10240x128xf32, #tpu.memory_space<hbm>> -> memref<10240x128xf32, #tpu.memory_space<hbm>>
          tpu.enqueue_indirect_dma source(%dma_start3A_359 : memref<10240x128xf32, #tpu.memory_space<hbm>>) target(%dma_start3A_353 : memref<32x128xf32, #tpu.memory_space<vmem>>) offsets(%dma_start3A_356 : memref<32xi32, #tpu.memory_space<vmem>>) semaphore(%arg13 : memref<!tpu.dma_semaphore, #tpu.memory_space<semaphore_mem>>)
          %add3A_360 = arith.addi %select_n3A, %add3A_315 : i32
          %dma_start3A_361 = arith.constant 0 : i32
          %dma_start3A_362 = arith.constant 0 : i32
          %dma_start3A_363 = tpu.memref_slice %arg9[%dma_start3A_361, %dma_start3A_362] : memref<2x128xi32, #tpu.memory_space<vmem>> -> memref<1x128xi32, #tpu.memory_space<vmem>>
          %dma_start3A_364 = tpu.memref_squeeze %dma_start3A_363 : memref<1x128xi32, #tpu.memory_space<vmem>> -> memref<128xi32, #tpu.memory_space<vmem>>
          %dma_start3A_365 = arith.constant 0 : i32
          %dma_start3A_366 = tpu.memref_slice %arg4[%add3A_360, %dma_start3A_365] : memref<2688x128xi32, #tpu.memory_space<hbm>> -> memref<1x128xi32, #tpu.memory_space<hbm>>
          %dma_start3A_367 = tpu.memref_squeeze %dma_start3A_366 : memref<1x128xi32, #tpu.memory_space<hbm>> -> memref<128xi32, #tpu.memory_space<hbm>>
          %dma_start3A_368 = arith.constant 0 : i32
          %dma_start3A_369 = tpu.memref_slice %arg9[%dma_start3A_361, %dma_start3A_368] : memref<2x128xi32, #tpu.memory_space<vmem>> -> memref<1x128xi32, #tpu.memory_space<vmem>>
          %dma_start3A_370 = tpu.memref_squeeze %dma_start3A_369 : memref<1x128xi32, #tpu.memory_space<vmem>> -> memref<128xi32, #tpu.memory_space<vmem>>
          %dma_start3A_371 = arith.constant 0 : i32
          %dma_start3A_372 = tpu.memref_slice %arg4[%add3A_360, %dma_start3A_371] : memref<2688x128xi32, #tpu.memory_space<hbm>> -> memref<1x128xi32, #tpu.memory_space<hbm>>
          %dma_start3A_373 = tpu.memref_squeeze %dma_start3A_372 : memref<1x128xi32, #tpu.memory_space<hbm>> -> memref<128xi32, #tpu.memory_space<hbm>>
          tpu.enqueue_dma source(%dma_start3A_373 : memref<128xi32, #tpu.memory_space<hbm>>) target(%dma_start3A_370 : memref<128xi32, #tpu.memory_space<vmem>>) target_semaphore(%arg18 : memref<!tpu.dma_semaphore, #tpu.memory_space<semaphore_mem>>)
        } else {
        }
        %add3A_252 = arith.constant 1 : i32
        %add3A_253 = arith.addi %mul3A_126, %add3A_252 : i32
        %dma_wait3A_254 = arith.constant 1 : i32
        %dma_wait3A_255 = arith.constant 0 : i32
        %dma_wait3A_256 = arith.constant 0 : i32
        %dma_wait3A_257 = tpu.memref_slice %arg8[%dma_wait3A_254, %dma_wait3A_255, %dma_wait3A_256] : memref<2x128x128xf32, #tpu.memory_space<vmem>> -> memref<1x32x128xf32, #tpu.memory_space<vmem>>
        %dma_wait3A_258 = tpu.memref_squeeze %dma_wait3A_257 : memref<1x32x128xf32, #tpu.memory_space<vmem>> -> memref<32x128xf32, #tpu.memory_space<vmem>>
        %dma_wait3A_259 = arith.constant 0 : i32
        %dma_wait3A_260 = tpu.memref_slice %arg7[%add3A_253, %dma_wait3A_259] : memref<120x128xi32, #tpu.memory_space<vmem>> -> memref<1x32xi32, #tpu.memory_space<vmem>>
        %dma_wait3A_261 = tpu.memref_squeeze %dma_wait3A_260 : memref<1x32xi32, #tpu.memory_space<vmem>> -> memref<32xi32, #tpu.memory_space<vmem>>
        %dma_wait3A_262 = arith.constant 0 : i32
        %dma_wait3A_263 = arith.constant 0 : i32
        %dma_wait3A_264 = tpu.memref_slice %arg2[%dma_wait3A_262, %dma_wait3A_263] : memref<10240x128xf32, #tpu.memory_space<hbm>> -> memref<10240x128xf32, #tpu.memory_space<hbm>>
        tpu.wait_indirect_dma semaphore(%arg14 : memref<!tpu.dma_semaphore, #tpu.memory_space<semaphore_mem>>) src(%dma_wait3A_264 : memref<10240x128xf32, #tpu.memory_space<hbm>>) dst(%dma_wait3A_258 : memref<32x128xf32, #tpu.memory_space<vmem>>)
        %dma_wait3A_265 = arith.constant 1 : i32
        %dma_wait3A_266 = arith.constant 32 : i32
        %dma_wait3A_267 = arith.constant 0 : i32
        %dma_wait3A_268 = tpu.memref_slice %arg8[%dma_wait3A_265, %dma_wait3A_266, %dma_wait3A_267] : memref<2x128x128xf32, #tpu.memory_space<vmem>> -> memref<1x32x128xf32, #tpu.memory_space<vmem>>
        %dma_wait3A_269 = tpu.memref_squeeze %dma_wait3A_268 : memref<1x32x128xf32, #tpu.memory_space<vmem>> -> memref<32x128xf32, #tpu.memory_space<vmem>>
        %dma_wait3A_270 = arith.constant 32 : i32
        %dma_wait3A_271 = tpu.memref_slice %arg7[%add3A_253, %dma_wait3A_270] : memref<120x128xi32, #tpu.memory_space<vmem>> -> memref<1x32xi32, #tpu.memory_space<vmem>>
        %dma_wait3A_272 = tpu.memref_squeeze %dma_wait3A_271 : memref<1x32xi32, #tpu.memory_space<vmem>> -> memref<32xi32, #tpu.memory_space<vmem>>
        %dma_wait3A_273 = arith.constant 0 : i32
        %dma_wait3A_274 = arith.constant 0 : i32
        %dma_wait3A_275 = tpu.memref_slice %arg2[%dma_wait3A_273, %dma_wait3A_274] : memref<10240x128xf32, #tpu.memory_space<hbm>> -> memref<10240x128xf32, #tpu.memory_space<hbm>>
        tpu.wait_indirect_dma semaphore(%arg15 : memref<!tpu.dma_semaphore, #tpu.memory_space<semaphore_mem>>) src(%dma_wait3A_275 : memref<10240x128xf32, #tpu.memory_space<hbm>>) dst(%dma_wait3A_269 : memref<32x128xf32, #tpu.memory_space<vmem>>)
        %dma_wait3A_276 = arith.constant 1 : i32
        %dma_wait3A_277 = arith.constant 64 : i32
        %dma_wait3A_278 = arith.constant 0 : i32
        %dma_wait3A_279 = tpu.memref_slice %arg8[%dma_wait3A_276, %dma_wait3A_277, %dma_wait3A_278] : memref<2x128x128xf32, #tpu.memory_space<vmem>> -> memref<1x32x128xf32, #tpu.memory_space<vmem>>
        %dma_wait3A_280 = tpu.memref_squeeze %dma_wait3A_279 : memref<1x32x128xf32, #tpu.memory_space<vmem>> -> memref<32x128xf32, #tpu.memory_space<vmem>>
        %dma_wait3A_281 = arith.constant 64 : i32
        %dma_wait3A_282 = tpu.memref_slice %arg7[%add3A_253, %dma_wait3A_281] : memref<120x128xi32, #tpu.memory_space<vmem>> -> memref<1x32xi32, #tpu.memory_space<vmem>>
        %dma_wait3A_283 = tpu.memref_squeeze %dma_wait3A_282 : memref<1x32xi32, #tpu.memory_space<vmem>> -> memref<32xi32, #tpu.memory_space<vmem>>
        %dma_wait3A_284 = arith.constant 0 : i32
        %dma_wait3A_285 = arith.constant 0 : i32
        %dma_wait3A_286 = tpu.memref_slice %arg2[%dma_wait3A_284, %dma_wait3A_285] : memref<10240x128xf32, #tpu.memory_space<hbm>> -> memref<10240x128xf32, #tpu.memory_space<hbm>>
        tpu.wait_indirect_dma semaphore(%arg16 : memref<!tpu.dma_semaphore, #tpu.memory_space<semaphore_mem>>) src(%dma_wait3A_286 : memref<10240x128xf32, #tpu.memory_space<hbm>>) dst(%dma_wait3A_280 : memref<32x128xf32, #tpu.memory_space<vmem>>)
        %dma_wait3A_287 = arith.constant 1 : i32
        %dma_wait3A_288 = arith.constant 96 : i32
        %dma_wait3A_289 = arith.constant 0 : i32
        %dma_wait3A_290 = tpu.memref_slice %arg8[%dma_wait3A_287, %dma_wait3A_288, %dma_wait3A_289] : memref<2x128x128xf32, #tpu.memory_space<vmem>> -> memref<1x32x128xf32, #tpu.memory_space<vmem>>
        %dma_wait3A_291 = tpu.memref_squeeze %dma_wait3A_290 : memref<1x32x128xf32, #tpu.memory_space<vmem>> -> memref<32x128xf32, #tpu.memory_space<vmem>>
        %dma_wait3A_292 = arith.constant 96 : i32
        %dma_wait3A_293 = tpu.memref_slice %arg7[%add3A_253, %dma_wait3A_292] : memref<120x128xi32, #tpu.memory_space<vmem>> -> memref<1x32xi32, #tpu.memory_space<vmem>>
        %dma_wait3A_294 = tpu.memref_squeeze %dma_wait3A_293 : memref<1x32xi32, #tpu.memory_space<vmem>> -> memref<32xi32, #tpu.memory_space<vmem>>
        %dma_wait3A_295 = arith.constant 0 : i32
        %dma_wait3A_296 = arith.constant 0 : i32
        %dma_wait3A_297 = tpu.memref_slice %arg2[%dma_wait3A_295, %dma_wait3A_296] : memref<10240x128xf32, #tpu.memory_space<hbm>> -> memref<10240x128xf32, #tpu.memory_space<hbm>>
        tpu.wait_indirect_dma semaphore(%arg17 : memref<!tpu.dma_semaphore, #tpu.memory_space<semaphore_mem>>) src(%dma_wait3A_297 : memref<10240x128xf32, #tpu.memory_space<hbm>>) dst(%dma_wait3A_291 : memref<32x128xf32, #tpu.memory_space<vmem>>)
        %add3A_298 = arith.addi %select_n3A, %add3A_253 : i32
        %dma_wait3A_299 = arith.constant 1 : i32
        %dma_wait3A_300 = arith.constant 0 : i32
        %dma_wait3A_301 = tpu.memref_slice %arg9[%dma_wait3A_299, %dma_wait3A_300] : memref<2x128xi32, #tpu.memory_space<vmem>> -> memref<1x128xi32, #tpu.memory_space<vmem>>
        %dma_wait3A_302 = tpu.memref_squeeze %dma_wait3A_301 : memref<1x128xi32, #tpu.memory_space<vmem>> -> memref<128xi32, #tpu.memory_space<vmem>>
        %dma_wait3A_303 = arith.constant 0 : i32
        %dma_wait3A_304 = tpu.memref_slice %arg4[%add3A_298, %dma_wait3A_303] : memref<2688x128xi32, #tpu.memory_space<hbm>> -> memref<1x128xi32, #tpu.memory_space<hbm>>
        %dma_wait3A_305 = tpu.memref_squeeze %dma_wait3A_304 : memref<1x128xi32, #tpu.memory_space<hbm>> -> memref<128xi32, #tpu.memory_space<hbm>>
        %dma_wait3A_306 = arith.constant 0 : i32
        %dma_wait3A_307 = tpu.memref_slice %arg9[%dma_wait3A_299, %dma_wait3A_306] : memref<2x128xi32, #tpu.memory_space<vmem>> -> memref<1x128xi32, #tpu.memory_space<vmem>>
        %dma_wait3A_308 = tpu.memref_squeeze %dma_wait3A_307 : memref<1x128xi32, #tpu.memory_space<vmem>> -> memref<128xi32, #tpu.memory_space<vmem>>
        %dma_wait3A_309 = arith.constant 0 : i32
        %dma_wait3A_310 = tpu.memref_slice %arg4[%add3A_298, %dma_wait3A_309] : memref<2688x128xi32, #tpu.memory_space<hbm>> -> memref<1x128xi32, #tpu.memory_space<hbm>>
        %dma_wait3A_311 = tpu.memref_squeeze %dma_wait3A_310 : memref<1x128xi32, #tpu.memory_space<hbm>> -> memref<128xi32, #tpu.memory_space<hbm>>
        tpu.wait_dma2 semaphore(%arg19 : memref<!tpu.dma_semaphore, #tpu.memory_space<semaphore_mem>>) src(%dma_wait3A_311 : memref<128xi32, #tpu.memory_space<hbm>>) dst(%dma_wait3A_308 : memref<128xi32, #tpu.memory_space<vmem>>)
        %run_scoped3A_312 = arith.constant 1 : i32
        %run_scoped3A_313 = arith.constant 1 : i32
        "tpu.region"() ({
          %run_scoped3A_314 = tpu.sem_alloc : memref<!tpu.dma_semaphore, #tpu.memory_space<semaphore_mem>>
          %dma_start3A_315 = arith.constant 0 : i32
          %dma_start3A_316 = arith.constant 0 : i32
          %dma_start3A_317 = tpu.memref_slice %arg8[%run_scoped3A_312, %dma_start3A_315, %dma_start3A_316] : memref<2x128x128xf32, #tpu.memory_space<vmem>> -> memref<1x128x128xf32, #tpu.memory_space<vmem>>
          %dma_start3A_318 = tpu.memref_squeeze %dma_start3A_317 : memref<1x128x128xf32, #tpu.memory_space<vmem>> -> memref<128x128xf32, #tpu.memory_space<vmem>>
          %dma_start3A_319 = arith.constant 0 : i32
          %dma_start3A_320 = tpu.memref_slice %arg9[%run_scoped3A_313, %dma_start3A_319] : memref<2x128xi32, #tpu.memory_space<vmem>> -> memref<1x128xi32, #tpu.memory_space<vmem>>
          %dma_start3A_321 = tpu.memref_squeeze %dma_start3A_320 : memref<1x128xi32, #tpu.memory_space<vmem>> -> memref<128xi32, #tpu.memory_space<vmem>>
          %dma_start3A_322 = arith.constant 0 : i32
          %dma_start3A_323 = arith.constant 0 : i32
          %dma_start3A_324 = tpu.memref_slice %arg6[%dma_start3A_322, %dma_start3A_323] : memref<10240x128xf32, #tpu.memory_space<vmem_shared>> -> memref<10240x128xf32, #tpu.memory_space<vmem_shared>>
          tpu.enqueue_indirect_dma source(%dma_start3A_318 : memref<128x128xf32, #tpu.memory_space<vmem>>) target(%dma_start3A_324 : memref<10240x128xf32, #tpu.memory_space<vmem_shared>>) offsets(%dma_start3A_321 : memref<128xi32, #tpu.memory_space<vmem>>) semaphore(%run_scoped3A_314 : memref<!tpu.dma_semaphore, #tpu.memory_space<semaphore_mem>>) {add = true}
          %dma_wait3A_325 = arith.constant 0 : i32
          %dma_wait3A_326 = arith.constant 0 : i32
          %dma_wait3A_327 = tpu.memref_slice %arg8[%run_scoped3A_312, %dma_wait3A_325, %dma_wait3A_326] : memref<2x128x128xf32, #tpu.memory_space<vmem>> -> memref<1x128x128xf32, #tpu.memory_space<vmem>>
          %dma_wait3A_328 = tpu.memref_squeeze %dma_wait3A_327 : memref<1x128x128xf32, #tpu.memory_space<vmem>> -> memref<128x128xf32, #tpu.memory_space<vmem>>
          %dma_wait3A_329 = arith.constant 0 : i32
          %dma_wait3A_330 = tpu.memref_slice %arg9[%run_scoped3A_313, %dma_wait3A_329] : memref<2x128xi32, #tpu.memory_space<vmem>> -> memref<1x128xi32, #tpu.memory_space<vmem>>
          %dma_wait3A_331 = tpu.memref_squeeze %dma_wait3A_330 : memref<1x128xi32, #tpu.memory_space<vmem>> -> memref<128xi32, #tpu.memory_space<vmem>>
          %dma_wait3A_332 = arith.constant 0 : i32
          %dma_wait3A_333 = arith.constant 0 : i32
          %dma_wait3A_334 = tpu.memref_slice %arg6[%dma_wait3A_332, %dma_wait3A_333] : memref<10240x128xf32, #tpu.memory_space<vmem_shared>> -> memref<10240x128xf32, #tpu.memory_space<vmem_shared>>
          tpu.wait_indirect_dma semaphore(%run_scoped3A_314 : memref<!tpu.dma_semaphore, #tpu.memory_space<semaphore_mem>>) src(%dma_wait3A_328 : memref<128x128xf32, #tpu.memory_space<vmem>>) dst(%dma_wait3A_334 : memref<10240x128xf32, #tpu.memory_space<vmem_shared>>)
          tpu.yield
        }) : () -> ()
      } else {
      }
    }
    %scan3A_92 = arith.constant 60 : i32
    %barrier3A_93 = arith.constant 0 : index
    tpu.barrier barrier_id(%barrier3A_93)
    %mul3A_94 = arith.constant 640 : i32
    %mul3A_95 = arith.muli %arg1, %mul3A_94 : i32
    %mul3A_96 = arith.constant 10240 : i32
    %mul3A_97 = arith.muli %arg0, %mul3A_96 : i32
    %mul3A_98 = arith.constant 640 : i32
    %mul3A_99 = arith.muli %arg1, %mul3A_98 : i32
    %add3A_100 = arith.addi %mul3A_97, %mul3A_99 : i32
    "tpu.region"() ({
      %run_scoped3A = tpu.sem_alloc : memref<!tpu.dma_semaphore, #tpu.memory_space<semaphore_mem>>
      %dma_start3A_101 = arith.constant 0 : i32
      %dma_start3A_102 = tpu.memref_slice %arg5[%add3A_100, %dma_start3A_101] : memref<20480x128xf32, #tpu.memory_space<hbm>> -> memref<640x128xf32, #tpu.memory_space<hbm>>
      %dma_start3A_103 = arith.constant 0 : i32
      %dma_start3A_104 = tpu.memref_slice %arg6[%mul3A_95, %dma_start3A_103] : memref<10240x128xf32, #tpu.memory_space<vmem_shared>> -> memref<640x128xf32, #tpu.memory_space<vmem_shared>>
      tpu.enqueue_dma source(%dma_start3A_104 : memref<640x128xf32, #tpu.memory_space<vmem_shared>>) target(%dma_start3A_102 : memref<640x128xf32, #tpu.memory_space<hbm>>) target_semaphore(%run_scoped3A : memref<!tpu.dma_semaphore, #tpu.memory_space<semaphore_mem>>)
      %dma_wait3A_105 = arith.constant 0 : i32
      %dma_wait3A_106 = tpu.memref_slice %arg5[%add3A_100, %dma_wait3A_105] : memref<20480x128xf32, #tpu.memory_space<hbm>> -> memref<640x128xf32, #tpu.memory_space<hbm>>
      %dma_wait3A_107 = arith.constant 0 : i32
      %dma_wait3A_108 = tpu.memref_slice %arg6[%mul3A_95, %dma_wait3A_107] : memref<10240x128xf32, #tpu.memory_space<vmem_shared>> -> memref<640x128xf32, #tpu.memory_space<vmem_shared>>
      tpu.wait_dma2 semaphore(%run_scoped3A : memref<!tpu.dma_semaphore, #tpu.memory_space<semaphore_mem>>) src(%dma_wait3A_108 : memref<640x128xf32, #tpu.memory_space<vmem_shared>>) dst(%dma_wait3A_106 : memref<640x128xf32, #tpu.memory_space<hbm>>)
      tpu.yield
    }) : () -> ()
    return
  }
}

#map = affine_map<(d0, d1) -> (0, 0)>
module attributes {stable_mosaic.version = 14 : i64} {
  func.func @_sc_scatter(%arg0: i32, %arg1: i32, %arg2: memref<10240x128xf32, #tpu.memory_space<hbm>>, %arg3: memref<2688x128xi32, #tpu.memory_space<hbm>>, %arg4: memref<2688x128xi32, #tpu.memory_space<hbm>>, %arg5: memref<20480x128xf32, #tpu.memory_space<hbm>>, %arg6: memref<10240x128xf32, #tpu.memory_space<vmem_shared>>, %arg7: memref<120x128xi32, #tpu.memory_space<vmem>>, %arg8: memref<2x128x128xf32, #tpu.memory_space<vmem>>, %arg9: memref<2x128xi32, #tpu.memory_space<vmem>>, %arg10: memref<!tpu.dma_semaphore, #tpu.memory_space<semaphore_mem>>, %arg11: memref<!tpu.dma_semaphore, #tpu.memory_space<semaphore_mem>>, %arg12: memref<!tpu.dma_semaphore, #tpu.memory_space<semaphore_mem>>, %arg13: memref<!tpu.dma_semaphore, #tpu.memory_space<semaphore_mem>>, %arg14: memref<!tpu.dma_semaphore, #tpu.memory_space<semaphore_mem>>, %arg15: memref<!tpu.dma_semaphore, #tpu.memory_space<semaphore_mem>>, %arg16: memref<!tpu.dma_semaphore, #tpu.memory_space<semaphore_mem>>, %arg17: memref<!tpu.dma_semaphore, #tpu.memory_space<semaphore_mem>>, %arg18: memref<!tpu.dma_semaphore, #tpu.memory_space<semaphore_mem>>, %arg19: memref<!tpu.dma_semaphore, #tpu.memory_space<semaphore_mem>>) attributes {dimension_semantics = [#tpu.dimension_semantics<core_parallel>, #tpu.dimension_semantics<subcore_parallel>], iteration_bounds = array<i64: 2, 16>, scalar_prefetch = 0 : i64, scratch_operands = 14 : i64, tpu.core_type = #tpu.core_type<sc_vector_subcore>, window_params = [{transform_indices = #map}, {transform_indices = #map}, {transform_indices = #map}, {transform_indices = #map}]} {
    %broadcast_in_dim3A = arith.constant 0.000000e+00 : f32
    %broadcast_in_dim3A_0 = vector.broadcast %broadcast_in_dim3A : f32 to vector<16xf32>
    %eq3A = arith.constant 0 : i32
    %eq3A_1 = arith.cmpi eq, %arg0, %eq3A : i32
    %mul3A = arith.constant 120 : i32
    %mul3A_2 = arith.muli %arg1, %mul3A : i32
    %mul3A_3 = arith.constant 40 : i32
    %mul3A_4 = arith.muli %arg1, %mul3A_3 : i32
    %add3A = arith.constant 1920 : i32
    %add3A_5 = arith.addi %add3A, %mul3A_4 : i32
    %select_n3A = arith.select %eq3A_1, %mul3A_2, %add3A_5 : i32
    %eq3A_6 = arith.constant 0 : i32
    %eq3A_7 = arith.cmpi eq, %arg0, %eq3A_6 : i32
    %jit3A = arith.constant 120 : i32
    %jit3A_8 = arith.constant 40 : i32
    %select_n3A_9 = arith.select %eq3A_7, %jit3A, %jit3A_8 : i32
    %dma_start3A = arith.constant 0 : i32
    %dma_start3A_10 = tpu.memref_slice %arg3[%select_n3A, %dma_start3A] : memref<2688x128xi32, #tpu.memory_space<hbm>> -> memref<120x128xi32, #tpu.memory_space<hbm>>
    %dma_start3A_11 = arith.constant 0 : i32
    %dma_start3A_12 = tpu.memref_slice %arg3[%select_n3A, %dma_start3A_11] : memref<2688x128xi32, #tpu.memory_space<hbm>> -> memref<120x128xi32, #tpu.memory_space<hbm>>
    tpu.enqueue_dma source(%dma_start3A_12 : memref<120x128xi32, #tpu.memory_space<hbm>>) target(%arg7 : memref<120x128xi32, #tpu.memory_space<vmem>>) target_semaphore(%arg10 : memref<!tpu.dma_semaphore, #tpu.memory_space<semaphore_mem>>)
    %scan3A = arith.constant 0 : i32
    %scan3A_13 = arith.constant 128 : i32
    %scan3A_14 = arith.addi %scan3A, %scan3A_13 : i32
    %scan3A_15 = arith.constant 1 : i32
    scf.for %scan3A_101 = %scan3A to %scan3A_14 step %scan3A_15  : i32 {
      %mul3A_102 = arith.constant 1 : i32
      %mul3A_103 = arith.muli %scan3A_101, %mul3A_102 : i32
      %add3A_104 = arith.constant 0 : i32
      %add3A_105 = arith.addi %add3A_104, %mul3A_103 : i32
      %swap3A = arith.constant 0 : i32
      %swap3A_106 = arith.index_cast %swap3A : i32 to index
      %swap3A_107 = arith.index_cast %add3A_105 : i32 to index
      %swap3A_108 = arith.constant 0 : index
      %swap3A_109 = tpu.vector_load %arg8[%swap3A_106, %swap3A_107, %swap3A_108] {strides = array<i32>} : memref<2x128x128xf32, #tpu.memory_space<vmem>>, vector<1x1x16xf32>,
      %swap3A_110 = vector.shape_cast %swap3A_109 : vector<1x1x16xf32> to vector<16xf32>
      %swap3A_111 = vector.shape_cast %broadcast_in_dim3A_0 : vector<16xf32> to vector<1x1x16xf32>
      tpu.vector_store %arg8[%swap3A_106, %swap3A_107, %swap3A_108], %swap3A_111 {strides = array<i32>} : memref<2x128x128xf32, #tpu.memory_space<vmem>>, vector<1x1x16xf32>,
      %swap3A_112 = arith.constant 0 : i32
      %swap3A_113 = arith.index_cast %swap3A_112 : i32 to index
      %swap3A_114 = arith.index_cast %add3A_105 : i32 to index
      %swap3A_115 = arith.constant 16 : index
      %swap3A_116 = tpu.vector_load %arg8[%swap3A_113, %swap3A_114, %swap3A_115] {strides = array<i32>} : memref<2x128x128xf32, #tpu.memory_space<vmem>>, vector<1x1x16xf32>,
      %swap3A_117 = vector.shape_cast %swap3A_116 : vector<1x1x16xf32> to vector<16xf32>
      %swap3A_118 = vector.shape_cast %broadcast_in_dim3A_0 : vector<16xf32> to vector<1x1x16xf32>
      tpu.vector_store %arg8[%swap3A_113, %swap3A_114, %swap3A_115], %swap3A_118 {strides = array<i32>} : memref<2x128x128xf32, #tpu.memory_space<vmem>>, vector<1x1x16xf32>,
      %swap3A_119 = arith.constant 0 : i32
      %swap3A_120 = arith.index_cast %swap3A_119 : i32 to index
      %swap3A_121 = arith.index_cast %add3A_105 : i32 to index
      %swap3A_122 = arith.constant 32 : index
      %swap3A_123 = tpu.vector_load %arg8[%swap3A_120, %swap3A_121, %swap3A_122] {strides = array<i32>} : memref<2x128x128xf32, #tpu.memory_space<vmem>>, vector<1x1x16xf32>,
      %swap3A_124 = vector.shape_cast %swap3A_123 : vector<1x1x16xf32> to vector<16xf32>
      %swap3A_125 = vector.shape_cast %broadcast_in_dim3A_0 : vector<16xf32> to vector<1x1x16xf32>
      tpu.vector_store %arg8[%swap3A_120, %swap3A_121, %swap3A_122], %swap3A_125 {strides = array<i32>} : memref<2x128x128xf32, #tpu.memory_space<vmem>>, vector<1x1x16xf32>,
      %swap3A_126 = arith.constant 0 : i32
      %swap3A_127 = arith.index_cast %swap3A_126 : i32 to index
      %swap3A_128 = arith.index_cast %add3A_105 : i32 to index
      %swap3A_129 = arith.constant 48 : index
      %swap3A_130 = tpu.vector_load %arg8[%swap3A_127, %swap3A_128, %swap3A_129] {strides = array<i32>} : memref<2x128x128xf32, #tpu.memory_space<vmem>>, vector<1x1x16xf32>,
      %swap3A_131 = vector.shape_cast %swap3A_130 : vector<1x1x16xf32> to vector<16xf32>
      %swap3A_132 = vector.shape_cast %broadcast_in_dim3A_0 : vector<16xf32> to vector<1x1x16xf32>
      tpu.vector_store %arg8[%swap3A_127, %swap3A_128, %swap3A_129], %swap3A_132 {strides = array<i32>} : memref<2x128x128xf32, #tpu.memory_space<vmem>>, vector<1x1x16xf32>,
      %swap3A_133 = arith.constant 0 : i32
      %swap3A_134 = arith.index_cast %swap3A_133 : i32 to index
      %swap3A_135 = arith.index_cast %add3A_105 : i32 to index
      %swap3A_136 = arith.constant 64 : index
      %swap3A_137 = tpu.vector_load %arg8[%swap3A_134, %swap3A_135, %swap3A_136] {strides = array<i32>} : memref<2x128x128xf32, #tpu.memory_space<vmem>>, vector<1x1x16xf32>,
      %swap3A_138 = vector.shape_cast %swap3A_137 : vector<1x1x16xf32> to vector<16xf32>
      %swap3A_139 = vector.shape_cast %broadcast_in_dim3A_0 : vector<16xf32> to vector<1x1x16xf32>
      tpu.vector_store %arg8[%swap3A_134, %swap3A_135, %swap3A_136], %swap3A_139 {strides = array<i32>} : memref<2x128x128xf32, #tpu.memory_space<vmem>>, vector<1x1x16xf32>,
      %swap3A_140 = arith.constant 0 : i32
      %swap3A_141 = arith.index_cast %swap3A_140 : i32 to index
      %swap3A_142 = arith.index_cast %add3A_105 : i32 to index
      %swap3A_143 = arith.constant 80 : index
      %swap3A_144 = tpu.vector_load %arg8[%swap3A_141, %swap3A_142, %swap3A_143] {strides = array<i32>} : memref<2x128x128xf32, #tpu.memory_space<vmem>>, vector<1x1x16xf32>,
      %swap3A_145 = vector.shape_cast %swap3A_144 : vector<1x1x16xf32> to vector<16xf32>
      %swap3A_146 = vector.shape_cast %broadcast_in_dim3A_0 : vector<16xf32> to vector<1x1x16xf32>
      tpu.vector_store %arg8[%swap3A_141, %swap3A_142, %swap3A_143], %swap3A_146 {strides = array<i32>} : memref<2x128x128xf32, #tpu.memory_space<vmem>>, vector<1x1x16xf32>,
      %swap3A_147 = arith.constant 0 : i32
      %swap3A_148 = arith.index_cast %swap3A_147 : i32 to index
      %swap3A_149 = arith.index_cast %add3A_105 : i32 to index
      %swap3A_150 = arith.constant 96 : index
      %swap3A_151 = tpu.vector_load %arg8[%swap3A_148, %swap3A_149, %swap3A_150] {strides = array<i32>} : memref<2x128x128xf32, #tpu.memory_space<vmem>>, vector<1x1x16xf32>,
      %swap3A_152 = vector.shape_cast %swap3A_151 : vector<1x1x16xf32> to vector<16xf32>
      %swap3A_153 = vector.shape_cast %broadcast_in_dim3A_0 : vector<16xf32> to vector<1x1x16xf32>
      tpu.vector_store %arg8[%swap3A_148, %swap3A_149, %swap3A_150], %swap3A_153 {strides = array<i32>} : memref<2x128x128xf32, #tpu.memory_space<vmem>>, vector<1x1x16xf32>,
      %swap3A_154 = arith.constant 0 : i32
      %swap3A_155 = arith.index_cast %swap3A_154 : i32 to index
      %swap3A_156 = arith.index_cast %add3A_105 : i32 to index
      %swap3A_157 = arith.constant 112 : index
      %swap3A_158 = tpu.vector_load %arg8[%swap3A_155, %swap3A_156, %swap3A_157] {strides = array<i32>} : memref<2x128x128xf32, #tpu.memory_space<vmem>>, vector<1x1x16xf32>,
      %swap3A_159 = vector.shape_cast %swap3A_158 : vector<1x1x16xf32> to vector<16xf32>
      %swap3A_160 = vector.shape_cast %broadcast_in_dim3A_0 : vector<16xf32> to vector<1x1x16xf32>
      tpu.vector_store %arg8[%swap3A_155, %swap3A_156, %swap3A_157], %swap3A_160 {strides = array<i32>} : memref<2x128x128xf32, #tpu.memory_space<vmem>>, vector<1x1x16xf32>,
    }
    %scan3A_16 = arith.constant 128 : i32
    %scan3A_17 = arith.constant 0 : i32
    %scan3A_18 = arith.constant 5 : i32
    %scan3A_19 = arith.addi %scan3A_17, %scan3A_18 : i32
    %scan3A_20 = arith.constant 1 : i32
    scf.for %scan3A_101 = %scan3A_17 to %scan3A_19 step %scan3A_20  : i32 {
      %mul3A_102 = arith.constant 1 : i32
      %mul3A_103 = arith.muli %scan3A_101, %mul3A_102 : i32
      %add3A_104 = arith.constant 0 : i32
      %add3A_105 = arith.addi %add3A_104, %mul3A_103 : i32
      %mul3A_106 = arith.constant 640 : i32
      %mul3A_107 = arith.muli %arg1, %mul3A_106 : i32
      %mul3A_108 = arith.constant 128 : i32
      %mul3A_109 = arith.muli %add3A_105, %mul3A_108 : i32
      %add3A_110 = arith.addi %mul3A_107, %mul3A_109 : i32
      %run_scoped3A = arith.constant 0 : i32
      "tpu.region"() ({
        %run_scoped3A_111 = tpu.sem_alloc : memref<!tpu.dma_semaphore, #tpu.memory_space<semaphore_mem>>
        %dma_start3A_112 = arith.constant 0 : i32
        %dma_start3A_113 = arith.constant 0 : i32
        %dma_start3A_114 = tpu.memref_slice %arg8[%run_scoped3A, %dma_start3A_112, %dma_start3A_113] : memref<2x128x128xf32, #tpu.memory_space<vmem>> -> memref<1x128x128xf32, #tpu.memory_space<vmem>>
        %dma_start3A_115 = tpu.memref_squeeze %dma_start3A_114 : memref<1x128x128xf32, #tpu.memory_space<vmem>> -> memref<128x128xf32, #tpu.memory_space<vmem>>
        %dma_start3A_116 = arith.constant 0 : i32
        %dma_start3A_117 = tpu.memref_slice %arg6[%add3A_110, %dma_start3A_116] : memref<10240x128xf32, #tpu.memory_space<vmem_shared>> -> memref<128x128xf32, #tpu.memory_space<vmem_shared>>
        %dma_start3A_118 = arith.constant 0 : i32
        %dma_start3A_119 = tpu.memref_slice %arg6[%add3A_110, %dma_start3A_118] : memref<10240x128xf32, #tpu.memory_space<vmem_shared>> -> memref<128x128xf32, #tpu.memory_space<vmem_shared>>
        %dma_start3A_120 = arith.constant 0 : i32
        %dma_start3A_121 = arith.constant 0 : i32
        %dma_start3A_122 = tpu.memref_slice %arg8[%run_scoped3A, %dma_start3A_120, %dma_start3A_121] : memref<2x128x128xf32, #tpu.memory_space<vmem>> -> memref<1x128x128xf32, #tpu.memory_space<vmem>>
        %dma_start3A_123 = tpu.memref_squeeze %dma_start3A_122 : memref<1x128x128xf32, #tpu.memory_space<vmem>> -> memref<128x128xf32, #tpu.memory_space<vmem>>
        tpu.enqueue_dma source(%dma_start3A_123 : memref<128x128xf32, #tpu.memory_space<vmem>>) target(%dma_start3A_119 : memref<128x128xf32, #tpu.memory_space<vmem_shared>>) target_semaphore(%run_scoped3A_111 : memref<!tpu.dma_semaphore, #tpu.memory_space<semaphore_mem>>)
        %dma_wait3A_124 = arith.constant 0 : i32
        %dma_wait3A_125 = arith.constant 0 : i32
        %dma_wait3A_126 = tpu.memref_slice %arg8[%run_scoped3A, %dma_wait3A_124, %dma_wait3A_125] : memref<2x128x128xf32, #tpu.memory_space<vmem>> -> memref<1x128x128xf32, #tpu.memory_space<vmem>>
        %dma_wait3A_127 = tpu.memref_squeeze %dma_wait3A_126 : memref<1x128x128xf32, #tpu.memory_space<vmem>> -> memref<128x128xf32, #tpu.memory_space<vmem>>
        %dma_wait3A_128 = arith.constant 0 : i32
        %dma_wait3A_129 = tpu.memref_slice %arg6[%add3A_110, %dma_wait3A_128] : memref<10240x128xf32, #tpu.memory_space<vmem_shared>> -> memref<128x128xf32, #tpu.memory_space<vmem_shared>>
        %dma_wait3A_130 = arith.constant 0 : i32
        %dma_wait3A_131 = tpu.memref_slice %arg6[%add3A_110, %dma_wait3A_130] : memref<10240x128xf32, #tpu.memory_space<vmem_shared>> -> memref<128x128xf32, #tpu.memory_space<vmem_shared>>
        %dma_wait3A_132 = arith.constant 0 : i32
        %dma_wait3A_133 = arith.constant 0 : i32
        %dma_wait3A_134 = tpu.memref_slice %arg8[%run_scoped3A, %dma_wait3A_132, %dma_wait3A_133] : memref<2x128x128xf32, #tpu.memory_space<vmem>> -> memref<1x128x128xf32, #tpu.memory_space<vmem>>
        %dma_wait3A_135 = tpu.memref_squeeze %dma_wait3A_134 : memref<1x128x128xf32, #tpu.memory_space<vmem>> -> memref<128x128xf32, #tpu.memory_space<vmem>>
        tpu.wait_dma2 semaphore(%run_scoped3A_111 : memref<!tpu.dma_semaphore, #tpu.memory_space<semaphore_mem>>) src(%dma_wait3A_135 : memref<128x128xf32, #tpu.memory_space<vmem>>) dst(%dma_wait3A_131 : memref<128x128xf32, #tpu.memory_space<vmem_shared>>)
        tpu.yield
      }) : () -> ()
    }
    %scan3A_21 = arith.constant 5 : i32
    %dma_wait3A = arith.constant 0 : i32
    %dma_wait3A_22 = tpu.memref_slice %arg3[%select_n3A, %dma_wait3A] : memref<2688x128xi32, #tpu.memory_space<hbm>> -> memref<120x128xi32, #tpu.memory_space<hbm>>
    %dma_wait3A_23 = arith.constant 0 : i32
    %dma_wait3A_24 = tpu.memref_slice %arg3[%select_n3A, %dma_wait3A_23] : memref<2688x128xi32, #tpu.memory_space<hbm>> -> memref<120x128xi32, #tpu.memory_space<hbm>>
    tpu.wait_dma2 semaphore(%arg10 : memref<!tpu.dma_semaphore, #tpu.memory_space<semaphore_mem>>) src(%dma_wait3A_24 : memref<120x128xi32, #tpu.memory_space<hbm>>) dst(%arg7 : memref<120x128xi32, #tpu.memory_space<vmem>>)
    %barrier3A = arith.constant 0 : index
    tpu.barrier barrier_id(%barrier3A)
    %dma_start3A_25 = arith.constant 0 : i32
    %dma_start3A_26 = arith.constant 0 : i32
    %dma_start3A_27 = arith.constant 0 : i32
    %dma_start3A_28 = arith.constant 0 : i32
    %dma_start3A_29 = tpu.memref_slice %arg8[%dma_start3A_26, %dma_start3A_27, %dma_start3A_28] : memref<2x128x128xf32, #tpu.memory_space<vmem>> -> memref<1x32x128xf32, #tpu.memory_space<vmem>>
    %dma_start3A_30 = tpu.memref_squeeze %dma_start3A_29 : memref<1x32x128xf32, #tpu.memory_space<vmem>> -> memref<32x128xf32, #tpu.memory_space<vmem>>
    %dma_start3A_31 = arith.constant 0 : i32
    %dma_start3A_32 = tpu.memref_slice %arg7[%dma_start3A_25, %dma_start3A_31] : memref<120x128xi32, #tpu.memory_space<vmem>> -> memref<1x32xi32, #tpu.memory_space<vmem>>
    %dma_start3A_33 = tpu.memref_squeeze %dma_start3A_32 : memref<1x32xi32, #tpu.memory_space<vmem>> -> memref<32xi32, #tpu.memory_space<vmem>>
    %dma_start3A_34 = arith.constant 0 : i32
    %dma_start3A_35 = arith.constant 0 : i32
    %dma_start3A_36 = tpu.memref_slice %arg2[%dma_start3A_34, %dma_start3A_35] : memref<10240x128xf32, #tpu.memory_space<hbm>> -> memref<10240x128xf32, #tpu.memory_space<hbm>>
    tpu.enqueue_indirect_dma source(%dma_start3A_36 : memref<10240x128xf32, #tpu.memory_space<hbm>>) target(%dma_start3A_30 : memref<32x128xf32, #tpu.memory_space<vmem>>) offsets(%dma_start3A_33 : memref<32xi32, #tpu.memory_space<vmem>>) semaphore(%arg10 : memref<!tpu.dma_semaphore, #tpu.memory_space<semaphore_mem>>)
    %dma_start3A_37 = arith.constant 0 : i32
    %dma_start3A_38 = arith.constant 0 : i32
    %dma_start3A_39 = arith.constant 32 : i32
    %dma_start3A_40 = arith.constant 0 : i32
    %dma_start3A_41 = tpu.memref_slice %arg8[%dma_start3A_38, %dma_start3A_39, %dma_start3A_40] : memref<2x128x128xf32, #tpu.memory_space<vmem>> -> memref<1x32x128xf32, #tpu.memory_space<vmem>>
    %dma_start3A_42 = tpu.memref_squeeze %dma_start3A_41 : memref<1x32x128xf32, #tpu.memory_space<vmem>> -> memref<32x128xf32, #tpu.memory_space<vmem>>
    %dma_start3A_43 = arith.constant 32 : i32
    %dma_start3A_44 = tpu.memref_slice %arg7[%dma_start3A_37, %dma_start3A_43] : memref<120x128xi32, #tpu.memory_space<vmem>> -> memref<1x32xi32, #tpu.memory_space<vmem>>
    %dma_start3A_45 = tpu.memref_squeeze %dma_start3A_44 : memref<1x32xi32, #tpu.memory_space<vmem>> -> memref<32xi32, #tpu.memory_space<vmem>>
    %dma_start3A_46 = arith.constant 0 : i32
    %dma_start3A_47 = arith.constant 0 : i32
    %dma_start3A_48 = tpu.memref_slice %arg2[%dma_start3A_46, %dma_start3A_47] : memref<10240x128xf32, #tpu.memory_space<hbm>> -> memref<10240x128xf32, #tpu.memory_space<hbm>>
    tpu.enqueue_indirect_dma source(%dma_start3A_48 : memref<10240x128xf32, #tpu.memory_space<hbm>>) target(%dma_start3A_42 : memref<32x128xf32, #tpu.memory_space<vmem>>) offsets(%dma_start3A_45 : memref<32xi32, #tpu.memory_space<vmem>>) semaphore(%arg11 : memref<!tpu.dma_semaphore, #tpu.memory_space<semaphore_mem>>)
    %dma_start3A_49 = arith.constant 0 : i32
    %dma_start3A_50 = arith.constant 0 : i32
    %dma_start3A_51 = arith.constant 64 : i32
    %dma_start3A_52 = arith.constant 0 : i32
    %dma_start3A_53 = tpu.memref_slice %arg8[%dma_start3A_50, %dma_start3A_51, %dma_start3A_52] : memref<2x128x128xf32, #tpu.memory_space<vmem>> -> memref<1x32x128xf32, #tpu.memory_space<vmem>>
    %dma_start3A_54 = tpu.memref_squeeze %dma_start3A_53 : memref<1x32x128xf32, #tpu.memory_space<vmem>> -> memref<32x128xf32, #tpu.memory_space<vmem>>
    %dma_start3A_55 = arith.constant 64 : i32
    %dma_start3A_56 = tpu.memref_slice %arg7[%dma_start3A_49, %dma_start3A_55] : memref<120x128xi32, #tpu.memory_space<vmem>> -> memref<1x32xi32, #tpu.memory_space<vmem>>
    %dma_start3A_57 = tpu.memref_squeeze %dma_start3A_56 : memref<1x32xi32, #tpu.memory_space<vmem>> -> memref<32xi32, #tpu.memory_space<vmem>>
    %dma_start3A_58 = arith.constant 0 : i32
    %dma_start3A_59 = arith.constant 0 : i32
    %dma_start3A_60 = tpu.memref_slice %arg2[%dma_start3A_58, %dma_start3A_59] : memref<10240x128xf32, #tpu.memory_space<hbm>> -> memref<10240x128xf32, #tpu.memory_space<hbm>>
    tpu.enqueue_indirect_dma source(%dma_start3A_60 : memref<10240x128xf32, #tpu.memory_space<hbm>>) target(%dma_start3A_54 : memref<32x128xf32, #tpu.memory_space<vmem>>) offsets(%dma_start3A_57 : memref<32xi32, #tpu.memory_space<vmem>>) semaphore(%arg12 : memref<!tpu.dma_semaphore, #tpu.memory_space<semaphore_mem>>)
    %dma_start3A_61 = arith.constant 0 : i32
    %dma_start3A_62 = arith.constant 0 : i32
    %dma_start3A_63 = arith.constant 96 : i32
    %dma_start3A_64 = arith.constant 0 : i32
    %dma_start3A_65 = tpu.memref_slice %arg8[%dma_start3A_62, %dma_start3A_63, %dma_start3A_64] : memref<2x128x128xf32, #tpu.memory_space<vmem>> -> memref<1x32x128xf32, #tpu.memory_space<vmem>>
    %dma_start3A_66 = tpu.memref_squeeze %dma_start3A_65 : memref<1x32x128xf32, #tpu.memory_space<vmem>> -> memref<32x128xf32, #tpu.memory_space<vmem>>
    %dma_start3A_67 = arith.constant 96 : i32
    %dma_start3A_68 = tpu.memref_slice %arg7[%dma_start3A_61, %dma_start3A_67] : memref<120x128xi32, #tpu.memory_space<vmem>> -> memref<1x32xi32, #tpu.memory_space<vmem>>
    %dma_start3A_69 = tpu.memref_squeeze %dma_start3A_68 : memref<1x32xi32, #tpu.memory_space<vmem>> -> memref<32xi32, #tpu.memory_space<vmem>>
    %dma_start3A_70 = arith.constant 0 : i32
    %dma_start3A_71 = arith.constant 0 : i32
    %dma_start3A_72 = tpu.memref_slice %arg2[%dma_start3A_70, %dma_start3A_71] : memref<10240x128xf32, #tpu.memory_space<hbm>> -> memref<10240x128xf32, #tpu.memory_space<hbm>>
    tpu.enqueue_indirect_dma source(%dma_start3A_72 : memref<10240x128xf32, #tpu.memory_space<hbm>>) target(%dma_start3A_66 : memref<32x128xf32, #tpu.memory_space<vmem>>) offsets(%dma_start3A_69 : memref<32xi32, #tpu.memory_space<vmem>>) semaphore(%arg13 : memref<!tpu.dma_semaphore, #tpu.memory_space<semaphore_mem>>)
    %add3A_73 = arith.constant 0 : i32
    %add3A_74 = arith.addi %select_n3A, %add3A_73 : i32
    %dma_start3A_75 = arith.constant 0 : i32
    %dma_start3A_76 = arith.constant 0 : i32
    %dma_start3A_77 = tpu.memref_slice %arg9[%dma_start3A_75, %dma_start3A_76] : memref<2x128xi32, #tpu.memory_space<vmem>> -> memref<1x128xi32, #tpu.memory_space<vmem>>
    %dma_start3A_78 = tpu.memref_squeeze %dma_start3A_77 : memref<1x128xi32, #tpu.memory_space<vmem>> -> memref<128xi32, #tpu.memory_space<vmem>>
    %dma_start3A_79 = arith.constant 0 : i32
    %dma_start3A_80 = tpu.memref_slice %arg4[%add3A_74, %dma_start3A_79] : memref<2688x128xi32, #tpu.memory_space<hbm>> -> memref<1x128xi32, #tpu.memory_space<hbm>>
    %dma_start3A_81 = tpu.memref_squeeze %dma_start3A_80 : memref<1x128xi32, #tpu.memory_space<hbm>> -> memref<128xi32, #tpu.memory_space<hbm>>
    %dma_start3A_82 = arith.constant 0 : i32
    %dma_start3A_83 = tpu.memref_slice %arg9[%dma_start3A_75, %dma_start3A_82] : memref<2x128xi32, #tpu.memory_space<vmem>> -> memref<1x128xi32, #tpu.memory_space<vmem>>
    %dma_start3A_84 = tpu.memref_squeeze %dma_start3A_83 : memref<1x128xi32, #tpu.memory_space<vmem>> -> memref<128xi32, #tpu.memory_space<vmem>>
    %dma_start3A_85 = arith.constant 0 : i32
    %dma_start3A_86 = tpu.memref_slice %arg4[%add3A_74, %dma_start3A_85] : memref<2688x128xi32, #tpu.memory_space<hbm>> -> memref<1x128xi32, #tpu.memory_space<hbm>>
    %dma_start3A_87 = tpu.memref_squeeze %dma_start3A_86 : memref<1x128xi32, #tpu.memory_space<hbm>> -> memref<128xi32, #tpu.memory_space<hbm>>
    tpu.enqueue_dma source(%dma_start3A_87 : memref<128xi32, #tpu.memory_space<hbm>>) target(%dma_start3A_84 : memref<128xi32, #tpu.memory_space<vmem>>) target_semaphore(%arg18 : memref<!tpu.dma_semaphore, #tpu.memory_space<semaphore_mem>>)
    %scan3A_88 = arith.constant 0 : i32
    %scan3A_89 = arith.constant 60 : i32
    %scan3A_90 = arith.addi %scan3A_88, %scan3A_89 : i32
    %scan3A_91 = arith.constant 1 : i32
    scf.for %scan3A_101 = %scan3A_88 to %scan3A_90 step %scan3A_91  : i32 {
      %mul3A_102 = arith.constant 1 : i32
      %mul3A_103 = arith.muli %scan3A_101, %mul3A_102 : i32
      %add3A_104 = arith.constant 0 : i32
      %add3A_105 = arith.addi %add3A_104, %mul3A_103 : i32
      %jit3A_106 = arith.constant 2 : i32
      %div3A = arith.divsi %select_n3A_9, %jit3A_106 : i32
      %sign3A = arith.constant 0 : i32
      %sign3A_107 = arith.cmpi sgt, %select_n3A_9, %sign3A : i32
      %sign3A_108 = arith.extui %sign3A_107 : i1 to i32
      %sign3A_109 = arith.constant 0 : i32
      %sign3A_110 = arith.cmpi slt, %select_n3A_9, %sign3A_109 : i32
      %sign3A_111 = arith.extui %sign3A_110 : i1 to i32
      %sign3A_112 = arith.subi %sign3A_108, %sign3A_111 : i32
      %sign3A_113 = arith.constant 0 : i32
      %sign3A_114 = arith.cmpi sgt, %jit3A_106, %sign3A_113 : i32
      %sign3A_115 = arith.extui %sign3A_114 : i1 to i32
      %sign3A_116 = arith.constant 0 : i32
      %sign3A_117 = arith.cmpi slt, %jit3A_106, %sign3A_116 : i32
      %sign3A_118 = arith.extui %sign3A_117 : i1 to i32
      %sign3A_119 = arith.subi %sign3A_115, %sign3A_118 : i32
      %ne3A = arith.cmpi ne, %sign3A_112, %sign3A_119 : i32
      %rem3A = arith.remsi %select_n3A_9, %jit3A_106 : i32
      %ne3A_120 = arith.constant 0 : i32
      %ne3A_121 = arith.cmpi ne, %rem3A, %ne3A_120 : i32
      %and3A = arith.andi %ne3A, %ne3A_121 : i1
      %sub3A = arith.constant 1 : i32
      %sub3A_122 = arith.subi %div3A, %sub3A : i32
      %select_n3A_123 = arith.select %and3A, %sub3A_122, %div3A : i32
      %lt3A = arith.cmpi slt, %add3A_105, %select_n3A_123 : i32
      %convert_element_type3A = arith.extui %lt3A : i1 to i32
      %cond3A = arith.constant 0 : i32
      %cond3A_124 = arith.cmpi ne, %convert_element_type3A, %cond3A : i32
      scf.if %cond3A_124 {
        %mul3A_125 = arith.constant 2 : i32
        %mul3A_126 = arith.muli %mul3A_125, %add3A_105 : i32
        %add3A_127 = arith.constant 1 : i32
        %add3A_128 = arith.addi %mul3A_126, %add3A_127 : i32
        %dma_start3A_129 = arith.constant 1 : i32
        %dma_start3A_130 = arith.constant 0 : i32
        %dma_start3A_131 = arith.constant 0 : i32
        %dma_start3A_132 = tpu.memref_slice %arg8[%dma_start3A_129, %dma_start3A_130, %dma_start3A_131] : memref<2x128x128xf32, #tpu.memory_space<vmem>> -> memref<1x32x128xf32, #tpu.memory_space<vmem>>
        %dma_start3A_133 = tpu.memref_squeeze %dma_start3A_132 : memref<1x32x128xf32, #tpu.memory_space<vmem>> -> memref<32x128xf32, #tpu.memory_space<vmem>>
        %dma_start3A_134 = arith.constant 0 : i32
        %dma_start3A_135 = tpu.memref_slice %arg7[%add3A_128, %dma_start3A_134] : memref<120x128xi32, #tpu.memory_space<vmem>> -> memref<1x32xi32, #tpu.memory_space<vmem>>
        %dma_start3A_136 = tpu.memref_squeeze %dma_start3A_135 : memref<1x32xi32, #tpu.memory_space<vmem>> -> memref<32xi32, #tpu.memory_space<vmem>>
        %dma_start3A_137 = arith.constant 0 : i32
        %dma_start3A_138 = arith.constant 0 : i32
        %dma_start3A_139 = tpu.memref_slice %arg2[%dma_start3A_137, %dma_start3A_138] : memref<10240x128xf32, #tpu.memory_space<hbm>> -> memref<10240x128xf32, #tpu.memory_space<hbm>>
        tpu.enqueue_indirect_dma source(%dma_start3A_139 : memref<10240x128xf32, #tpu.memory_space<hbm>>) target(%dma_start3A_133 : memref<32x128xf32, #tpu.memory_space<vmem>>) offsets(%dma_start3A_136 : memref<32xi32, #tpu.memory_space<vmem>>) semaphore(%arg14 : memref<!tpu.dma_semaphore, #tpu.memory_space<semaphore_mem>>)
        %dma_start3A_140 = arith.constant 1 : i32
        %dma_start3A_141 = arith.constant 32 : i32
        %dma_start3A_142 = arith.constant 0 : i32
        %dma_start3A_143 = tpu.memref_slice %arg8[%dma_start3A_140, %dma_start3A_141, %dma_start3A_142] : memref<2x128x128xf32, #tpu.memory_space<vmem>> -> memref<1x32x128xf32, #tpu.memory_space<vmem>>
        %dma_start3A_144 = tpu.memref_squeeze %dma_start3A_143 : memref<1x32x128xf32, #tpu.memory_space<vmem>> -> memref<32x128xf32, #tpu.memory_space<vmem>>
        %dma_start3A_145 = arith.constant 32 : i32
        %dma_start3A_146 = tpu.memref_slice %arg7[%add3A_128, %dma_start3A_145] : memref<120x128xi32, #tpu.memory_space<vmem>> -> memref<1x32xi32, #tpu.memory_space<vmem>>
        %dma_start3A_147 = tpu.memref_squeeze %dma_start3A_146 : memref<1x32xi32, #tpu.memory_space<vmem>> -> memref<32xi32, #tpu.memory_space<vmem>>
        %dma_start3A_148 = arith.constant 0 : i32
        %dma_start3A_149 = arith.constant 0 : i32
        %dma_start3A_150 = tpu.memref_slice %arg2[%dma_start3A_148, %dma_start3A_149] : memref<10240x128xf32, #tpu.memory_space<hbm>> -> memref<10240x128xf32, #tpu.memory_space<hbm>>
        tpu.enqueue_indirect_dma source(%dma_start3A_150 : memref<10240x128xf32, #tpu.memory_space<hbm>>) target(%dma_start3A_144 : memref<32x128xf32, #tpu.memory_space<vmem>>) offsets(%dma_start3A_147 : memref<32xi32, #tpu.memory_space<vmem>>) semaphore(%arg15 : memref<!tpu.dma_semaphore, #tpu.memory_space<semaphore_mem>>)
        %dma_start3A_151 = arith.constant 1 : i32
        %dma_start3A_152 = arith.constant 64 : i32
        %dma_start3A_153 = arith.constant 0 : i32
        %dma_start3A_154 = tpu.memref_slice %arg8[%dma_start3A_151, %dma_start3A_152, %dma_start3A_153] : memref<2x128x128xf32, #tpu.memory_space<vmem>> -> memref<1x32x128xf32, #tpu.memory_space<vmem>>
        %dma_start3A_155 = tpu.memref_squeeze %dma_start3A_154 : memref<1x32x128xf32, #tpu.memory_space<vmem>> -> memref<32x128xf32, #tpu.memory_space<vmem>>
        %dma_start3A_156 = arith.constant 64 : i32
        %dma_start3A_157 = tpu.memref_slice %arg7[%add3A_128, %dma_start3A_156] : memref<120x128xi32, #tpu.memory_space<vmem>> -> memref<1x32xi32, #tpu.memory_space<vmem>>
        %dma_start3A_158 = tpu.memref_squeeze %dma_start3A_157 : memref<1x32xi32, #tpu.memory_space<vmem>> -> memref<32xi32, #tpu.memory_space<vmem>>
        %dma_start3A_159 = arith.constant 0 : i32
        %dma_start3A_160 = arith.constant 0 : i32
        %dma_start3A_161 = tpu.memref_slice %arg2[%dma_start3A_159, %dma_start3A_160] : memref<10240x128xf32, #tpu.memory_space<hbm>> -> memref<10240x128xf32, #tpu.memory_space<hbm>>
        tpu.enqueue_indirect_dma source(%dma_start3A_161 : memref<10240x128xf32, #tpu.memory_space<hbm>>) target(%dma_start3A_155 : memref<32x128xf32, #tpu.memory_space<vmem>>) offsets(%dma_start3A_158 : memref<32xi32, #tpu.memory_space<vmem>>) semaphore(%arg16 : memref<!tpu.dma_semaphore, #tpu.memory_space<semaphore_mem>>)
        %dma_start3A_162 = arith.constant 1 : i32
        %dma_start3A_163 = arith.constant 96 : i32
        %dma_start3A_164 = arith.constant 0 : i32
        %dma_start3A_165 = tpu.memref_slice %arg8[%dma_start3A_162, %dma_start3A_163, %dma_start3A_164] : memref<2x128x128xf32, #tpu.memory_space<vmem>> -> memref<1x32x128xf32, #tpu.memory_space<vmem>>
        %dma_start3A_166 = tpu.memref_squeeze %dma_start3A_165 : memref<1x32x128xf32, #tpu.memory_space<vmem>> -> memref<32x128xf32, #tpu.memory_space<vmem>>
        %dma_start3A_167 = arith.constant 96 : i32
        %dma_start3A_168 = tpu.memref_slice %arg7[%add3A_128, %dma_start3A_167] : memref<120x128xi32, #tpu.memory_space<vmem>> -> memref<1x32xi32, #tpu.memory_space<vmem>>
        %dma_start3A_169 = tpu.memref_squeeze %dma_start3A_168 : memref<1x32xi32, #tpu.memory_space<vmem>> -> memref<32xi32, #tpu.memory_space<vmem>>
        %dma_start3A_170 = arith.constant 0 : i32
        %dma_start3A_171 = arith.constant 0 : i32
        %dma_start3A_172 = tpu.memref_slice %arg2[%dma_start3A_170, %dma_start3A_171] : memref<10240x128xf32, #tpu.memory_space<hbm>> -> memref<10240x128xf32, #tpu.memory_space<hbm>>
        tpu.enqueue_indirect_dma source(%dma_start3A_172 : memref<10240x128xf32, #tpu.memory_space<hbm>>) target(%dma_start3A_166 : memref<32x128xf32, #tpu.memory_space<vmem>>) offsets(%dma_start3A_169 : memref<32xi32, #tpu.memory_space<vmem>>) semaphore(%arg17 : memref<!tpu.dma_semaphore, #tpu.memory_space<semaphore_mem>>)
        %add3A_173 = arith.addi %select_n3A, %add3A_128 : i32
        %dma_start3A_174 = arith.constant 1 : i32
        %dma_start3A_175 = arith.constant 0 : i32
        %dma_start3A_176 = tpu.memref_slice %arg9[%dma_start3A_174, %dma_start3A_175] : memref<2x128xi32, #tpu.memory_space<vmem>> -> memref<1x128xi32, #tpu.memory_space<vmem>>
        %dma_start3A_177 = tpu.memref_squeeze %dma_start3A_176 : memref<1x128xi32, #tpu.memory_space<vmem>> -> memref<128xi32, #tpu.memory_space<vmem>>
        %dma_start3A_178 = arith.constant 0 : i32
        %dma_start3A_179 = tpu.memref_slice %arg4[%add3A_173, %dma_start3A_178] : memref<2688x128xi32, #tpu.memory_space<hbm>> -> memref<1x128xi32, #tpu.memory_space<hbm>>
        %dma_start3A_180 = tpu.memref_squeeze %dma_start3A_179 : memref<1x128xi32, #tpu.memory_space<hbm>> -> memref<128xi32, #tpu.memory_space<hbm>>
        %dma_start3A_181 = arith.constant 0 : i32
        %dma_start3A_182 = tpu.memref_slice %arg9[%dma_start3A_174, %dma_start3A_181] : memref<2x128xi32, #tpu.memory_space<vmem>> -> memref<1x128xi32, #tpu.memory_space<vmem>>
        %dma_start3A_183 = tpu.memref_squeeze %dma_start3A_182 : memref<1x128xi32, #tpu.memory_space<vmem>> -> memref<128xi32, #tpu.memory_space<vmem>>
        %dma_start3A_184 = arith.constant 0 : i32
        %dma_start3A_185 = tpu.memref_slice %arg4[%add3A_173, %dma_start3A_184] : memref<2688x128xi32, #tpu.memory_space<hbm>> -> memref<1x128xi32, #tpu.memory_space<hbm>>
        %dma_start3A_186 = tpu.memref_squeeze %dma_start3A_185 : memref<1x128xi32, #tpu.memory_space<hbm>> -> memref<128xi32, #tpu.memory_space<hbm>>
        tpu.enqueue_dma source(%dma_start3A_186 : memref<128xi32, #tpu.memory_space<hbm>>) target(%dma_start3A_183 : memref<128xi32, #tpu.memory_space<vmem>>) target_semaphore(%arg19 : memref<!tpu.dma_semaphore, #tpu.memory_space<semaphore_mem>>)
        %dma_wait3A_187 = arith.constant 0 : i32
        %dma_wait3A_188 = arith.constant 0 : i32
        %dma_wait3A_189 = arith.constant 0 : i32
        %dma_wait3A_190 = tpu.memref_slice %arg8[%dma_wait3A_187, %dma_wait3A_188, %dma_wait3A_189] : memref<2x128x128xf32, #tpu.memory_space<vmem>> -> memref<1x32x128xf32, #tpu.memory_space<vmem>>
        %dma_wait3A_191 = tpu.memref_squeeze %dma_wait3A_190 : memref<1x32x128xf32, #tpu.memory_space<vmem>> -> memref<32x128xf32, #tpu.memory_space<vmem>>
        %dma_wait3A_192 = arith.constant 0 : i32
        %dma_wait3A_193 = tpu.memref_slice %arg7[%mul3A_126, %dma_wait3A_192] : memref<120x128xi32, #tpu.memory_space<vmem>> -> memref<1x32xi32, #tpu.memory_space<vmem>>
        %dma_wait3A_194 = tpu.memref_squeeze %dma_wait3A_193 : memref<1x32xi32, #tpu.memory_space<vmem>> -> memref<32xi32, #tpu.memory_space<vmem>>
        %dma_wait3A_195 = arith.constant 0 : i32
        %dma_wait3A_196 = arith.constant 0 : i32
        %dma_wait3A_197 = tpu.memref_slice %arg2[%dma_wait3A_195, %dma_wait3A_196] : memref<10240x128xf32, #tpu.memory_space<hbm>> -> memref<10240x128xf32, #tpu.memory_space<hbm>>
        tpu.wait_indirect_dma semaphore(%arg10 : memref<!tpu.dma_semaphore, #tpu.memory_space<semaphore_mem>>) src(%dma_wait3A_197 : memref<10240x128xf32, #tpu.memory_space<hbm>>) dst(%dma_wait3A_191 : memref<32x128xf32, #tpu.memory_space<vmem>>)
        %dma_wait3A_198 = arith.constant 0 : i32
        %dma_wait3A_199 = arith.constant 32 : i32
        %dma_wait3A_200 = arith.constant 0 : i32
        %dma_wait3A_201 = tpu.memref_slice %arg8[%dma_wait3A_198, %dma_wait3A_199, %dma_wait3A_200] : memref<2x128x128xf32, #tpu.memory_space<vmem>> -> memref<1x32x128xf32, #tpu.memory_space<vmem>>
        %dma_wait3A_202 = tpu.memref_squeeze %dma_wait3A_201 : memref<1x32x128xf32, #tpu.memory_space<vmem>> -> memref<32x128xf32, #tpu.memory_space<vmem>>
        %dma_wait3A_203 = arith.constant 32 : i32
        %dma_wait3A_204 = tpu.memref_slice %arg7[%mul3A_126, %dma_wait3A_203] : memref<120x128xi32, #tpu.memory_space<vmem>> -> memref<1x32xi32, #tpu.memory_space<vmem>>
        %dma_wait3A_205 = tpu.memref_squeeze %dma_wait3A_204 : memref<1x32xi32, #tpu.memory_space<vmem>> -> memref<32xi32, #tpu.memory_space<vmem>>
        %dma_wait3A_206 = arith.constant 0 : i32
        %dma_wait3A_207 = arith.constant 0 : i32
        %dma_wait3A_208 = tpu.memref_slice %arg2[%dma_wait3A_206, %dma_wait3A_207] : memref<10240x128xf32, #tpu.memory_space<hbm>> -> memref<10240x128xf32, #tpu.memory_space<hbm>>
        tpu.wait_indirect_dma semaphore(%arg11 : memref<!tpu.dma_semaphore, #tpu.memory_space<semaphore_mem>>) src(%dma_wait3A_208 : memref<10240x128xf32, #tpu.memory_space<hbm>>) dst(%dma_wait3A_202 : memref<32x128xf32, #tpu.memory_space<vmem>>)
        %dma_wait3A_209 = arith.constant 0 : i32
        %dma_wait3A_210 = arith.constant 64 : i32
        %dma_wait3A_211 = arith.constant 0 : i32
        %dma_wait3A_212 = tpu.memref_slice %arg8[%dma_wait3A_209, %dma_wait3A_210, %dma_wait3A_211] : memref<2x128x128xf32, #tpu.memory_space<vmem>> -> memref<1x32x128xf32, #tpu.memory_space<vmem>>
        %dma_wait3A_213 = tpu.memref_squeeze %dma_wait3A_212 : memref<1x32x128xf32, #tpu.memory_space<vmem>> -> memref<32x128xf32, #tpu.memory_space<vmem>>
        %dma_wait3A_214 = arith.constant 64 : i32
        %dma_wait3A_215 = tpu.memref_slice %arg7[%mul3A_126, %dma_wait3A_214] : memref<120x128xi32, #tpu.memory_space<vmem>> -> memref<1x32xi32, #tpu.memory_space<vmem>>
        %dma_wait3A_216 = tpu.memref_squeeze %dma_wait3A_215 : memref<1x32xi32, #tpu.memory_space<vmem>> -> memref<32xi32, #tpu.memory_space<vmem>>
        %dma_wait3A_217 = arith.constant 0 : i32
        %dma_wait3A_218 = arith.constant 0 : i32
        %dma_wait3A_219 = tpu.memref_slice %arg2[%dma_wait3A_217, %dma_wait3A_218] : memref<10240x128xf32, #tpu.memory_space<hbm>> -> memref<10240x128xf32, #tpu.memory_space<hbm>>
        tpu.wait_indirect_dma semaphore(%arg12 : memref<!tpu.dma_semaphore, #tpu.memory_space<semaphore_mem>>) src(%dma_wait3A_219 : memref<10240x128xf32, #tpu.memory_space<hbm>>) dst(%dma_wait3A_213 : memref<32x128xf32, #tpu.memory_space<vmem>>)
        %dma_wait3A_220 = arith.constant 0 : i32
        %dma_wait3A_221 = arith.constant 96 : i32
        %dma_wait3A_222 = arith.constant 0 : i32
        %dma_wait3A_223 = tpu.memref_slice %arg8[%dma_wait3A_220, %dma_wait3A_221, %dma_wait3A_222] : memref<2x128x128xf32, #tpu.memory_space<vmem>> -> memref<1x32x128xf32, #tpu.memory_space<vmem>>
        %dma_wait3A_224 = tpu.memref_squeeze %dma_wait3A_223 : memref<1x32x128xf32, #tpu.memory_space<vmem>> -> memref<32x128xf32, #tpu.memory_space<vmem>>
        %dma_wait3A_225 = arith.constant 96 : i32
        %dma_wait3A_226 = tpu.memref_slice %arg7[%mul3A_126, %dma_wait3A_225] : memref<120x128xi32, #tpu.memory_space<vmem>> -> memref<1x32xi32, #tpu.memory_space<vmem>>
        %dma_wait3A_227 = tpu.memref_squeeze %dma_wait3A_226 : memref<1x32xi32, #tpu.memory_space<vmem>> -> memref<32xi32, #tpu.memory_space<vmem>>
        %dma_wait3A_228 = arith.constant 0 : i32
        %dma_wait3A_229 = arith.constant 0 : i32
        %dma_wait3A_230 = tpu.memref_slice %arg2[%dma_wait3A_228, %dma_wait3A_229] : memref<10240x128xf32, #tpu.memory_space<hbm>> -> memref<10240x128xf32, #tpu.memory_space<hbm>>
        tpu.wait_indirect_dma semaphore(%arg13 : memref<!tpu.dma_semaphore, #tpu.memory_space<semaphore_mem>>) src(%dma_wait3A_230 : memref<10240x128xf32, #tpu.memory_space<hbm>>) dst(%dma_wait3A_224 : memref<32x128xf32, #tpu.memory_space<vmem>>)
        %add3A_231 = arith.addi %select_n3A, %mul3A_126 : i32
        %dma_wait3A_232 = arith.constant 0 : i32
        %dma_wait3A_233 = arith.constant 0 : i32
        %dma_wait3A_234 = tpu.memref_slice %arg9[%dma_wait3A_232, %dma_wait3A_233] : memref<2x128xi32, #tpu.memory_space<vmem>> -> memref<1x128xi32, #tpu.memory_space<vmem>>
        %dma_wait3A_235 = tpu.memref_squeeze %dma_wait3A_234 : memref<1x128xi32, #tpu.memory_space<vmem>> -> memref<128xi32, #tpu.memory_space<vmem>>
        %dma_wait3A_236 = arith.constant 0 : i32
        %dma_wait3A_237 = tpu.memref_slice %arg4[%add3A_231, %dma_wait3A_236] : memref<2688x128xi32, #tpu.memory_space<hbm>> -> memref<1x128xi32, #tpu.memory_space<hbm>>
        %dma_wait3A_238 = tpu.memref_squeeze %dma_wait3A_237 : memref<1x128xi32, #tpu.memory_space<hbm>> -> memref<128xi32, #tpu.memory_space<hbm>>
        %dma_wait3A_239 = arith.constant 0 : i32
        %dma_wait3A_240 = tpu.memref_slice %arg9[%dma_wait3A_232, %dma_wait3A_239] : memref<2x128xi32, #tpu.memory_space<vmem>> -> memref<1x128xi32, #tpu.memory_space<vmem>>
        %dma_wait3A_241 = tpu.memref_squeeze %dma_wait3A_240 : memref<1x128xi32, #tpu.memory_space<vmem>> -> memref<128xi32, #tpu.memory_space<vmem>>
        %dma_wait3A_242 = arith.constant 0 : i32
        %dma_wait3A_243 = tpu.memref_slice %arg4[%add3A_231, %dma_wait3A_242] : memref<2688x128xi32, #tpu.memory_space<hbm>> -> memref<1x128xi32, #tpu.memory_space<hbm>>
        %dma_wait3A_244 = tpu.memref_squeeze %dma_wait3A_243 : memref<1x128xi32, #tpu.memory_space<hbm>> -> memref<128xi32, #tpu.memory_space<hbm>>
        tpu.wait_dma2 semaphore(%arg18 : memref<!tpu.dma_semaphore, #tpu.memory_space<semaphore_mem>>) src(%dma_wait3A_244 : memref<128xi32, #tpu.memory_space<hbm>>) dst(%dma_wait3A_241 : memref<128xi32, #tpu.memory_space<vmem>>)
        %run_scoped3A = arith.constant 0 : i32
        %run_scoped3A_245 = arith.constant 0 : i32
        "tpu.region"() ({
          %run_scoped3A_314 = tpu.sem_alloc : memref<!tpu.dma_semaphore, #tpu.memory_space<semaphore_mem>>
          %dma_start3A_315 = arith.constant 0 : i32
          %dma_start3A_316 = arith.constant 0 : i32
          %dma_start3A_317 = tpu.memref_slice %arg8[%run_scoped3A, %dma_start3A_315, %dma_start3A_316] : memref<2x128x128xf32, #tpu.memory_space<vmem>> -> memref<1x128x128xf32, #tpu.memory_space<vmem>>
          %dma_start3A_318 = tpu.memref_squeeze %dma_start3A_317 : memref<1x128x128xf32, #tpu.memory_space<vmem>> -> memref<128x128xf32, #tpu.memory_space<vmem>>
          %dma_start3A_319 = arith.constant 0 : i32
          %dma_start3A_320 = tpu.memref_slice %arg9[%run_scoped3A_245, %dma_start3A_319] : memref<2x128xi32, #tpu.memory_space<vmem>> -> memref<1x128xi32, #tpu.memory_space<vmem>>
          %dma_start3A_321 = tpu.memref_squeeze %dma_start3A_320 : memref<1x128xi32, #tpu.memory_space<vmem>> -> memref<128xi32, #tpu.memory_space<vmem>>
          %dma_start3A_322 = arith.constant 0 : i32
          %dma_start3A_323 = arith.constant 0 : i32
          %dma_start3A_324 = tpu.memref_slice %arg6[%dma_start3A_322, %dma_start3A_323] : memref<10240x128xf32, #tpu.memory_space<vmem_shared>> -> memref<10240x128xf32, #tpu.memory_space<vmem_shared>>
          tpu.enqueue_indirect_dma source(%dma_start3A_318 : memref<128x128xf32, #tpu.memory_space<vmem>>) target(%dma_start3A_324 : memref<10240x128xf32, #tpu.memory_space<vmem_shared>>) offsets(%dma_start3A_321 : memref<128xi32, #tpu.memory_space<vmem>>) semaphore(%run_scoped3A_314 : memref<!tpu.dma_semaphore, #tpu.memory_space<semaphore_mem>>) {add = true}
          %dma_wait3A_325 = arith.constant 0 : i32
          %dma_wait3A_326 = arith.constant 0 : i32
          %dma_wait3A_327 = tpu.memref_slice %arg8[%run_scoped3A, %dma_wait3A_325, %dma_wait3A_326] : memref<2x128x128xf32, #tpu.memory_space<vmem>> -> memref<1x128x128xf32, #tpu.memory_space<vmem>>
          %dma_wait3A_328 = tpu.memref_squeeze %dma_wait3A_327 : memref<1x128x128xf32, #tpu.memory_space<vmem>> -> memref<128x128xf32, #tpu.memory_space<vmem>>
          %dma_wait3A_329 = arith.constant 0 : i32
          %dma_wait3A_330 = tpu.memref_slice %arg9[%run_scoped3A_245, %dma_wait3A_329] : memref<2x128xi32, #tpu.memory_space<vmem>> -> memref<1x128xi32, #tpu.memory_space<vmem>>
          %dma_wait3A_331 = tpu.memref_squeeze %dma_wait3A_330 : memref<1x128xi32, #tpu.memory_space<vmem>> -> memref<128xi32, #tpu.memory_space<vmem>>
          %dma_wait3A_332 = arith.constant 0 : i32
          %dma_wait3A_333 = arith.constant 0 : i32
          %dma_wait3A_334 = tpu.memref_slice %arg6[%dma_wait3A_332, %dma_wait3A_333] : memref<10240x128xf32, #tpu.memory_space<vmem_shared>> -> memref<10240x128xf32, #tpu.memory_space<vmem_shared>>
          tpu.wait_indirect_dma semaphore(%run_scoped3A_314 : memref<!tpu.dma_semaphore, #tpu.memory_space<semaphore_mem>>) src(%dma_wait3A_328 : memref<128x128xf32, #tpu.memory_space<vmem>>) dst(%dma_wait3A_334 : memref<10240x128xf32, #tpu.memory_space<vmem_shared>>)
          tpu.yield
        }) : () -> ()
        %add3A_246 = arith.constant 2 : i32
        %add3A_247 = arith.addi %mul3A_126, %add3A_246 : i32
        %lt3A_248 = arith.cmpi slt, %add3A_247, %select_n3A_9 : i32
        %convert_element_type3A_249 = arith.extui %lt3A_248 : i1 to i32
        %cond3A_250 = arith.constant 0 : i32
        %cond3A_251 = arith.cmpi ne, %convert_element_type3A_249, %cond3A_250 : i32
        scf.if %cond3A_251 {
          %add3A_314 = arith.constant 2 : i32
          %add3A_315 = arith.addi %mul3A_126, %add3A_314 : i32
          %dma_start3A_316 = arith.constant 0 : i32
          %dma_start3A_317 = arith.constant 0 : i32
          %dma_start3A_318 = arith.constant 0 : i32
          %dma_start3A_319 = tpu.memref_slice %arg8[%dma_start3A_316, %dma_start3A_317, %dma_start3A_318] : memref<2x128x128xf32, #tpu.memory_space<vmem>> -> memref<1x32x128xf32, #tpu.memory_space<vmem>>
          %dma_start3A_320 = tpu.memref_squeeze %dma_start3A_319 : memref<1x32x128xf32, #tpu.memory_space<vmem>> -> memref<32x128xf32, #tpu.memory_space<vmem>>
          %dma_start3A_321 = arith.constant 0 : i32
          %dma_start3A_322 = tpu.memref_slice %arg7[%add3A_315, %dma_start3A_321] : memref<120x128xi32, #tpu.memory_space<vmem>> -> memref<1x32xi32, #tpu.memory_space<vmem>>
          %dma_start3A_323 = tpu.memref_squeeze %dma_start3A_322 : memref<1x32xi32, #tpu.memory_space<vmem>> -> memref<32xi32, #tpu.memory_space<vmem>>
          %dma_start3A_324 = arith.constant 0 : i32
          %dma_start3A_325 = arith.constant 0 : i32
          %dma_start3A_326 = tpu.memref_slice %arg2[%dma_start3A_324, %dma_start3A_325] : memref<10240x128xf32, #tpu.memory_space<hbm>> -> memref<10240x128xf32, #tpu.memory_space<hbm>>
          tpu.enqueue_indirect_dma source(%dma_start3A_326 : memref<10240x128xf32, #tpu.memory_space<hbm>>) target(%dma_start3A_320 : memref<32x128xf32, #tpu.memory_space<vmem>>) offsets(%dma_start3A_323 : memref<32xi32, #tpu.memory_space<vmem>>) semaphore(%arg10 : memref<!tpu.dma_semaphore, #tpu.memory_space<semaphore_mem>>)
          %dma_start3A_327 = arith.constant 0 : i32
          %dma_start3A_328 = arith.constant 32 : i32
          %dma_start3A_329 = arith.constant 0 : i32
          %dma_start3A_330 = tpu.memref_slice %arg8[%dma_start3A_327, %dma_start3A_328, %dma_start3A_329] : memref<2x128x128xf32, #tpu.memory_space<vmem>> -> memref<1x32x128xf32, #tpu.memory_space<vmem>>
          %dma_start3A_331 = tpu.memref_squeeze %dma_start3A_330 : memref<1x32x128xf32, #tpu.memory_space<vmem>> -> memref<32x128xf32, #tpu.memory_space<vmem>>
          %dma_start3A_332 = arith.constant 32 : i32
          %dma_start3A_333 = tpu.memref_slice %arg7[%add3A_315, %dma_start3A_332] : memref<120x128xi32, #tpu.memory_space<vmem>> -> memref<1x32xi32, #tpu.memory_space<vmem>>
          %dma_start3A_334 = tpu.memref_squeeze %dma_start3A_333 : memref<1x32xi32, #tpu.memory_space<vmem>> -> memref<32xi32, #tpu.memory_space<vmem>>
          %dma_start3A_335 = arith.constant 0 : i32
          %dma_start3A_336 = arith.constant 0 : i32
          %dma_start3A_337 = tpu.memref_slice %arg2[%dma_start3A_335, %dma_start3A_336] : memref<10240x128xf32, #tpu.memory_space<hbm>> -> memref<10240x128xf32, #tpu.memory_space<hbm>>
          tpu.enqueue_indirect_dma source(%dma_start3A_337 : memref<10240x128xf32, #tpu.memory_space<hbm>>) target(%dma_start3A_331 : memref<32x128xf32, #tpu.memory_space<vmem>>) offsets(%dma_start3A_334 : memref<32xi32, #tpu.memory_space<vmem>>) semaphore(%arg11 : memref<!tpu.dma_semaphore, #tpu.memory_space<semaphore_mem>>)
          %dma_start3A_338 = arith.constant 0 : i32
          %dma_start3A_339 = arith.constant 64 : i32
          %dma_start3A_340 = arith.constant 0 : i32
          %dma_start3A_341 = tpu.memref_slice %arg8[%dma_start3A_338, %dma_start3A_339, %dma_start3A_340] : memref<2x128x128xf32, #tpu.memory_space<vmem>> -> memref<1x32x128xf32, #tpu.memory_space<vmem>>
          %dma_start3A_342 = tpu.memref_squeeze %dma_start3A_341 : memref<1x32x128xf32, #tpu.memory_space<vmem>> -> memref<32x128xf32, #tpu.memory_space<vmem>>
          %dma_start3A_343 = arith.constant 64 : i32
          %dma_start3A_344 = tpu.memref_slice %arg7[%add3A_315, %dma_start3A_343] : memref<120x128xi32, #tpu.memory_space<vmem>> -> memref<1x32xi32, #tpu.memory_space<vmem>>
          %dma_start3A_345 = tpu.memref_squeeze %dma_start3A_344 : memref<1x32xi32, #tpu.memory_space<vmem>> -> memref<32xi32, #tpu.memory_space<vmem>>
          %dma_start3A_346 = arith.constant 0 : i32
          %dma_start3A_347 = arith.constant 0 : i32
          %dma_start3A_348 = tpu.memref_slice %arg2[%dma_start3A_346, %dma_start3A_347] : memref<10240x128xf32, #tpu.memory_space<hbm>> -> memref<10240x128xf32, #tpu.memory_space<hbm>>
          tpu.enqueue_indirect_dma source(%dma_start3A_348 : memref<10240x128xf32, #tpu.memory_space<hbm>>) target(%dma_start3A_342 : memref<32x128xf32, #tpu.memory_space<vmem>>) offsets(%dma_start3A_345 : memref<32xi32, #tpu.memory_space<vmem>>) semaphore(%arg12 : memref<!tpu.dma_semaphore, #tpu.memory_space<semaphore_mem>>)
          %dma_start3A_349 = arith.constant 0 : i32
          %dma_start3A_350 = arith.constant 96 : i32
          %dma_start3A_351 = arith.constant 0 : i32
          %dma_start3A_352 = tpu.memref_slice %arg8[%dma_start3A_349, %dma_start3A_350, %dma_start3A_351] : memref<2x128x128xf32, #tpu.memory_space<vmem>> -> memref<1x32x128xf32, #tpu.memory_space<vmem>>
          %dma_start3A_353 = tpu.memref_squeeze %dma_start3A_352 : memref<1x32x128xf32, #tpu.memory_space<vmem>> -> memref<32x128xf32, #tpu.memory_space<vmem>>
          %dma_start3A_354 = arith.constant 96 : i32
          %dma_start3A_355 = tpu.memref_slice %arg7[%add3A_315, %dma_start3A_354] : memref<120x128xi32, #tpu.memory_space<vmem>> -> memref<1x32xi32, #tpu.memory_space<vmem>>
          %dma_start3A_356 = tpu.memref_squeeze %dma_start3A_355 : memref<1x32xi32, #tpu.memory_space<vmem>> -> memref<32xi32, #tpu.memory_space<vmem>>
          %dma_start3A_357 = arith.constant 0 : i32
          %dma_start3A_358 = arith.constant 0 : i32
          %dma_start3A_359 = tpu.memref_slice %arg2[%dma_start3A_357, %dma_start3A_358] : memref<10240x128xf32, #tpu.memory_space<hbm>> -> memref<10240x128xf32, #tpu.memory_space<hbm>>
          tpu.enqueue_indirect_dma source(%dma_start3A_359 : memref<10240x128xf32, #tpu.memory_space<hbm>>) target(%dma_start3A_353 : memref<32x128xf32, #tpu.memory_space<vmem>>) offsets(%dma_start3A_356 : memref<32xi32, #tpu.memory_space<vmem>>) semaphore(%arg13 : memref<!tpu.dma_semaphore, #tpu.memory_space<semaphore_mem>>)
          %add3A_360 = arith.addi %select_n3A, %add3A_315 : i32
          %dma_start3A_361 = arith.constant 0 : i32
          %dma_start3A_362 = arith.constant 0 : i32
          %dma_start3A_363 = tpu.memref_slice %arg9[%dma_start3A_361, %dma_start3A_362] : memref<2x128xi32, #tpu.memory_space<vmem>> -> memref<1x128xi32, #tpu.memory_space<vmem>>
          %dma_start3A_364 = tpu.memref_squeeze %dma_start3A_363 : memref<1x128xi32, #tpu.memory_space<vmem>> -> memref<128xi32, #tpu.memory_space<vmem>>
          %dma_start3A_365 = arith.constant 0 : i32
          %dma_start3A_366 = tpu.memref_slice %arg4[%add3A_360, %dma_start3A_365] : memref<2688x128xi32, #tpu.memory_space<hbm>> -> memref<1x128xi32, #tpu.memory_space<hbm>>
          %dma_start3A_367 = tpu.memref_squeeze %dma_start3A_366 : memref<1x128xi32, #tpu.memory_space<hbm>> -> memref<128xi32, #tpu.memory_space<hbm>>
          %dma_start3A_368 = arith.constant 0 : i32
          %dma_start3A_369 = tpu.memref_slice %arg9[%dma_start3A_361, %dma_start3A_368] : memref<2x128xi32, #tpu.memory_space<vmem>> -> memref<1x128xi32, #tpu.memory_space<vmem>>
          %dma_start3A_370 = tpu.memref_squeeze %dma_start3A_369 : memref<1x128xi32, #tpu.memory_space<vmem>> -> memref<128xi32, #tpu.memory_space<vmem>>
          %dma_start3A_371 = arith.constant 0 : i32
          %dma_start3A_372 = tpu.memref_slice %arg4[%add3A_360, %dma_start3A_371] : memref<2688x128xi32, #tpu.memory_space<hbm>> -> memref<1x128xi32, #tpu.memory_space<hbm>>
          %dma_start3A_373 = tpu.memref_squeeze %dma_start3A_372 : memref<1x128xi32, #tpu.memory_space<hbm>> -> memref<128xi32, #tpu.memory_space<hbm>>
          tpu.enqueue_dma source(%dma_start3A_373 : memref<128xi32, #tpu.memory_space<hbm>>) target(%dma_start3A_370 : memref<128xi32, #tpu.memory_space<vmem>>) target_semaphore(%arg18 : memref<!tpu.dma_semaphore, #tpu.memory_space<semaphore_mem>>)
        } else {
        }
        %add3A_252 = arith.constant 1 : i32
        %add3A_253 = arith.addi %mul3A_126, %add3A_252 : i32
        %dma_wait3A_254 = arith.constant 1 : i32
        %dma_wait3A_255 = arith.constant 0 : i32
        %dma_wait3A_256 = arith.constant 0 : i32
        %dma_wait3A_257 = tpu.memref_slice %arg8[%dma_wait3A_254, %dma_wait3A_255, %dma_wait3A_256] : memref<2x128x128xf32, #tpu.memory_space<vmem>> -> memref<1x32x128xf32, #tpu.memory_space<vmem>>
        %dma_wait3A_258 = tpu.memref_squeeze %dma_wait3A_257 : memref<1x32x128xf32, #tpu.memory_space<vmem>> -> memref<32x128xf32, #tpu.memory_space<vmem>>
        %dma_wait3A_259 = arith.constant 0 : i32
        %dma_wait3A_260 = tpu.memref_slice %arg7[%add3A_253, %dma_wait3A_259] : memref<120x128xi32, #tpu.memory_space<vmem>> -> memref<1x32xi32, #tpu.memory_space<vmem>>
        %dma_wait3A_261 = tpu.memref_squeeze %dma_wait3A_260 : memref<1x32xi32, #tpu.memory_space<vmem>> -> memref<32xi32, #tpu.memory_space<vmem>>
        %dma_wait3A_262 = arith.constant 0 : i32
        %dma_wait3A_263 = arith.constant 0 : i32
        %dma_wait3A_264 = tpu.memref_slice %arg2[%dma_wait3A_262, %dma_wait3A_263] : memref<10240x128xf32, #tpu.memory_space<hbm>> -> memref<10240x128xf32, #tpu.memory_space<hbm>>
        tpu.wait_indirect_dma semaphore(%arg14 : memref<!tpu.dma_semaphore, #tpu.memory_space<semaphore_mem>>) src(%dma_wait3A_264 : memref<10240x128xf32, #tpu.memory_space<hbm>>) dst(%dma_wait3A_258 : memref<32x128xf32, #tpu.memory_space<vmem>>)
        %dma_wait3A_265 = arith.constant 1 : i32
        %dma_wait3A_266 = arith.constant 32 : i32
        %dma_wait3A_267 = arith.constant 0 : i32
        %dma_wait3A_268 = tpu.memref_slice %arg8[%dma_wait3A_265, %dma_wait3A_266, %dma_wait3A_267] : memref<2x128x128xf32, #tpu.memory_space<vmem>> -> memref<1x32x128xf32, #tpu.memory_space<vmem>>
        %dma_wait3A_269 = tpu.memref_squeeze %dma_wait3A_268 : memref<1x32x128xf32, #tpu.memory_space<vmem>> -> memref<32x128xf32, #tpu.memory_space<vmem>>
        %dma_wait3A_270 = arith.constant 32 : i32
        %dma_wait3A_271 = tpu.memref_slice %arg7[%add3A_253, %dma_wait3A_270] : memref<120x128xi32, #tpu.memory_space<vmem>> -> memref<1x32xi32, #tpu.memory_space<vmem>>
        %dma_wait3A_272 = tpu.memref_squeeze %dma_wait3A_271 : memref<1x32xi32, #tpu.memory_space<vmem>> -> memref<32xi32, #tpu.memory_space<vmem>>
        %dma_wait3A_273 = arith.constant 0 : i32
        %dma_wait3A_274 = arith.constant 0 : i32
        %dma_wait3A_275 = tpu.memref_slice %arg2[%dma_wait3A_273, %dma_wait3A_274] : memref<10240x128xf32, #tpu.memory_space<hbm>> -> memref<10240x128xf32, #tpu.memory_space<hbm>>
        tpu.wait_indirect_dma semaphore(%arg15 : memref<!tpu.dma_semaphore, #tpu.memory_space<semaphore_mem>>) src(%dma_wait3A_275 : memref<10240x128xf32, #tpu.memory_space<hbm>>) dst(%dma_wait3A_269 : memref<32x128xf32, #tpu.memory_space<vmem>>)
        %dma_wait3A_276 = arith.constant 1 : i32
        %dma_wait3A_277 = arith.constant 64 : i32
        %dma_wait3A_278 = arith.constant 0 : i32
        %dma_wait3A_279 = tpu.memref_slice %arg8[%dma_wait3A_276, %dma_wait3A_277, %dma_wait3A_278] : memref<2x128x128xf32, #tpu.memory_space<vmem>> -> memref<1x32x128xf32, #tpu.memory_space<vmem>>
        %dma_wait3A_280 = tpu.memref_squeeze %dma_wait3A_279 : memref<1x32x128xf32, #tpu.memory_space<vmem>> -> memref<32x128xf32, #tpu.memory_space<vmem>>
        %dma_wait3A_281 = arith.constant 64 : i32
        %dma_wait3A_282 = tpu.memref_slice %arg7[%add3A_253, %dma_wait3A_281] : memref<120x128xi32, #tpu.memory_space<vmem>> -> memref<1x32xi32, #tpu.memory_space<vmem>>
        %dma_wait3A_283 = tpu.memref_squeeze %dma_wait3A_282 : memref<1x32xi32, #tpu.memory_space<vmem>> -> memref<32xi32, #tpu.memory_space<vmem>>
        %dma_wait3A_284 = arith.constant 0 : i32
        %dma_wait3A_285 = arith.constant 0 : i32
        %dma_wait3A_286 = tpu.memref_slice %arg2[%dma_wait3A_284, %dma_wait3A_285] : memref<10240x128xf32, #tpu.memory_space<hbm>> -> memref<10240x128xf32, #tpu.memory_space<hbm>>
        tpu.wait_indirect_dma semaphore(%arg16 : memref<!tpu.dma_semaphore, #tpu.memory_space<semaphore_mem>>) src(%dma_wait3A_286 : memref<10240x128xf32, #tpu.memory_space<hbm>>) dst(%dma_wait3A_280 : memref<32x128xf32, #tpu.memory_space<vmem>>)
        %dma_wait3A_287 = arith.constant 1 : i32
        %dma_wait3A_288 = arith.constant 96 : i32
        %dma_wait3A_289 = arith.constant 0 : i32
        %dma_wait3A_290 = tpu.memref_slice %arg8[%dma_wait3A_287, %dma_wait3A_288, %dma_wait3A_289] : memref<2x128x128xf32, #tpu.memory_space<vmem>> -> memref<1x32x128xf32, #tpu.memory_space<vmem>>
        %dma_wait3A_291 = tpu.memref_squeeze %dma_wait3A_290 : memref<1x32x128xf32, #tpu.memory_space<vmem>> -> memref<32x128xf32, #tpu.memory_space<vmem>>
        %dma_wait3A_292 = arith.constant 96 : i32
        %dma_wait3A_293 = tpu.memref_slice %arg7[%add3A_253, %dma_wait3A_292] : memref<120x128xi32, #tpu.memory_space<vmem>> -> memref<1x32xi32, #tpu.memory_space<vmem>>
        %dma_wait3A_294 = tpu.memref_squeeze %dma_wait3A_293 : memref<1x32xi32, #tpu.memory_space<vmem>> -> memref<32xi32, #tpu.memory_space<vmem>>
        %dma_wait3A_295 = arith.constant 0 : i32
        %dma_wait3A_296 = arith.constant 0 : i32
        %dma_wait3A_297 = tpu.memref_slice %arg2[%dma_wait3A_295, %dma_wait3A_296] : memref<10240x128xf32, #tpu.memory_space<hbm>> -> memref<10240x128xf32, #tpu.memory_space<hbm>>
        tpu.wait_indirect_dma semaphore(%arg17 : memref<!tpu.dma_semaphore, #tpu.memory_space<semaphore_mem>>) src(%dma_wait3A_297 : memref<10240x128xf32, #tpu.memory_space<hbm>>) dst(%dma_wait3A_291 : memref<32x128xf32, #tpu.memory_space<vmem>>)
        %add3A_298 = arith.addi %select_n3A, %add3A_253 : i32
        %dma_wait3A_299 = arith.constant 1 : i32
        %dma_wait3A_300 = arith.constant 0 : i32
        %dma_wait3A_301 = tpu.memref_slice %arg9[%dma_wait3A_299, %dma_wait3A_300] : memref<2x128xi32, #tpu.memory_space<vmem>> -> memref<1x128xi32, #tpu.memory_space<vmem>>
        %dma_wait3A_302 = tpu.memref_squeeze %dma_wait3A_301 : memref<1x128xi32, #tpu.memory_space<vmem>> -> memref<128xi32, #tpu.memory_space<vmem>>
        %dma_wait3A_303 = arith.constant 0 : i32
        %dma_wait3A_304 = tpu.memref_slice %arg4[%add3A_298, %dma_wait3A_303] : memref<2688x128xi32, #tpu.memory_space<hbm>> -> memref<1x128xi32, #tpu.memory_space<hbm>>
        %dma_wait3A_305 = tpu.memref_squeeze %dma_wait3A_304 : memref<1x128xi32, #tpu.memory_space<hbm>> -> memref<128xi32, #tpu.memory_space<hbm>>
        %dma_wait3A_306 = arith.constant 0 : i32
        %dma_wait3A_307 = tpu.memref_slice %arg9[%dma_wait3A_299, %dma_wait3A_306] : memref<2x128xi32, #tpu.memory_space<vmem>> -> memref<1x128xi32, #tpu.memory_space<vmem>>
        %dma_wait3A_308 = tpu.memref_squeeze %dma_wait3A_307 : memref<1x128xi32, #tpu.memory_space<vmem>> -> memref<128xi32, #tpu.memory_space<vmem>>
        %dma_wait3A_309 = arith.constant 0 : i32
        %dma_wait3A_310 = tpu.memref_slice %arg4[%add3A_298, %dma_wait3A_309] : memref<2688x128xi32, #tpu.memory_space<hbm>> -> memref<1x128xi32, #tpu.memory_space<hbm>>
        %dma_wait3A_311 = tpu.memref_squeeze %dma_wait3A_310 : memref<1x128xi32, #tpu.memory_space<hbm>> -> memref<128xi32, #tpu.memory_space<hbm>>
        tpu.wait_dma2 semaphore(%arg19 : memref<!tpu.dma_semaphore, #tpu.memory_space<semaphore_mem>>) src(%dma_wait3A_311 : memref<128xi32, #tpu.memory_space<hbm>>) dst(%dma_wait3A_308 : memref<128xi32, #tpu.memory_space<vmem>>)
        %run_scoped3A_312 = arith.constant 1 : i32
        %run_scoped3A_313 = arith.constant 1 : i32
        "tpu.region"() ({
          %run_scoped3A_314 = tpu.sem_alloc : memref<!tpu.dma_semaphore, #tpu.memory_space<semaphore_mem>>
          %dma_start3A_315 = arith.constant 0 : i32
          %dma_start3A_316 = arith.constant 0 : i32
          %dma_start3A_317 = tpu.memref_slice %arg8[%run_scoped3A_312, %dma_start3A_315, %dma_start3A_316] : memref<2x128x128xf32, #tpu.memory_space<vmem>> -> memref<1x128x128xf32, #tpu.memory_space<vmem>>
          %dma_start3A_318 = tpu.memref_squeeze %dma_start3A_317 : memref<1x128x128xf32, #tpu.memory_space<vmem>> -> memref<128x128xf32, #tpu.memory_space<vmem>>
          %dma_start3A_319 = arith.constant 0 : i32
          %dma_start3A_320 = tpu.memref_slice %arg9[%run_scoped3A_313, %dma_start3A_319] : memref<2x128xi32, #tpu.memory_space<vmem>> -> memref<1x128xi32, #tpu.memory_space<vmem>>
          %dma_start3A_321 = tpu.memref_squeeze %dma_start3A_320 : memref<1x128xi32, #tpu.memory_space<vmem>> -> memref<128xi32, #tpu.memory_space<vmem>>
          %dma_start3A_322 = arith.constant 0 : i32
          %dma_start3A_323 = arith.constant 0 : i32
          %dma_start3A_324 = tpu.memref_slice %arg6[%dma_start3A_322, %dma_start3A_323] : memref<10240x128xf32, #tpu.memory_space<vmem_shared>> -> memref<10240x128xf32, #tpu.memory_space<vmem_shared>>
          tpu.enqueue_indirect_dma source(%dma_start3A_318 : memref<128x128xf32, #tpu.memory_space<vmem>>) target(%dma_start3A_324 : memref<10240x128xf32, #tpu.memory_space<vmem_shared>>) offsets(%dma_start3A_321 : memref<128xi32, #tpu.memory_space<vmem>>) semaphore(%run_scoped3A_314 : memref<!tpu.dma_semaphore, #tpu.memory_space<semaphore_mem>>) {add = true}
          %dma_wait3A_325 = arith.constant 0 : i32
          %dma_wait3A_326 = arith.constant 0 : i32
          %dma_wait3A_327 = tpu.memref_slice %arg8[%run_scoped3A_312, %dma_wait3A_325, %dma_wait3A_326] : memref<2x128x128xf32, #tpu.memory_space<vmem>> -> memref<1x128x128xf32, #tpu.memory_space<vmem>>
          %dma_wait3A_328 = tpu.memref_squeeze %dma_wait3A_327 : memref<1x128x128xf32, #tpu.memory_space<vmem>> -> memref<128x128xf32, #tpu.memory_space<vmem>>
          %dma_wait3A_329 = arith.constant 0 : i32
          %dma_wait3A_330 = tpu.memref_slice %arg9[%run_scoped3A_313, %dma_wait3A_329] : memref<2x128xi32, #tpu.memory_space<vmem>> -> memref<1x128xi32, #tpu.memory_space<vmem>>
          %dma_wait3A_331 = tpu.memref_squeeze %dma_wait3A_330 : memref<1x128xi32, #tpu.memory_space<vmem>> -> memref<128xi32, #tpu.memory_space<vmem>>
          %dma_wait3A_332 = arith.constant 0 : i32
          %dma_wait3A_333 = arith.constant 0 : i32
          %dma_wait3A_334 = tpu.memref_slice %arg6[%dma_wait3A_332, %dma_wait3A_333] : memref<10240x128xf32, #tpu.memory_space<vmem_shared>> -> memref<10240x128xf32, #tpu.memory_space<vmem_shared>>
          tpu.wait_indirect_dma semaphore(%run_scoped3A_314 : memref<!tpu.dma_semaphore, #tpu.memory_space<semaphore_mem>>) src(%dma_wait3A_328 : memref<128x128xf32, #tpu.memory_space<vmem>>) dst(%dma_wait3A_334 : memref<10240x128xf32, #tpu.memory_space<vmem_shared>>)
          tpu.yield
        }) : () -> ()
      } else {
      }
    }
    %scan3A_92 = arith.constant 60 : i32
    %barrier3A_93 = arith.constant 0 : index
    tpu.barrier barrier_id(%barrier3A_93)
    %mul3A_94 = arith.constant 640 : i32
    %mul3A_95 = arith.muli %arg1, %mul3A_94 : i32
    %mul3A_96 = arith.constant 10240 : i32
    %mul3A_97 = arith.muli %arg0, %mul3A_96 : i32
    %mul3A_98 = arith.constant 640 : i32
    %mul3A_99 = arith.muli %arg1, %mul3A_98 : i32
    %add3A_100 = arith.addi %mul3A_97, %mul3A_99 : i32
    "tpu.region"() ({
      %run_scoped3A = tpu.sem_alloc : memref<!tpu.dma_semaphore, #tpu.memory_space<semaphore_mem>>
      %dma_start3A_101 = arith.constant 0 : i32
      %dma_start3A_102 = tpu.memref_slice %arg5[%add3A_100, %dma_start3A_101] : memref<20480x128xf32, #tpu.memory_space<hbm>> -> memref<640x128xf32, #tpu.memory_space<hbm>>
      %dma_start3A_103 = arith.constant 0 : i32
      %dma_start3A_104 = tpu.memref_slice %arg6[%mul3A_95, %dma_start3A_103] : memref<10240x128xf32, #tpu.memory_space<vmem_shared>> -> memref<640x128xf32, #tpu.memory_space<vmem_shared>>
      tpu.enqueue_dma source(%dma_start3A_104 : memref<640x128xf32, #tpu.memory_space<vmem_shared>>) target(%dma_start3A_102 : memref<640x128xf32, #tpu.memory_space<hbm>>) target_semaphore(%run_scoped3A : memref<!tpu.dma_semaphore, #tpu.memory_space<semaphore_mem>>)
      %dma_wait3A_105 = arith.constant 0 : i32
      %dma_wait3A_106 = tpu.memref_slice %arg5[%add3A_100, %dma_wait3A_105] : memref<20480x128xf32, #tpu.memory_space<hbm>> -> memref<640x128xf32, #tpu.memory_space<hbm>>
      %dma_wait3A_107 = arith.constant 0 : i32
      %dma_wait3A_108 = tpu.memref_slice %arg6[%mul3A_95, %dma_wait3A_107] : memref<10240x128xf32, #tpu.memory_space<vmem_shared>> -> memref<640x128xf32, #tpu.memory_space<vmem_shared>>
      tpu.wait_dma2 semaphore(%run_scoped3A : memref<!tpu.dma_semaphore, #tpu.memory_space<semaphore_mem>>) src(%dma_wait3A_108 : memref<640x128xf32, #tpu.memory_space<vmem_shared>>) dst(%dma_wait3A_106 : memref<640x128xf32, #tpu.memory_space<hbm>>)
      tpu.yield
    }) : () -> ()
    return
  }
}

module attributes {stable_mosaic.version = 14 : i64} {
  func.func @_lin1_body(%arg0: i32, %arg1: memref<1024x64xf32, #tpu.memory_space<vmem>>, %arg2: memref<1024x64xf32, #tpu.memory_space<vmem>>, %arg3: memref<128x128xf32, #tpu.memory_space<vmem>>, %arg4: memref<1x128xf32, #tpu.memory_space<vmem>>, %arg5: memref<1024x128xf32, #tpu.memory_space<vmem>>) attributes {dimension_semantics = [#tpu.dimension_semantics<arbitrary>], iteration_bounds = array<i64: 10>, scalar_prefetch = 0 : i64, scratch_operands = 0 : i64, tpu.core_type = #tpu.core_type<tc>, window_params = [{transform_indices = @transform_0, window_bounds = array<i64: 1024, 64>}, {transform_indices = @transform_1, window_bounds = array<i64: 1024, 64>}, {pipeline_mode = #tpu.pipeline_mode<synchronous>, transform_indices = @transform_2, window_bounds = array<i64: 128, 128>}, {pipeline_mode = #tpu.pipeline_mode<synchronous>, transform_indices = @transform_3, window_bounds = array<i64: 1, 128>}, {transform_indices = @transform_4, window_bounds = array<i64: 1024, 128>}]} {
    %get3A = arith.constant 0 : index
    %get3A_0 = arith.constant 0 : index
    %get3A_1 = vector.load %arg1[%get3A, %get3A_0] : memref<1024x64xf32, #tpu.memory_space<vmem>>, vector<1024x64xf32>
    %get3A_2 = arith.constant 0 : index
    %get3A_3 = arith.constant 0 : index
    %get3A_4 = vector.load %arg2[%get3A_2, %get3A_3] : memref<1024x64xf32, #tpu.memory_space<vmem>>, vector<1024x64xf32>
    %concatenate3A = tpu.concatenate %get3A_1, %get3A_4 in 1 : vector<1024x64xf32>, vector<1024x64xf32> -> vector<1024x128xf32>
    %get3A_5 = arith.constant 0 : index
    %get3A_6 = arith.constant 0 : index
    %get3A_7 = vector.load %arg3[%get3A_5, %get3A_6] : memref<128x128xf32, #tpu.memory_space<vmem>>, vector<128x128xf32>
    %dot_general3A = arith.constant dense<0.000000e+00> : vector<1024x128xf32>
    %dot_general3A_8 = tpu.matmul %concatenate3A, %get3A_7, %dot_general3A {dimension_numbers = #tpu.dot_dimension_numbers<[1], [0], [0], [1], [0, 0, 1, 1], [], []>, transpose_lhs_hint = false} : vector<1024x128xf32>, vector<128x128xf32>, vector<1024x128xf32> -> vector<1024x128xf32>
    %get3A_9 = arith.constant 0 : index
    %get3A_10 = arith.constant 0 : index
    %get3A_11 = vector.load %arg4[%get3A_9, %get3A_10] : memref<1x128xf32, #tpu.memory_space<vmem>>, vector<1x128xf32>
    %add3A = vector.broadcast %get3A_11 : vector<1x128xf32> to vector<1024x128xf32>
    %add3A_12 = arith.addf %dot_general3A_8, %add3A : vector<1024x128xf32>
    %swap3A = arith.constant 0 : index
    %swap3A_13 = arith.constant 0 : index
    %swap3A_14 = vector.load %arg5[%swap3A, %swap3A_13] : memref<1024x128xf32, #tpu.memory_space<vmem>>, vector<1024x128xf32>
    tpu.vector_store %arg5[%swap3A, %swap3A_13], %add3A_12 {strides = array<i32>} : memref<1024x128xf32, #tpu.memory_space<vmem>>, vector<1024x128xf32>,
    return
  }
  func.func @transform_0(%arg0: i32) -> (i32, i32) {
    %c0_i32 = arith.constant 0 : i32
    %c0_i32_0 = arith.constant 0 : i32
    return %arg0, %c0_i32 : i32, i32
  }
  func.func @transform_1(%arg0: i32) -> (i32, i32) {
    %c0_i32 = arith.constant 0 : i32
    %c0_i32_0 = arith.constant 0 : i32
    return %arg0, %c0_i32 : i32, i32
  }
  func.func @transform_2(%arg0: i32) -> (i32, i32) {
    %c0_i32 = arith.constant 0 : i32
    %c0_i32_0 = arith.constant 0 : i32
    %c0_i32_1 = arith.constant 0 : i32
    return %c0_i32, %c0_i32_0 : i32, i32
  }
  func.func @transform_3(%arg0: i32) -> (i32, i32) {
    %c0_i32 = arith.constant 0 : i32
    %c0_i32_0 = arith.constant 0 : i32
    %c0_i32_1 = arith.constant 0 : i32
    return %c0_i32, %c0_i32_0 : i32, i32
  }
  func.func @transform_4(%arg0: i32) -> (i32, i32) {
    %c0_i32 = arith.constant 0 : i32
    %c0_i32_0 = arith.constant 0 : i32
    return %arg0, %c0_i32 : i32, i32
  }
}

module attributes {stable_mosaic.version = 14 : i64} {
  func.func @_mk_hs_body(%arg0: i32, %arg1: memref<1024x128xf32, #tpu.memory_space<vmem>>, %arg2: memref<1024x128xf32, #tpu.memory_space<vmem>>, %arg3: memref<1024x128xf32, #tpu.memory_space<vmem>>, %arg4: memref<1024x1xf32, #tpu.memory_space<vmem>>, %arg5: memref<1024x128xf32, #tpu.memory_space<vmem>>) attributes {dimension_semantics = [#tpu.dimension_semantics<arbitrary>], iteration_bounds = array<i64: 10>, scalar_prefetch = 0 : i64, scratch_operands = 0 : i64, tpu.core_type = #tpu.core_type<tc>, window_params = [{transform_indices = @transform_0, window_bounds = array<i64: 1024, 128>}, {transform_indices = @transform_1, window_bounds = array<i64: 1024, 128>}, {transform_indices = @transform_2, window_bounds = array<i64: 1024, 128>}, {transform_indices = @transform_3, window_bounds = array<i64: 1024, 1>}, {transform_indices = @transform_4, window_bounds = array<i64: 1024, 128>}]} {
    %get3A = arith.constant 0 : index
    %get3A_0 = arith.constant 0 : index
    %get3A_1 = vector.load %arg1[%get3A, %get3A_0] : memref<1024x128xf32, #tpu.memory_space<vmem>>, vector<1024x128xf32>
    %slice3A = vector.extract_strided_slice %get3A_1 {offsets = [0, 0], sizes = [1024, 1], strides = [1, 1]} : vector<1024x128xf32> to vector<1024x1xf32>
    %get3A_2 = arith.constant 0 : index
    %get3A_3 = arith.constant 0 : index
    %get3A_4 = vector.load %arg2[%get3A_2, %get3A_3] : memref<1024x128xf32, #tpu.memory_space<vmem>>, vector<1024x128xf32>
    %slice3A_5 = vector.extract_strided_slice %get3A_4 {offsets = [0, 0], sizes = [1024, 1], strides = [1, 1]} : vector<1024x128xf32> to vector<1024x1xf32>
    %add3A = arith.addf %slice3A, %slice3A_5 : vector<1024x1xf32>
    %add3A_6 = arith.constant 1.000000e+00 : f32
    %add3A_7 = vector.broadcast %add3A_6 : f32 to vector<1024x1xf32>
    %add3A_8 = arith.addf %add3A, %add3A_7 : vector<1024x1xf32>
    %mul3A = arith.constant 1024 : i32
    %mul3A_9 = arith.muli %arg0, %mul3A : i32
    %iota3A = tpu.iota {dimensions = array<i32: 0>} : vector<1024x1xi32>
    %add3A_10 = vector.broadcast %mul3A_9 : i32 to vector<1024x1xi32>
    %add3A_11 = arith.addi %add3A_10, %iota3A : vector<1024x1xi32>
    %lt3A = arith.constant 10000 : i32
    %lt3A_12 = vector.broadcast %lt3A : i32 to vector<1024x1xi32>
    %lt3A_13 = arith.cmpi slt, %add3A_11, %lt3A_12 : vector<1024x1xi32>
    %rsqrt3A = math.rsqrt %add3A_8 : vector<1024x1xf32>
    %jit3A = arith.constant 0.000000e+00 : f32
    %broadcast_in_dim3A = vector.broadcast %jit3A : f32 to vector<1024x1xf32>
    %select_n3A = arith.select %lt3A_13, %rsqrt3A, %broadcast_in_dim3A : vector<1024x1xi1>, vector<1024x1xf32>
    %swap3A = arith.constant 0 : index
    %swap3A_14 = arith.constant 0 : index
    %swap3A_15 = vector.load %arg4[%swap3A, %swap3A_14] : memref<1024x1xf32, #tpu.memory_space<vmem>>, vector<1024x1xf32>
    tpu.vector_store %arg4[%swap3A, %swap3A_14], %select_n3A {strides = array<i32>} : memref<1024x1xf32, #tpu.memory_space<vmem>>, vector<1024x1xf32>,
    %get3A_16 = arith.constant 0 : index
    %get3A_17 = arith.constant 0 : index
    %get3A_18 = vector.load %arg3[%get3A_16, %get3A_17] : memref<1024x128xf32, #tpu.memory_space<vmem>>, vector<1024x128xf32>
    %mul3A_19 = vector.broadcast %select_n3A : vector<1024x1xf32> to vector<1024x128xf32>
    %mul3A_20 = arith.mulf %mul3A_19, %get3A_18 : vector<1024x128xf32>
    %swap3A_21 = arith.constant 0 : index
    %swap3A_22 = arith.constant 0 : index
    %swap3A_23 = vector.load %arg5[%swap3A_21, %swap3A_22] : memref<1024x128xf32, #tpu.memory_space<vmem>>, vector<1024x128xf32>
    tpu.vector_store %arg5[%swap3A_21, %swap3A_22], %mul3A_20 {strides = array<i32>} : memref<1024x128xf32, #tpu.memory_space<vmem>>, vector<1024x128xf32>,
    return
  }
  func.func @transform_0(%arg0: i32) -> (i32, i32) {
    %c0_i32 = arith.constant 0 : i32
    %c0_i32_0 = arith.constant 0 : i32
    return %arg0, %c0_i32 : i32, i32
  }
  func.func @transform_1(%arg0: i32) -> (i32, i32) {
    %c0_i32 = arith.constant 0 : i32
    %c0_i32_0 = arith.constant 0 : i32
    return %arg0, %c0_i32 : i32, i32
  }
  func.func @transform_2(%arg0: i32) -> (i32, i32) {
    %c0_i32 = arith.constant 0 : i32
    %c0_i32_0 = arith.constant 0 : i32
    return %arg0, %c0_i32 : i32, i32
  }
  func.func @transform_3(%arg0: i32) -> (i32, i32) {
    %c0_i32 = arith.constant 0 : i32
    %c0_i32_0 = arith.constant 0 : i32
    return %arg0, %c0_i32 : i32, i32
  }
  func.func @transform_4(%arg0: i32) -> (i32, i32) {
    %c0_i32 = arith.constant 0 : i32
    %c0_i32_0 = arith.constant 0 : i32
    return %arg0, %c0_i32 : i32, i32
  }
}

module attributes {stable_mosaic.version = 14 : i64} {
  func.func @_combine_body(%arg0: i32, %arg1: memref<1024x128xf32, #tpu.memory_space<vmem>>, %arg2: memref<1024x128xf32, #tpu.memory_space<vmem>>, %arg3: memref<1024x128xf32, #tpu.memory_space<vmem>>, %arg4: memref<1024x1xf32, #tpu.memory_space<vmem>>, %arg5: memref<128x128xf32, #tpu.memory_space<vmem>>, %arg6: memref<1x128xf32, #tpu.memory_space<vmem>>, %arg7: memref<1024x128xf32, #tpu.memory_space<vmem>>) attributes {dimension_semantics = [#tpu.dimension_semantics<arbitrary>], iteration_bounds = array<i64: 10>, scalar_prefetch = 0 : i64, scratch_operands = 0 : i64, tpu.core_type = #tpu.core_type<tc>, window_params = [{transform_indices = @transform_0, window_bounds = array<i64: 1024, 128>}, {transform_indices = @transform_1, window_bounds = array<i64: 1024, 128>}, {transform_indices = @transform_2, window_bounds = array<i64: 1024, 128>}, {transform_indices = @transform_3, window_bounds = array<i64: 1024, 1>}, {pipeline_mode = #tpu.pipeline_mode<synchronous>, transform_indices = @transform_4, window_bounds = array<i64: 128, 128>}, {pipeline_mode = #tpu.pipeline_mode<synchronous>, transform_indices = @transform_5, window_bounds = array<i64: 1, 128>}, {transform_indices = @transform_6, window_bounds = array<i64: 1024, 128>}]} {
    %get3A = arith.constant 0 : index
    %get3A_0 = arith.constant 0 : index
    %get3A_1 = vector.load %arg4[%get3A, %get3A_0] : memref<1024x1xf32, #tpu.memory_space<vmem>>, vector<1024x1xf32>
    %get3A_2 = arith.constant 0 : index
    %get3A_3 = arith.constant 0 : index
    %get3A_4 = vector.load %arg1[%get3A_2, %get3A_3] : memref<1024x128xf32, #tpu.memory_space<vmem>>, vector<1024x128xf32>
    %get3A_5 = arith.constant 0 : index
    %get3A_6 = arith.constant 0 : index
    %get3A_7 = vector.load %arg2[%get3A_5, %get3A_6] : memref<1024x128xf32, #tpu.memory_space<vmem>>, vector<1024x128xf32>
    %add3A = arith.addf %get3A_4, %get3A_7 : vector<1024x128xf32>
    %get3A_8 = arith.constant 0 : index
    %get3A_9 = arith.constant 0 : index
    %get3A_10 = vector.load %arg3[%get3A_8, %get3A_9] : memref<1024x128xf32, #tpu.memory_space<vmem>>, vector<1024x128xf32>
    %add3A_11 = arith.addf %add3A, %get3A_10 : vector<1024x128xf32>
    %mul3A = vector.broadcast %get3A_1 : vector<1024x1xf32> to vector<1024x128xf32>
    %mul3A_12 = arith.mulf %mul3A, %add3A_11 : vector<1024x128xf32>
    %max3A = arith.constant 0.000000e+00 : f32
    %max3A_13 = vector.broadcast %max3A : f32 to vector<1024x128xf32>
    %max3A_14 = arith.maximumf %mul3A_12, %max3A_13 : vector<1024x128xf32>
    %get3A_15 = arith.constant 0 : index
    %get3A_16 = arith.constant 0 : index
    %get3A_17 = vector.load %arg5[%get3A_15, %get3A_16] : memref<128x128xf32, #tpu.memory_space<vmem>>, vector<128x128xf32>
    %dot_general3A = arith.constant dense<0.000000e+00> : vector<1024x128xf32>
    %dot_general3A_18 = tpu.matmul %max3A_14, %get3A_17, %dot_general3A {dimension_numbers = #tpu.dot_dimension_numbers<[1], [0], [0], [1], [0, 0, 1, 1], [], []>, transpose_lhs_hint = false} : vector<1024x128xf32>, vector<128x128xf32>, vector<1024x128xf32> -> vector<1024x128xf32>
    %get3A_19 = arith.constant 0 : index
    %get3A_20 = arith.constant 0 : index
    %get3A_21 = vector.load %arg6[%get3A_19, %get3A_20] : memref<1x128xf32, #tpu.memory_space<vmem>>, vector<1x128xf32>
    %add3A_22 = vector.broadcast %get3A_21 : vector<1x128xf32> to vector<1024x128xf32>
    %add3A_23 = arith.addf %dot_general3A_18, %add3A_22 : vector<1024x128xf32>
    %mul3A_24 = vector.broadcast %get3A_1 : vector<1024x1xf32> to vector<1024x128xf32>
    %mul3A_25 = arith.mulf %mul3A_24, %add3A_23 : vector<1024x128xf32>
    %swap3A = arith.constant 0 : index
    %swap3A_26 = arith.constant 0 : index
    %swap3A_27 = vector.load %arg7[%swap3A, %swap3A_26] : memref<1024x128xf32, #tpu.memory_space<vmem>>, vector<1024x128xf32>
    tpu.vector_store %arg7[%swap3A, %swap3A_26], %mul3A_25 {strides = array<i32>} : memref<1024x128xf32, #tpu.memory_space<vmem>>, vector<1024x128xf32>,
    return
  }
  func.func @transform_0(%arg0: i32) -> (i32, i32) {
    %c0_i32 = arith.constant 0 : i32
    %c0_i32_0 = arith.constant 0 : i32
    return %arg0, %c0_i32 : i32, i32
  }
  func.func @transform_1(%arg0: i32) -> (i32, i32) {
    %c0_i32 = arith.constant 0 : i32
    %c0_i32_0 = arith.constant 0 : i32
    return %arg0, %c0_i32 : i32, i32
  }
  func.func @transform_2(%arg0: i32) -> (i32, i32) {
    %c0_i32 = arith.constant 0 : i32
    %c0_i32_0 = arith.constant 0 : i32
    return %arg0, %c0_i32 : i32, i32
  }
  func.func @transform_3(%arg0: i32) -> (i32, i32) {
    %c0_i32 = arith.constant 0 : i32
    %c0_i32_0 = arith.constant 0 : i32
    return %arg0, %c0_i32 : i32, i32
  }
  func.func @transform_4(%arg0: i32) -> (i32, i32) {
    %c0_i32 = arith.constant 0 : i32
    %c0_i32_0 = arith.constant 0 : i32
    %c0_i32_1 = arith.constant 0 : i32
    return %c0_i32, %c0_i32_0 : i32, i32
  }
  func.func @transform_5(%arg0: i32) -> (i32, i32) {
    %c0_i32 = arith.constant 0 : i32
    %c0_i32_0 = arith.constant 0 : i32
    %c0_i32_1 = arith.constant 0 : i32
    return %c0_i32, %c0_i32_0 : i32, i32
  }
  func.func @transform_6(%arg0: i32) -> (i32, i32) {
    %c0_i32 = arith.constant 0 : i32
    %c0_i32_0 = arith.constant 0 : i32
    return %arg0, %c0_i32 : i32, i32
  }
}

module attributes {stable_mosaic.version = 14 : i64} {
  func.func @_final_body(%arg0: i32, %arg1: memref<1024x128xf32, #tpu.memory_space<vmem>>, %arg2: memref<1024x128xf32, #tpu.memory_space<vmem>>, %arg3: memref<1024x128xf32, #tpu.memory_space<vmem>>, %arg4: memref<1024x1xf32, #tpu.memory_space<vmem>>, %arg5: memref<128x33xf32, #tpu.memory_space<vmem>>, %arg6: memref<1x33xf32, #tpu.memory_space<vmem>>, %arg7: memref<128x1xf32, #tpu.memory_space<vmem>>, %arg8: memref<1x1xf32, #tpu.memory_space<vmem>>, %arg9: memref<1x33xf32, #tpu.memory_space<vmem>>, %arg10: memref<1x33xf32, #tpu.memory_space<vmem>>, %arg11: memref<1x1xf32, #tpu.memory_space<vmem>>, %arg12: memref<1x128xf32, #tpu.memory_space<vmem>>) attributes {dimension_semantics = [#tpu.dimension_semantics<arbitrary>], iteration_bounds = array<i64: 10>, scalar_prefetch = 0 : i64, scratch_operands = 1 : i64, tpu.core_type = #tpu.core_type<tc>, window_params = [{transform_indices = @transform_0, window_bounds = array<i64: 1024, 128>}, {transform_indices = @transform_1, window_bounds = array<i64: 1024, 128>}, {transform_indices = @transform_2, window_bounds = array<i64: 1024, 128>}, {transform_indices = @transform_3, window_bounds = array<i64: 1024, 1>}, {pipeline_mode = #tpu.pipeline_mode<synchronous>, transform_indices = @transform_4, window_bounds = array<i64: 128, 33>}, {pipeline_mode = #tpu.pipeline_mode<synchronous>, transform_indices = @transform_5, window_bounds = array<i64: 1, 33>}, {pipeline_mode = #tpu.pipeline_mode<synchronous>, transform_indices = @transform_6, window_bounds = array<i64: 128, 1>}, {pipeline_mode = #tpu.pipeline_mode<synchronous>, transform_indices = @transform_7, window_bounds = array<i64: 1, 1>}, {pipeline_mode = #tpu.pipeline_mode<synchronous>, transform_indices = @transform_8, window_bounds = array<i64: 1, 33>}, {pipeline_mode = #tpu.pipeline_mode<synchronous>, transform_indices = @transform_9, window_bounds = array<i64: 1, 33>}, {pipeline_mode = #tpu.pipeline_mode<synchronous>, transform_indices = @transform_10, window_bounds = array<i64: 1, 1>}]} {
    %get3A = arith.constant 0 : index
    %get3A_0 = arith.constant 0 : index
    %get3A_1 = vector.load %arg4[%get3A, %get3A_0] : memref<1024x1xf32, #tpu.memory_space<vmem>>, vector<1024x1xf32>
    %get3A_2 = arith.constant 0 : index
    %get3A_3 = arith.constant 0 : index
    %get3A_4 = vector.load %arg1[%get3A_2, %get3A_3] : memref<1024x128xf32, #tpu.memory_space<vmem>>, vector<1024x128xf32>
    %get3A_5 = arith.constant 0 : index
    %get3A_6 = arith.constant 0 : index
    %get3A_7 = vector.load %arg2[%get3A_5, %get3A_6] : memref<1024x128xf32, #tpu.memory_space<vmem>>, vector<1024x128xf32>
    %add3A = arith.addf %get3A_4, %get3A_7 : vector<1024x128xf32>
    %get3A_8 = arith.constant 0 : index
    %get3A_9 = arith.constant 0 : index
    %get3A_10 = vector.load %arg3[%get3A_8, %get3A_9] : memref<1024x128xf32, #tpu.memory_space<vmem>>, vector<1024x128xf32>
    %add3A_11 = arith.addf %add3A, %get3A_10 : vector<1024x128xf32>
    %mul3A = vector.broadcast %get3A_1 : vector<1024x1xf32> to vector<1024x128xf32>
    %mul3A_12 = arith.mulf %mul3A, %add3A_11 : vector<1024x128xf32>
    %max3A = arith.constant 0.000000e+00 : f32
    %max3A_13 = vector.broadcast %max3A : f32 to vector<1024x128xf32>
    %max3A_14 = arith.maximumf %mul3A_12, %max3A_13 : vector<1024x128xf32>
    %reduce_max3A = arith.constant dense<0xFF800000> : vector<128xf32>
    %reduce_max3A_15 = vector.multi_reduction <maximumf>, %max3A_14, %reduce_max3A [0] : vector<1024x128xf32> to vector<128xf32>
    %broadcast_in_dim3A = vector.shape_cast %reduce_max3A_15 : vector<128xf32> to vector<1x128xf32>
    %eq3A = arith.constant 0 : i32
    %eq3A_16 = arith.cmpi eq, %arg0, %eq3A : i32
    %convert_element_type3A = arith.extui %eq3A_16 : i1 to i32
    %cond3A = arith.constant 0 : i32
    %cond3A_17 = arith.cmpi ne, %convert_element_type3A, %cond3A : i32
    scf.if %cond3A_17 {
      %swap3A = arith.constant 0 : index
      %swap3A_27 = arith.constant 0 : index
      %swap3A_28 = vector.load %arg12[%swap3A, %swap3A_27] : memref<1x128xf32, #tpu.memory_space<vmem>>, vector<1x128xf32>
      tpu.vector_store %arg12[%swap3A, %swap3A_27], %broadcast_in_dim3A {strides = array<i32>} : memref<1x128xf32, #tpu.memory_space<vmem>>, vector<1x128xf32>,
    } else {
    }
    %gt3A = arith.constant 0 : i32
    %gt3A_18 = arith.cmpi sgt, %arg0, %gt3A : i32
    %convert_element_type3A_19 = arith.extui %gt3A_18 : i1 to i32
    %cond3A_20 = arith.constant 0 : i32
    %cond3A_21 = arith.cmpi ne, %convert_element_type3A_19, %cond3A_20 : i32
    scf.if %cond3A_21 {
      %get3A_27 = arith.constant 0 : index
      %get3A_28 = arith.constant 0 : index
      %get3A_29 = vector.load %arg12[%get3A_27, %get3A_28] : memref<1x128xf32, #tpu.memory_space<vmem>>, vector<1x128xf32>
      %max3A_30 = arith.maximumf %get3A_29, %broadcast_in_dim3A : vector<1x128xf32>
      %swap3A = arith.constant 0 : index
      %swap3A_31 = arith.constant 0 : index
      %swap3A_32 = vector.load %arg12[%swap3A, %swap3A_31] : memref<1x128xf32, #tpu.memory_space<vmem>>, vector<1x128xf32>
      tpu.vector_store %arg12[%swap3A, %swap3A_31], %max3A_30 {strides = array<i32>} : memref<1x128xf32, #tpu.memory_space<vmem>>, vector<1x128xf32>,
    } else {
    }
    %eq3A_22 = arith.constant 9 : i32
    %eq3A_23 = arith.cmpi eq, %arg0, %eq3A_22 : i32
    %convert_element_type3A_24 = arith.extui %eq3A_23 : i1 to i32
    %cond3A_25 = arith.constant 0 : i32
    %cond3A_26 = arith.cmpi ne, %convert_element_type3A_24, %cond3A_25 : i32
    scf.if %cond3A_26 {
      %get3A_27 = arith.constant 0 : index
      %get3A_28 = arith.constant 0 : index
      %get3A_29 = vector.load %arg12[%get3A_27, %get3A_28] : memref<1x128xf32, #tpu.memory_space<vmem>>, vector<1x128xf32>
      %get3A_30 = arith.constant 0 : index
      %get3A_31 = arith.constant 0 : index
      %get3A_32 = vector.load %arg5[%get3A_30, %get3A_31] : memref<128x33xf32, #tpu.memory_space<vmem>>, vector<128x33xf32>
      %dot_general3A = arith.constant dense<0.000000e+00> : vector<1x33xf32>
      %dot_general3A_33 = tpu.matmul %get3A_29, %get3A_32, %dot_general3A {dimension_numbers = #tpu.dot_dimension_numbers<[1], [0], [0], [1], [0, 0, 1, 1], [], []>, transpose_lhs_hint = false} : vector<1x128xf32>, vector<128x33xf32>, vector<1x33xf32> -> vector<1x33xf32>
      %get3A_34 = arith.constant 0 : index
      %get3A_35 = arith.constant 0 : index
      %get3A_36 = vector.load %arg6[%get3A_34, %get3A_35] : memref<1x33xf32, #tpu.memory_space<vmem>>, vector<1x33xf32>
      %add3A_37 = arith.addf %dot_general3A_33, %get3A_36 : vector<1x33xf32>
      %swap3A = arith.constant 0 : index
      %swap3A_38 = arith.constant 0 : index
      %swap3A_39 = vector.load %arg9[%swap3A, %swap3A_38] : memref<1x33xf32, #tpu.memory_space<vmem>>, vector<1x33xf32>
      tpu.vector_store %arg9[%swap3A, %swap3A_38], %add3A_37 {strides = array<i32>} : memref<1x33xf32, #tpu.memory_space<vmem>>, vector<1x33xf32>,
      %reduce_max3A_40 = arith.constant dense<0xFF800000> : vector<1xf32>
      %reduce_max3A_41 = vector.multi_reduction <maximumf>, %add3A_37, %reduce_max3A_40 [1] : vector<1x33xf32> to vector<1xf32>
      %broadcast_in_dim3A_42 = vector.shape_cast %reduce_max3A_41 : vector<1xf32> to vector<1x1xf32>
      %sub3A = vector.broadcast %broadcast_in_dim3A_42 : vector<1x1xf32> to vector<1x33xf32>
      %sub3A_43 = arith.subf %add3A_37, %sub3A : vector<1x33xf32>
      %exp3A = math.exp %sub3A_43 : vector<1x33xf32>
      %reduce_sum3A = arith.constant dense<0.000000e+00> : vector<1xf32>
      %reduce_sum3A_44 = vector.multi_reduction <add>, %exp3A, %reduce_sum3A [1] : vector<1x33xf32> to vector<1xf32>
      %broadcast_in_dim3A_45 = vector.shape_cast %reduce_sum3A_44 : vector<1xf32> to vector<1x1xf32>
      %div3A = vector.broadcast %broadcast_in_dim3A_45 : vector<1x1xf32> to vector<1x33xf32>
      %div3A_46 = arith.divf %exp3A, %div3A : vector<1x33xf32>
      %swap3A_47 = arith.constant 0 : index
      %swap3A_48 = arith.constant 0 : index
      %swap3A_49 = vector.load %arg10[%swap3A_47, %swap3A_48] : memref<1x33xf32, #tpu.memory_space<vmem>>, vector<1x33xf32>
      tpu.vector_store %arg10[%swap3A_47, %swap3A_48], %div3A_46 {strides = array<i32>} : memref<1x33xf32, #tpu.memory_space<vmem>>, vector<1x33xf32>,
      %get3A_50 = arith.constant 0 : index
      %get3A_51 = arith.constant 0 : index
      %get3A_52 = vector.load %arg7[%get3A_50, %get3A_51] : memref<128x1xf32, #tpu.memory_space<vmem>>, vector<128x1xf32>
      %dot_general3A_53 = arith.constant dense<0.000000e+00> : vector<1x1xf32>
      %dot_general3A_54 = tpu.matmul %get3A_29, %get3A_52, %dot_general3A_53 {dimension_numbers = #tpu.dot_dimension_numbers<[1], [0], [0], [1], [0, 0, 1, 1], [], []>, transpose_lhs_hint = false} : vector<1x128xf32>, vector<128x1xf32>, vector<1x1xf32> -> vector<1x1xf32>
      %get3A_55 = arith.constant 0 : index
      %get3A_56 = arith.constant 0 : index
      %get3A_57 = vector.load %arg8[%get3A_55, %get3A_56] : memref<1x1xf32, #tpu.memory_space<vmem>>, vector<1x1xf32>
      %add3A_58 = arith.addf %dot_general3A_54, %get3A_57 : vector<1x1xf32>
      %swap3A_59 = arith.constant 0 : index
      %swap3A_60 = arith.constant 0 : index
      %swap3A_61 = vector.load %arg11[%swap3A_59, %swap3A_60] : memref<1x1xf32, #tpu.memory_space<vmem>>, vector<1x1xf32>
      tpu.vector_store %arg11[%swap3A_59, %swap3A_60], %add3A_58 {strides = array<i32>} : memref<1x1xf32, #tpu.memory_space<vmem>>, vector<1x1xf32>,
    } else {
    }
    return
  }
  func.func @transform_0(%arg0: i32) -> (i32, i32) {
    %c0_i32 = arith.constant 0 : i32
    %c0_i32_0 = arith.constant 0 : i32
    return %arg0, %c0_i32 : i32, i32
  }
  func.func @transform_1(%arg0: i32) -> (i32, i32) {
    %c0_i32 = arith.constant 0 : i32
    %c0_i32_0 = arith.constant 0 : i32
    return %arg0, %c0_i32 : i32, i32
  }
  func.func @transform_2(%arg0: i32) -> (i32, i32) {
    %c0_i32 = arith.constant 0 : i32
    %c0_i32_0 = arith.constant 0 : i32
    return %arg0, %c0_i32 : i32, i32
  }
  func.func @transform_3(%arg0: i32) -> (i32, i32) {
    %c0_i32 = arith.constant 0 : i32
    %c0_i32_0 = arith.constant 0 : i32
    return %arg0, %c0_i32 : i32, i32
  }
  func.func @transform_4(%arg0: i32) -> (i32, i32) {
    %c0_i32 = arith.constant 0 : i32
    %c0_i32_0 = arith.constant 0 : i32
    %c0_i32_1 = arith.constant 0 : i32
    return %c0_i32, %c0_i32_0 : i32, i32
  }
  func.func @transform_5(%arg0: i32) -> (i32, i32) {
    %c0_i32 = arith.constant 0 : i32
    %c0_i32_0 = arith.constant 0 : i32
    %c0_i32_1 = arith.constant 0 : i32
    return %c0_i32, %c0_i32_0 : i32, i32
  }
  func.func @transform_6(%arg0: i32) -> (i32, i32) {
    %c0_i32 = arith.constant 0 : i32
    %c0_i32_0 = arith.constant 0 : i32
    %c0_i32_1 = arith.constant 0 : i32
    return %c0_i32, %c0_i32_0 : i32, i32
  }
  func.func @transform_7(%arg0: i32) -> (i32, i32) {
    %c0_i32 = arith.constant 0 : i32
    %c0_i32_0 = arith.constant 0 : i32
    %c0_i32_1 = arith.constant 0 : i32
    return %c0_i32, %c0_i32_0 : i32, i32
  }
  func.func @transform_8(%arg0: i32) -> (i32, i32) {
    %c0_i32 = arith.constant 0 : i32
    %c0_i32_0 = arith.constant 0 : i32
    %c0_i32_1 = arith.constant 0 : i32
    return %c0_i32, %c0_i32_0 : i32, i32
  }
  func.func @transform_9(%arg0: i32) -> (i32, i32) {
    %c0_i32 = arith.constant 0 : i32
    %c0_i32_0 = arith.constant 0 : i32
    %c0_i32_1 = arith.constant 0 : i32
    return %c0_i32, %c0_i32_0 : i32, i32
  }
  func.func @transform_10(%arg0: i32) -> (i32, i32) {
    %c0_i32 = arith.constant 0 : i32
    %c0_i32_0 = arith.constant 0 : i32
    %c0_i32_1 = arith.constant 0 : i32
    return %c0_i32, %c0_i32_0 : i32, i32
  }
}

</mosaic_0001>

<sc_bundles>
// kernel: kernel.12.cloned.1.call-start
scs
__scs_entry_jumppad:
0x0: {  	(pc) =	sbr.rel $0x88, $3  }
0x1: {  	(tag) =	ssettag $0x0;
	lr =	simm.s32 $0x1  }
0x2: {  	[smem:$0x3F96] =	sst lr;
	_ =	strace $0xD0000000  }
0x3: {  	_ = 	snop  }
0x4: {  	_ = 	snop  }
0x5: {  	_ = 	snop  }
0x6: {  	_ = 	snop  }
0x7: {  	_ = 	snop  }
__scs_overlays_trampoline_lowered:
0x8: {  	[smem:$0x3FA5] =	sst s0  }
0x9: {  	[smem:$0x3FA6] =	sst s1  }
0xa: {  	[smem:$0x3FA7] =	sst s2  }
0xb: {  	[smem:$0x3FA8] =	sst s3  }
0xc: {  	[smem:$0x3FA9] =	sst s4  }
0xd: {  	[smem:$0x3FAA] =	sst s5  }
0xe: {  	[smem:$0x3FAB] =	sst s6  }
0xf: {  	[smem:$0x3FAC] =	sst s7  }
0x10: {  	[smem:$0x3FAD] =	sst s8  }
0x11: {  	[smem:$0x3FAE] =	sst s9;
	s0 =	simm.s32 @!p0 $0x0  }
0x12: {  	s1 =	sld [smem:$0x3F94];
	s0 =	simm.s32 @p0 $0x1  }
0x13: {  	[smem:$0x3FAF] =	sst s0;
	s0 =	simm.s32 @!p1 $0x0  }
0x14: {  	s2 =	sld [smem:$0x3F93];
	s0 =	simm.s32 @p1 $0x1  }
0x15: {  	[smem:$0x3FB0] =	sst s0;
	s0 =	simm.s32 @!p2 $0x0  }
0x16: {  	s3 =	sld [smem:$0x3FDB];
	s0 =	simm.s32 @p2 $0x1  }
0x17: {  	s4 =	simm.s32 $0x1BF5;
	[smem:$0x3FB2] =	sst s0  }
0x18: {  	s0 =	sld [smem:$0x3F95];
	_ =	swait.ge [sflag:s4], $0x0  }
0x19: {  	s7 =	sld [smem:$0x3F96]  }
0x1a: {  	s8 =	sadd.s32 $0xFFFFE003, lr  }
0x1b: {  	s9 =	sadd.s32 $0xFFFFFEF7, lr;
	s5 =	simm.s32 $0xFFFFFFFF;
	p2 =	slt.u32 s8, $0xFFFFF086  }
0x1c: {  	p1 =	slt.u32 s9, $0xF7A;
	s5 =	simm.s32 @!p2 $0x0  }
0x1d: {  	s5 =	simm.s32 @p1 $0x1;
	p0 =	seq.s32 s7, s2  }
0x1e: {  	s7 =	smul.u32 @!p0 $0xF7A, s2;
	p2 =	seq.s32 @!p0 s5, $0x0  }
0x1f: {  	s9 =	smul.u32 $0xF7A, s1;
	s8 =	simm.s32 @!p0 $0x1BF5;
	p2 =	por !p2, p0  }
0x20: {  	[sflag:s8] =	ssyncset.s32 @!p0 $0xFFFFF086;
	s6 =	sadd.s32 @!p0 s3, s7;
	s7 =	simm.s32 @!p0 $0x108  }
0x21: {  	s3 =	sadd.s32 s3, s9;
	s6 =	sadd.s32 @!p0 $0x88, s6;
	s7 =	simm.s32 @p2 $0x1082  }
0x22: {  	[simem:s7], [sflag:s8] =	dma.local @!p0 [hbm:s6], $0xF7A  }
0x23: {  	s9 =	sor.u32 $0xD0000000, s2;
	s6 =	simm.s32 $0x108;
	_ =	swait.ge @!p0 [sflag:s8], $0x0  }
0x24: {  	s3 =	sadd.s32 $0x88, s3;
	s6 =	simm.s32 @!p1 $0x1082;
	[sflag:s4] =	ssyncset.s32 $0xFFFFF086  }
0x25: {  	[simem:s6], [sflag:s4] =	dma.local [hbm:s3], $0xF7A  }
0x26: {  	[smem:$0x3F96] =	sst s1;
	(tag) =	ssettag s2;
	_ =	strace s9  }
0x27: {  	s1 =	sld [smem:$0x3FA6]  }
0x28: {  	s2 =	sld [smem:$0x3FA7]  }
0x29: {  	s4 =	sld [smem:$0x3FA9]  }
0x2a: {  	p0 =	seq.s32 s5, $0x0;
	s5 =	sld [smem:$0x3FAA]  }
0x2b: {  	s6 =	sld [smem:$0x3FAB]  }
0x2c: {  	s7 =	sld [smem:$0x3FAC]  }
0x2d: {  	s3 =	simm.s32 $0x108;
	s8 =	sld [smem:$0x3FAD]  }
0x2e: {  	s3 =	simm.s32 @!p0 $0x1082;
	s9 =	sld [smem:$0x3FAE]  }
0x2f: {  	lr =	sadd.s32 s0, s3;
	s0 =	sld [smem:$0x3FA5]  }
0x30: {  	s3 =	sld [smem:$0x3FA8]  }
0x31: {  	[smem:$0x3FB1] =	sst s10  }
0x32: {  	s10 =	sld [smem:$0x3FAF];
	_ =	sdelay $0x3  }
0x33: {  	p0 =	seq.s32 s10, $0x1;
	s10 =	sld [smem:$0x3FB1];
	_ =	sdelay $0x3  }
0x34: {  	[smem:$0x3FB1] =	sst s10  }
0x35: {  	s10 =	sld [smem:$0x3FB0];
	_ =	sdelay $0x3  }
0x36: {  	p1 =	seq.s32 s10, $0x1;
	s10 =	sld [smem:$0x3FB1];
	_ =	sdelay $0x3  }
0x37: {  	[smem:$0x3FB1] =	sst s10  }
0x38: {  	s10 =	sld [smem:$0x3FB2]  }
0x39: {  	_ = 	snop;
	(pc) =	sbr.ind lr, $3  }
0x3a: {  	_ = 	snop  }
0x3b: {  	_ = 	snop  }
0x3c: {  	p2 =	seq.s32 s10, $0x1;
	s10 =	sld [smem:$0x3FB1]  }
0x3d: {  	_ =	shalt  }
0x3e: {  	_ =	shalt  }
0x3f: {  	_ =	shalt  }
0x40: {  	_ =	shalt  }
0x41: {  	_ =	shalt  }
0x42: {  	_ =	shalt  }
0x43: {  	_ =	shalt  }
0x44: {  	_ =	shalt  }
0x45: {  	_ =	shalt  }
0x46: {  	_ =	shalt  }
0x47: {  	_ =	shalt  }
0x48: {  	_ =	shalt  }
0x49: {  	_ =	shalt  }
0x4a: {  	_ =	shalt  }
0x4b: {  	_ =	shalt  }
0x4c: {  	_ =	shalt  }
0x4d: {  	_ =	shalt  }
0x4e: {  	_ =	shalt  }
0x4f: {  	_ =	shalt  }
0x50: {  	_ =	shalt  }
0x51: {  	_ =	shalt  }
0x52: {  	_ =	shalt  }
0x53: {  	_ =	shalt  }
0x54: {  	_ =	shalt  }
0x55: {  	_ =	shalt  }
0x56: {  	_ =	shalt  }
0x57: {  	_ =	shalt  }
0x58: {  	_ =	shalt  }
0x59: {  	_ =	shalt  }
0x5a: {  	_ =	shalt  }
0x5b: {  	_ =	shalt  }
0x5c: {  	_ =	shalt  }
0x5d: {  	_ =	shalt  }
0x5e: {  	_ =	shalt  }
0x5f: {  	_ =	shalt  }
0x60: {  	_ =	shalt  }
0x61: {  	_ =	shalt  }
0x62: {  	_ =	shalt  }
0x63: {  	_ =	shalt  }
0x64: {  	_ =	shalt  }
0x65: {  	_ =	shalt  }
0x66: {  	_ =	shalt  }
0x67: {  	_ =	shalt  }
0x68: {  	_ =	shalt  }
0x69: {  	_ =	shalt  }
0x6a: {  	_ =	shalt  }
0x6b: {  	_ =	shalt  }
0x6c: {  	_ =	shalt  }
0x6d: {  	_ =	shalt  }
0x6e: {  	_ =	shalt  }
0x6f: {  	_ =	shalt  }
0x70: {  	_ =	shalt  }
0x71: {  	_ =	shalt  }
0x72: {  	_ =	shalt  }
0x73: {  	_ =	shalt  }
0x74: {  	_ =	shalt  }
0x75: {  	_ =	shalt  }
0x76: {  	_ =	shalt  }
0x77: {  	_ =	shalt  }
0x78: {  	_ =	shalt  }
0x79: {  	_ =	shalt  }
0x7a: {  	_ =	shalt  }
0x7b: {  	_ =	shalt  }
0x7c: {  	_ =	shalt  }
0x7d: {  	_ =	shalt  }
0x7e: {  	_ =	shalt  }
0x7f: {  	_ =	shalt  }
0x80: {  	_ =	shalt  }
0x81: {  	_ =	shalt  }
0x82: {  	_ =	shalt  }
0x83: {  	_ =	shalt  }
0x84: {  	_ =	shalt  }
0x85: {  	_ =	shalt  }
0x86: {  	_ =	shalt  }
0x87: {  	_ =	shalt  }
.Lfunc_end0:
.L_simem_size_0:
called_computation.1_lowered:
.L_overlay_start_0:
0x88: {  	s2 =	sld [smem:$0x3FD9]  }
0x89: {  	s3 =	sld [smem:$0x3FFE];
	_ =	sdelay $0x1  }
0x8a: {  	s1 =	srdreg.scid  }
0x8b: {  	s0 =	sand.u32 $0x1, s1  }
0x8c: {  	s16 =	sshll.u32 s0, $0xA;
	s2 =	sadd.s32 s3, s2  }
0x8d: {  	s2 =	sadd.s32 s2, s16  }
0x8e: {  	[smem:$0x3FBD] =	sst s2  }
0x8f: {  	_ = 	snop  }
0x90: {  	(tm) =	ssettm $0x1  }
0x91: {  	s17 =	sld [smem:$0x3FFB];
	_ =	sdelay $0x3  }
0x92: {  	_ =	strace s17  }
0x93: {  	s2 =	sld [smem:$0x3FFC];
	_ =	sdelay $0x3  }
0x94: {  	_ =	strace s2  }
0x95: {  	s2 =	sld [smem:$0x3FFD];
	_ =	sdelay $0x3  }
0x96: {  	_ =	strace s2  }
0x97: {  	_ =	strace $0x8FFFFFFF  }
0x98: {  	s18 =	sld [smem:$0x3FDB];
	_ =	sdelay $0x1  }
0x99: {  	s19 =	simm.s32 $_scs_section_size  }
0x9a: {  	s4 =	simm.s32 $_size__tile_overlayer_lowered;
	s5 =	simm.s32 $_tile_overlayer_lowered  }
0x9b: {  	s22 =	simm.s32 $0x1BFF;
	s21 =	sshll.u32 s5, $0x1;
	s2 =	sadd.s32 s19, s18  }
0x9c: {  	s6 =	simm.s32 $0x0;
	s20 =	sshll.u32 s4, $0x1;
	s4 =	sadd.s32 s21, s2  }
0x9d: {  	[timem:s6], [sflag:s22] =	dma.local [hbm:s4], s20  }
0x9e: {  	_ =	swait.ge [sflag:s22], s20  }
0x9f: {  	s3 =	ssub.s32 $0x0, s20;
	[sflag:s22] =	ssyncset.done $0x0  }
0xa0: {  	[sflag:s22] =	ssyncadd.s32 s3;
	_ =	sdelay $0x1  }
0xa1: {  	s23 =	simm.s32 $0x1B8B  }
0xa2: {  	_ =	swait.ge [sflag:s23], $0x1  }
0xa3: {  	[sflag:s23] =	ssyncset.done $0x0  }
0xa4: {  	s25 =	simm.s32 $0x1B8E;
	s24 =	sld [smem:$0x3FFE];
	[sflag:s23] =	ssyncadd.s32 $0xFFFFFFFF  }
0xa5: {  	s26 =	simm.s32 $execute0_lowered;
	[smem:$0x3FD2] =	sst s25  }
0xa6: {  	s4 =	sshll.u32 s26, $0x1;
	_ =	strace $0x80000049;
	[dreg:$0x1] =	wrdreg $0xFFFFFFFF  }
0xa7: {  	s28 =	simm.s32 $_size_execute0_lowered;
	s2 =	sadd.s32 s2, s4;
	[dreg:$0x0] =	wrdreg $0x0  }
0xa8: {  	s4 =	sshll.u32 s28, $0x1;
	[dreg:$0x2] =	wrdreg s2  }
0xa9: {  	[dreg:$0x3] =	wrdreg s4  }
0xaa: {  	[dreg:$0x4] =	wrdreg $0xC0  }
0xab: {  	_ =	task [dreg:s6], $0x5FFFF  }
0xac: {  	[dreg:$0x1] =	wrdreg $0xFFFFFFFF  }
0xad: {  	[dreg:$0x0] =	wrdreg $0x60  }
0xae: {  	[dreg:$0x2] =	wrdreg s24  }
0xaf: {  	[dreg:$0x3] =	wrdreg $0x0  }
0xb0: {  	[dreg:$0x4] =	wrdreg $0x9  }
0xb1: {  	_ =	task.clear_ibuf [dreg:s6], $0x5FFFF;
	_ =	strace $0x90000049  }
0xb2: {  	s29 =	simm.s32 $0x9;
	_ =	strace $0x8000004B  }
0xb3: {  	_ =	swait.ge [sflag:s29], $0x1  }
0xb4: {  	[sflag:s29] =	ssyncadd.s32 $0xFFFFFFFF  }
0xb5: {  	_ =	strace $0x9000004B  }
0xb6: {  	_ =	sfence  }
0xb7: {  	s30 =	sld [smem:$0x0];
	_ =	sdelay $0x2  }
0xb8: {  	s31 =	sshll.u32 s1, $0xD;
	s1 =	sshrl.u32 s1, $0x2  }
0xb9: {  	s3 =	sand.u32 $0x4000, s31;
	s1 =	sadd.s32 s1, s30  }
0xba: {  	s0 =	sor.u32 s3, s0;
	s1 =	sshll.u32 s1, $0x11  }
0xbb: {  	s0 =	sor.u32 s1, s0  }
0xbc: {  	s0 =	sadd.s32 $0x8F2B, s0  }
0xbd: {  	[sflag:s0] =	ssyncadd.remote.s32 $0x1  }
0xbe: {  	_ =	sfence.sel $0xFFFF  }
0xbf: {  	[dreg:$0x0] =	wrdreg $0xFFFFFFFF;
	(pc) =	sbr.abs _section_cstart, $3  }
0xc0: {  	[dreg:$0x1] =	wrdreg $0xFFFFFFFF  }
0xc1: {  	_ =	task.clear_ibuf [dreg:s6], $0x2FFFF;
	_ =	strace $0x9FFFFFFF  }
0xc2: {  	(tm) =	ssettm $0x7FFFFFFF  }
0xc3: {  	_ =	shalt  }
tec
execute0_lowered:
.L_overlay_start_1:
0x0: {  	(tag) =	ssettag $0x1  }
0x1: {  	s0 =	rddreg [dreg:$0x0]  }
0x2: {  	s2 =	rddreg [dreg:$0x1]  }
0x3: {  	s9 =	stileid.u32;
	s1 =	srdreg.scid  }
0x4: {  	s5 =	simm.s32 $0x0;
	s17 =	simm.s32 $0x14000;
	s31 =	simm.s32 $0x1BC00  }
0x5: {  	s28 =	simm.s32 $0x4;
	s29 =	simm.s32 $0x9;
	s10 =	simm.s32 $0xC  }
0x6: {  	s12 =	simm.s32 $0x5;
	s13 =	simm.s32 $0x6;
	s3 =	smul.u32 $0x28, s9  }
0x7: {  	s14 =	simm.s32 $0x7;
	s18 =	simm.s32 $0x8;
	s4 =	smul.u32 $0x78, s9  }
0x8: {  	s15 =	simm.s32 $0xA;
	s1 =	sand.u32 $0x1, s1;
	s19 =	smul.u32 $0x2800, s9  }
0x9: {  	[smem:$0x7FF] =	sst s5;
	s5 =	sadd.s32 $0x4200, s0;
	s9 =	smul.u32 $0x50000, s9  }
0xa: {  	s6 =	sadd.s32 $0x68A00, s0;
	p0 =	seq.s32 s1, $0x0;
	s7 =	smul.u32 $0x28000, s1  }
0xb: {  	_ =	strace $0x8000004A;
	s1 =	ssub.s32 $0x2, s1;
	s3 =	sadd.s32 $0x780, s3  }
0xc: {  	s20 =	sshrl.u32 s1, $0x1;
	s21 =	sshrl.u32 s9, $0x2;
	s3 =	smov.u32 @p0 s4  }
0xd: {  	s1 =	ssub.s32 s1, s20;
	s16 =	sadd.s32 s21, s2;
	s20 =	simm.s32 $0xB  }
0xe: {  	s21 =	simm.s32 $0x1;
	s4 =	sshll.u32 s3, $0x4;
	s3 =	sadd.s32 s19, s7  }
0xf: {  	s7 =	simm.s32 $0x78;
	s23 =	smax.u32 s1, $0x1;
	s24 =	sadd.s32 $0x4000, s16  }
0x10: {  	s25 =	sadd.s32 $0x8000, s16;
	s26 =	sadd.s32 $0xC000, s16;
	[dreg:$0x4] =	wrdreg s16  }
0x11: {  	s30 =	sadd.s32 $0x10000, s16;
	s19 =	simm.s32 $0x17C00;
	[dreg:$0x7] =	wrdreg s23  }
0x12: {  	s1 =	simm.s32 $0x0;
	s8 =	sadd.s32 s4, s0;
	[dreg:$0x8] =	wrdreg s24  }
0x13: {  	s0 =	sadd.s32 s3, s0;
	s7 =	simm.s32 @!p0 $0x28;
	[dreg:$0x9] =	wrdreg s25  }
.Ltmp0:
0x14: {  	s22 =	sadd.s32 s6, s4;
	[dreg:$0xa] =	wrdreg s26;
	(pc) =	sbr.rel .LBB2_1-.Ltmp0, $4  }
0x15: {  	[dreg:$0xb] =	wrdreg s30;
	s24 =	simm.s32 $0x1FC80;
	s25 =	simm.s32 $0x2  }
0x16: {  	s26 =	simm.s32 $0x3;
	s8 =	sadd.s32 $0x5E200, s8;
	[dreg:$0x5] =	wrdreg s22  }
0x17: {  	s11 =	sshrl.u32 s7, $0x1;
	s0 =	sadd.s32 $0x73200, s0;
	[dreg:$0x3] =	wrdreg s8  }
0x18: {  	v0 =	vimm.f32 $0.0e+00;
	s22 =	simm.s32 $0x20;
	[dreg:$0x6] =	wrdreg s0;
	s8 =	simm.s32 $0x80  }
.LBB2_7:
0x19: {  	s0 =	stileid.u32;
	[bflag:$0x0] =	sbarrier.arrive $0xFFFF  }
0x1a: {  	s0 =	sshll.u32 s0, $0x6;
	s16 =	rddreg [dreg:$0x4]  }
0x1b: {  	s3 =	rddreg [dreg:$0x6];
	s0 =	sor.u32 $0x1C0B, s0;
	s1 =	sshrl.u32 s16, $0x3  }
0x1c: {  	[hbm:s3], [sflag:s0] =	dma.local [spmem:s1], $0x2800  }
0x1d: {  	_ =	swait.ge [sflag:s20], $0x2800  }
0x1e: {  	s23 =	rddreg [dreg:$0xc]  }
0x1f: {  	s30 =	rddreg [dreg:$0x7];
	s1 =	sadd.s32 $0x1, s23  }
0x20: {  	p0 =	sne.s32 s1, s30  }
.Ltmp1:
0x21: {  	_ = 	snop;
	(pc) =	sbr.rel @!p0 .LBB2_8-.Ltmp1, $3  }
0x22: {  	_ =	sdelay $0x1  }
0x23: {  	[sflag:s20] =	ssyncset.done $0x0  }
0x24: {  	s17 =	simm.s32 $0x14000;
	[sflag:s20] =	ssyncadd.s32 $0xFFFFD800  }
.LBB2_1:
0x25: {  	[dreg:$0xc] =	wrdreg s1;
	s0 =	simm.s32 $0x0  }
0x26: {  	s30 =	rddreg [dreg:$0x3];
	s3 =	simm.s32 $0x0;
	s9 =	simm.s32 $0x200  }
0x27: {  	[tilespmem:s17], [sflag:$0x1] =	stream.linear.gather [hbm4b:s30+s0], $0x3C00, $0x38;
	[tilespmem:$0x1FD00] =	vst v63  }
.LBB2_2:
0x28: {  	p0 =	sne.s32 s9, $0xFE00;
	[tilespmem:s3+$0x17C70] =	vst v0  }
0x29: {  	[tilespmem:s3+$0x17C00] =	vst v0  }
0x2a: {  	[tilespmem:s3+$0x17C10] =	vst v0  }
.Ltmp2:
0x2b: {  	[tilespmem:s3+$0x17C20] =	vst v0;
	(pc) =	sbr.rel @p0 .LBB2_2-.Ltmp2, $4  }
0x2c: {  	[tilespmem:s3+$0x17C30] =	vst v0  }
0x2d: {  	[tilespmem:s3+$0x17C40] =	vst v0  }
0x2e: {  	[tilespmem:s3+$0x17C50] =	vst v0  }
0x2f: {  	[tilespmem:s3+$0x17C60] =	vst v0;
	s3 =	sshra.s32 s9, $0x2;
	s9 =	sadd.s32 $0x200, s9  }
0x30: {  	[tilespmem:s3+$0x17C70] =	vst v0  }
0x31: {  	[tilespmem:s3+$0x17C00] =	vst v0  }
0x32: {  	[tilespmem:s3+$0x17C10] =	vst v0  }
0x33: {  	[tilespmem:s3+$0x17C20] =	vst v0  }
0x34: {  	[tilespmem:s3+$0x17C30] =	vst v0  }
0x35: {  	[tilespmem:s3+$0x17C40] =	vst v0  }
0x36: {  	[tilespmem:s3+$0x17C50] =	vst v0  }
0x37: {  	[tilespmem:s3+$0x17C60] =	vst v0  }
0x38: {  	[spmem:s16] =	stream.linear.scatter [tilespmem:s19], [sflag:$0xB], $0x4000, $0x38;
	[tilespmem:$0x1FD00] =	vst v63  }
0x39: {  	_ =	swait.ge [sflag:s20], $0x4000  }
0x3a: {  	[sflag:s20] =	ssyncset.done $0x0  }
0x3b: {  	s0 =	rddreg [dreg:$0x8];
	[sflag:s20] =	ssyncadd.s32 $0xFFFFC000  }
0x3c: {  	[spmem:s0] =	stream.linear.scatter [tilespmem:s19], [sflag:$0xB], $0x4000, $0x38;
	[tilespmem:$0x1FD00] =	vst v63  }
0x3d: {  	_ =	swait.ge [sflag:s20], $0x4000  }
0x3e: {  	[sflag:s20] =	ssyncset.done $0x0  }
0x3f: {  	s9 =	rddreg [dreg:$0x9];
	[sflag:s20] =	ssyncadd.s32 $0xFFFFC000  }
0x40: {  	[spmem:s9] =	stream.linear.scatter [tilespmem:s19], [sflag:$0xB], $0x4000, $0x38;
	[tilespmem:$0x1FD00] =	vst v63  }
0x41: {  	_ =	swait.ge [sflag:s20], $0x4000  }
0x42: {  	[sflag:s20] =	ssyncset.done $0x0  }
0x43: {  	s16 =	rddreg [dreg:$0xa];
	[sflag:s20] =	ssyncadd.s32 $0xFFFFC000  }
0x44: {  	[spmem:s16] =	stream.linear.scatter [tilespmem:s19], [sflag:$0xB], $0x4000, $0x38;
	[tilespmem:$0x1FD00] =	vst v63  }
0x45: {  	_ =	swait.ge [sflag:s20], $0x4000  }
0x46: {  	[sflag:s20] =	ssyncset.done $0x0  }
0x47: {  	s23 =	rddreg [dreg:$0xb];
	[sflag:s20] =	ssyncadd.s32 $0xFFFFC000  }
0x48: {  	[spmem:s23] =	stream.linear.scatter [tilespmem:s19], [sflag:$0xB], $0x4000, $0x38;
	[tilespmem:$0x1FD00] =	vst v63  }
0x49: {  	_ =	swait.ge [sflag:s20], $0x4000  }
0x4a: {  	[sflag:s20] =	ssyncset.done $0x0  }
0x4b: {  	[sflag:s20] =	ssyncadd.s32 $0xFFFFC000  }
0x4c: {  	_ =	swait.ge [sflag:s21], $0x3C00  }
0x4d: {  	[sflag:s21] =	ssyncset.done $0x0  }
0x4e: {  	[sflag:s21] =	ssyncadd.s32 $0xFFFFC400  }
0x4f: {  	[bflag:$0x0] =	sbarrier.arrive $0xFFFF  }
0x50: {  	[tilespmem:s19], [sflag:$0x1] =	stream.indirect.gather [hbm4b:s5+s22], $0x80, s17, s22, $0xb8;
	[tilespmem:$0x1FD00] =	vst v63  }
0x51: {  	s30 =	simm.s32 $0x14020;
	s1 =	simm.s32 $0x18C00  }
0x52: {  	[tilespmem:s1], [sflag:$0x2] =	stream.indirect.gather [hbm4b:s5+s22], $0x80, s30, s22, $0xb8;
	[tilespmem:$0x1FD00] =	vst v63  }
0x53: {  	s3 =	simm.s32 $0x14040;
	s9 =	simm.s32 $0x19C00  }
0x54: {  	[tilespmem:s9], [sflag:$0x3] =	stream.indirect.gather [hbm4b:s5+s22], $0x80, s3, s22, $0xb8;
	[tilespmem:$0x1FD00] =	vst v63  }
.Ltmp3:
0x55: {  	s16 =	simm.s32 $0x14060;
	s17 =	simm.s32 $0x1AC00;
	(pc) =	sbr.rel .LBB2_4-.Ltmp3, $4  }
0x56: {  	s23 =	rddreg [dreg:$0x5];
	s30 =	simm.s32 $0x1FC00;
	s9 =	simm.s32 $0x2  }
0x57: {  	[tilespmem:s17], [sflag:$0x4] =	stream.indirect.gather [hbm4b:s5+s22], $0x80, s16, s22, $0xb8;
	[tilespmem:$0x1FD00] =	vst v63  }
0x58: {  	s3 =	simm.s32 $0x0;
	s17 =	simm.s32 $0x0;
	s16 =	simm.s32 $0x0  }
0x59: {  	[tilespmem:s30], [sflag:$0x9] =	stream.linear.gather [hbm4b:s23+s17], $0x80, $0x38;
	[tilespmem:$0x1FD00] =	vst v63  }
.LBB2_6:
0x5a: {  	s17 =	sadd.s32 $0x400, s17  }
0x5b: {  	p0 =	sne.s32 s17, $0xF000  }
.Ltmp4:
0x5c: {  	_ = 	snop;
	(pc) =	sbr.rel @!p0 .LBB2_7-.Ltmp4, $2  }
0x5d: {  	_ =	sdelay $0x2  }
0x5e: {  	s16 =	sadd.s32 $0x1, s16;
	s3 =	sadd.s32 $0x20, s3;
	s9 =	sadd.s32 $0x2, s9  }
.LBB2_4:
0x5f: {  	p0 =	sge.u32 s16, s11  }
.Ltmp5:
0x60: {  	_ = 	snop;
	(pc) =	sbr.rel @p0 .LBB2_6-.Ltmp5, $1  }
0x61: {  	_ =	sdelay $0x3  }
0x62: {  	s0 =	sshra.s32 s17, $0x2  }
0x63: {  	s1 =	sadd.s32 $0x14080, s0  }
0x64: {  	[tilespmem:s31], [sflag:$0x5] =	stream.indirect.gather [hbm4b:s5+s22], $0x80, s1, s22, $0xb8;
	[tilespmem:$0x1FD00] =	vst v63  }
0x65: {  	s23 =	simm.s32 $0x1CC00;
	s30 =	sadd.s32 $0x140A0, s0  }
0x66: {  	[tilespmem:s23], [sflag:$0x6] =	stream.indirect.gather [hbm4b:s5+s22], $0x80, s30, s22, $0xb8;
	[tilespmem:$0x1FD00] =	vst v63  }
0x67: {  	s23 =	sadd.s32 $0x140C0, s0;
	s30 =	simm.s32 $0x1DC00  }
0x68: {  	[tilespmem:s30], [sflag:$0x7] =	stream.indirect.gather [hbm4b:s5+s22], $0x80, s23, s22, $0xb8;
	[tilespmem:$0x1FD00] =	vst v63  }
0x69: {  	s0 =	sadd.s32 $0x140E0, s0;
	s30 =	simm.s32 $0x1EC00;
	s23 =	sadd.s32 $0x10, s3  }
0x6a: {  	[tilespmem:s30], [sflag:$0x8] =	stream.indirect.gather [hbm4b:s5+s22], $0x80, s0, s22, $0xb8;
	[tilespmem:$0x1FD00] =	vst v63  }
0x6b: {  	s30 =	sadd.s32 s3, s4;
	s0 =	sand.u32 $0x70, s23  }
0x6c: {  	s1 =	sand.u32 $0xFFFFF80, s30;
	s0 =	sadd.s32 s6, s0  }
0x6d: {  	s23 =	simm.s32 $0x0;
	s0 =	sadd.s32 s1, s0  }
0x6e: {  	[tilespmem:s24], [sflag:$0xA] =	stream.linear.gather [hbm4b:s0+s23], $0x80, $0x38;
	[tilespmem:$0x1FD00] =	vst v63  }
0x6f: {  	_ =	swait.ge [sflag:s21], $0x1000  }
0x70: {  	[sflag:s21] =	ssyncset.done $0x0  }
0x71: {  	[sflag:s21] =	ssyncadd.s32 $0xFFFFF000  }
0x72: {  	_ =	swait.ge [sflag:s25], $0x1000  }
0x73: {  	[sflag:s25] =	ssyncset.done $0x0  }
0x74: {  	[sflag:s25] =	ssyncadd.s32 $0xFFFFF000  }
0x75: {  	_ =	swait.ge [sflag:s26], $0x1000  }
0x76: {  	[sflag:s26] =	ssyncset.done $0x0  }
0x77: {  	[sflag:s26] =	ssyncadd.s32 $0xFFFFF000  }
0x78: {  	_ =	swait.ge [sflag:s28], $0x1000  }
0x79: {  	[sflag:s28] =	ssyncset.done $0x0  }
0x7a: {  	[sflag:s28] =	ssyncadd.s32 $0xFFFFF000  }
0x7b: {  	_ =	swait.ge [sflag:s29], $0x80  }
0x7c: {  	[sflag:s29] =	ssyncset.done $0x0  }
0x7d: {  	s30 =	simm.s32 $0x1FC00;
	[sflag:s29] =	ssyncadd.s32 $0xFFFFFF80  }
0x7e: {  	[spmem:s2] =	stream.indirect.scatter.add.f32 [tilespmem:s19], [sflag:$0xC], $0x80, s30, s8, $0xb8;
	[tilespmem:$0x1FD00] =	vst v63  }
0x7f: {  	p0 =	sge.u32 s9, s7;
	_ =	swait.ge [sflag:s10], $0x4000  }
0x80: {  	s0 =	sshra.s32 @!p0 s17, $0x2;
	s23 =	simm.s32 @!p0 $0x20;
	[sflag:s10] =	ssyncset.done $0x0  }
0x81: {  	s1 =	sadd.s32 @!p0 $0x14100, s0;
	s30 =	simm.s32 @!p0 $0x17C00;
	[sflag:s10] =	ssyncadd.s32 $0xFFFFC000  }
0x82: {  	[tilespmem:s30], [sflag:$0x1] =	stream.indirect.gather @!p0 [hbm4b:s5+s23], $0x80, s1, s23, $0xb8;
	[tilespmem:$0x1FD00] =	vst v63  }
0x83: {  	s1 =	sadd.s32 @!p0 $0x14120, s0;
	s30 =	simm.s32 @!p0 $0x18C00  }
0x84: {  	[tilespmem:s30], [sflag:$0x2] =	stream.indirect.gather @!p0 [hbm4b:s5+s23], $0x80, s1, s23, $0xb8;
	[tilespmem:$0x1FD00] =	vst v63  }
0x85: {  	s1 =	sadd.s32 @!p0 $0x14140, s0;
	s30 =	simm.s32 @!p0 $0x19C00  }
0x86: {  	[tilespmem:s30], [sflag:$0x3] =	stream.indirect.gather @!p0 [hbm4b:s5+s23], $0x80, s1, s23, $0xb8;
	[tilespmem:$0x1FD00] =	vst v63  }
0x87: {  	s0 =	sadd.s32 @!p0 $0x14160, s0;
	s1 =	simm.s32 @!p0 $0x1AC00  }
0x88: {  	[tilespmem:s1], [sflag:$0x4] =	stream.indirect.gather @!p0 [hbm4b:s5+s23], $0x80, s0, s23, $0xb8;
	[tilespmem:$0x1FD00] =	vst v63  }
0x89: {  	s0 =	sadd.s32 @!p0 $0x20, s3  }
0x8a: {  	s1 =	sadd.s32 @!p0 s4, s0;
	s0 =	sand.u32 @!p0 $0x60, s0  }
0x8b: {  	s1 =	sand.u32 @!p0 $0xFFFFF80, s1;
	s0 =	sadd.s32 @!p0 s6, s0  }
0x8c: {  	s23 =	simm.s32 @!p0 $0x1FC00;
	s0 =	sadd.s32 @!p0 s1, s0;
	s1 =	simm.s32 @!p0 $0x0  }
0x8d: {  	[tilespmem:s23], [sflag:$0x9] =	stream.linear.gather @!p0 [hbm4b:s0+s1], $0x80, $0x38;
	[tilespmem:$0x1FD00] =	vst v63  }
0x8e: {  	_ =	swait.ge [sflag:s12], $0x1000  }
0x8f: {  	[sflag:s12] =	ssyncset.done $0x0  }
0x90: {  	[sflag:s12] =	ssyncadd.s32 $0xFFFFF000  }
0x91: {  	_ =	swait.ge [sflag:s13], $0x1000  }
0x92: {  	[sflag:s13] =	ssyncset.done $0x0  }
0x93: {  	[sflag:s13] =	ssyncadd.s32 $0xFFFFF000  }
0x94: {  	_ =	swait.ge [sflag:s14], $0x1000  }
0x95: {  	[sflag:s14] =	ssyncset.done $0x0  }
0x96: {  	[sflag:s14] =	ssyncadd.s32 $0xFFFFF000  }
0x97: {  	_ =	swait.ge [sflag:s18], $0x1000  }
0x98: {  	[sflag:s18] =	ssyncset.done $0x0  }
0x99: {  	[sflag:s18] =	ssyncadd.s32 $0xFFFFF000  }
0x9a: {  	_ =	swait.ge [sflag:s15], $0x80  }
0x9b: {  	[sflag:s15] =	ssyncset.done $0x0  }
.Ltmp6:
0x9c: {  	[sflag:s15] =	ssyncadd.s32 $0xFFFFFF80;
	(pc) =	sbr.rel .LBB2_6-.Ltmp6, $4  }
0x9d: {  	[spmem:s2] =	stream.indirect.scatter.add.f32 [tilespmem:s31], [sflag:$0xB], $0x80, s24, s8, $0xb8;
	[tilespmem:$0x1FD00] =	vst v63  }
0x9e: {  	_ =	swait.ge [sflag:s20], $0x4000  }
0x9f: {  	[sflag:s20] =	ssyncset.done $0x0  }
0xa0: {  	[sflag:s20] =	ssyncadd.s32 $0xFFFFC000  }
.LBB2_8:
0xa1: {  	_ =	sfence.sel $0x180000  }
0xa2: {  	[bflag:$0x0] =	sbarrier.arrive $0xFFFF  }
0xa3: {  	_ =	strace $0x9000004A  }
0xa4: {  	s0 =	stileid.u32;
	[bflag:$0x2] =	sbarrier.arrive $0xFFFF  }
0xa5: {  	p0 =	sne.s32 s0, $0x0;
	s0 =	rddreg [dreg:$0x2]  }
0xa6: {  	s0 =	sadd.s32 @!p0 $0x100000, s0  }
0xa7: {  	[sflag:s0] =	ssyncadd.tile.s32 @!p0 $0x1;
	_ =	shalt  }
.Lfunc_end2:
_tile_overlayer_lowered:
.L_overlay_start_2:
0xa8: {  	(tag) =	ssettag $0x2  }
0xa9: {  	s0 =	rddreg [dreg:$0x0];
	s2 =	stileid.u32  }
0xaa: {  	s1 =	rddreg [dreg:$0x1];
	p0 =	sne.s32 s2, $0x0  }
0xab: {  	s3 =	rddreg [dreg:$0x2];
	[bflag:$0x3] =	sbarrier.arrive $0xFFFF;
	s2 =	simm.s32 @!p0 $0x1C0B  }
0xac: {  	[timem:s3], [sflag:s2] =	dma.local @!p0 [hbm:s0], s1  }
0xad: {  	s0 =	simm.s32 @!p0 $0xB  }
0xae: {  	_ =	swait.ge @!p0 [sflag:s0], s1  }
0xaf: {  	s1 =	ssub.s32 @!p0 $0x0, s1;
	[sflag:s0] =	ssyncset.done @!p0 $0x0  }
0xb0: {  	[sflag:s0] =	ssyncadd.s32 @!p0 s1  }
0xb1: {  	[bflag:$0x3] =	sbarrier.arrive $0xFFFF  }
0xb2: {  	_ =	shalt  }

// kernel: kernel.15.cloned.1.call-start
scs
__scs_entry_jumppad:
0x0: {  	(pc) =	sbr.rel $0x88, $3  }
0x1: {  	(tag) =	ssettag $0x0;
	lr =	simm.s32 $0x1  }
0x2: {  	[smem:$0x3F96] =	sst lr;
	_ =	strace $0xD0000000  }
0x3: {  	_ = 	snop  }
0x4: {  	_ = 	snop  }
0x5: {  	_ = 	snop  }
0x6: {  	_ = 	snop  }
0x7: {  	_ = 	snop  }
__scs_overlays_trampoline_lowered:
0x8: {  	[smem:$0x3FA5] =	sst s0  }
0x9: {  	[smem:$0x3FA6] =	sst s1  }
0xa: {  	[smem:$0x3FA7] =	sst s2  }
0xb: {  	[smem:$0x3FA8] =	sst s3  }
0xc: {  	[smem:$0x3FA9] =	sst s4  }
0xd: {  	[smem:$0x3FAA] =	sst s5  }
0xe: {  	[smem:$0x3FAB] =	sst s6  }
0xf: {  	[smem:$0x3FAC] =	sst s7  }
0x10: {  	[smem:$0x3FAD] =	sst s8  }
0x11: {  	[smem:$0x3FAE] =	sst s9;
	s0 =	simm.s32 @!p0 $0x0  }
0x12: {  	s1 =	sld [smem:$0x3F94];
	s0 =	simm.s32 @p0 $0x1  }
0x13: {  	[smem:$0x3FAF] =	sst s0;
	s0 =	simm.s32 @!p1 $0x0  }
0x14: {  	s2 =	sld [smem:$0x3F93];
	s0 =	simm.s32 @p1 $0x1  }
0x15: {  	[smem:$0x3FB0] =	sst s0;
	s0 =	simm.s32 @!p2 $0x0  }
0x16: {  	s3 =	sld [smem:$0x3FDB];
	s0 =	simm.s32 @p2 $0x1  }
0x17: {  	s4 =	simm.s32 $0x1BF5;
	[smem:$0x3FB2] =	sst s0  }
0x18: {  	s0 =	sld [smem:$0x3F95];
	_ =	swait.ge [sflag:s4], $0x0  }
0x19: {  	s7 =	sld [smem:$0x3F96]  }
0x1a: {  	s8 =	sadd.s32 $0xFFFFE003, lr  }
0x1b: {  	s9 =	sadd.s32 $0xFFFFFEF7, lr;
	s5 =	simm.s32 $0xFFFFFFFF;
	p2 =	slt.u32 s8, $0xFFFFF086  }
0x1c: {  	p1 =	slt.u32 s9, $0xF7A;
	s5 =	simm.s32 @!p2 $0x0  }
0x1d: {  	s5 =	simm.s32 @p1 $0x1;
	p0 =	seq.s32 s7, s2  }
0x1e: {  	s7 =	smul.u32 @!p0 $0xF7A, s2;
	p2 =	seq.s32 @!p0 s5, $0x0  }
0x1f: {  	s9 =	smul.u32 $0xF7A, s1;
	s8 =	simm.s32 @!p0 $0x1BF5;
	p2 =	por !p2, p0  }
0x20: {  	[sflag:s8] =	ssyncset.s32 @!p0 $0xFFFFF086;
	s6 =	sadd.s32 @!p0 s3, s7;
	s7 =	simm.s32 @!p0 $0x108  }
0x21: {  	s3 =	sadd.s32 s3, s9;
	s6 =	sadd.s32 @!p0 $0x88, s6;
	s7 =	simm.s32 @p2 $0x1082  }
0x22: {  	[simem:s7], [sflag:s8] =	dma.local @!p0 [hbm:s6], $0xF7A  }
0x23: {  	s9 =	sor.u32 $0xD0000000, s2;
	s6 =	simm.s32 $0x108;
	_ =	swait.ge @!p0 [sflag:s8], $0x0  }
0x24: {  	s3 =	sadd.s32 $0x88, s3;
	s6 =	simm.s32 @!p1 $0x1082;
	[sflag:s4] =	ssyncset.s32 $0xFFFFF086  }
0x25: {  	[simem:s6], [sflag:s4] =	dma.local [hbm:s3], $0xF7A  }
0x26: {  	[smem:$0x3F96] =	sst s1;
	(tag) =	ssettag s2;
	_ =	strace s9  }
0x27: {  	s1 =	sld [smem:$0x3FA6]  }
0x28: {  	s2 =	sld [smem:$0x3FA7]  }
0x29: {  	s4 =	sld [smem:$0x3FA9]  }
0x2a: {  	p0 =	seq.s32 s5, $0x0;
	s5 =	sld [smem:$0x3FAA]  }
0x2b: {  	s6 =	sld [smem:$0x3FAB]  }
0x2c: {  	s7 =	sld [smem:$0x3FAC]  }
0x2d: {  	s3 =	simm.s32 $0x108;
	s8 =	sld [smem:$0x3FAD]  }
0x2e: {  	s3 =	simm.s32 @!p0 $0x1082;
	s9 =	sld [smem:$0x3FAE]  }
0x2f: {  	lr =	sadd.s32 s0, s3;
	s0 =	sld [smem:$0x3FA5]  }
0x30: {  	s3 =	sld [smem:$0x3FA8]  }
0x31: {  	[smem:$0x3FB1] =	sst s10  }
0x32: {  	s10 =	sld [smem:$0x3FAF];
	_ =	sdelay $0x3  }
0x33: {  	p0 =	seq.s32 s10, $0x1;
	s10 =	sld [smem:$0x3FB1];
	_ =	sdelay $0x3  }
0x34: {  	[smem:$0x3FB1] =	sst s10  }
0x35: {  	s10 =	sld [smem:$0x3FB0];
	_ =	sdelay $0x3  }
0x36: {  	p1 =	seq.s32 s10, $0x1;
	s10 =	sld [smem:$0x3FB1];
	_ =	sdelay $0x3  }
0x37: {  	[smem:$0x3FB1] =	sst s10  }
0x38: {  	s10 =	sld [smem:$0x3FB2]  }
0x39: {  	_ = 	snop;
	(pc) =	sbr.ind lr, $3  }
0x3a: {  	_ = 	snop  }
0x3b: {  	_ = 	snop  }
0x3c: {  	p2 =	seq.s32 s10, $0x1;
	s10 =	sld [smem:$0x3FB1]  }
0x3d: {  	_ =	shalt  }
0x3e: {  	_ =	shalt  }
0x3f: {  	_ =	shalt  }
0x40: {  	_ =	shalt  }
0x41: {  	_ =	shalt  }
0x42: {  	_ =	shalt  }
0x43: {  	_ =	shalt  }
0x44: {  	_ =	shalt  }
0x45: {  	_ =	shalt  }
0x46: {  	_ =	shalt  }
0x47: {  	_ =	shalt  }
0x48: {  	_ =	shalt  }
0x49: {  	_ =	shalt  }
0x4a: {  	_ =	shalt  }
0x4b: {  	_ =	shalt  }
0x4c: {  	_ =	shalt  }
0x4d: {  	_ =	shalt  }
0x4e: {  	_ =	shalt  }
0x4f: {  	_ =	shalt  }
0x50: {  	_ =	shalt  }
0x51: {  	_ =	shalt  }
0x52: {  	_ =	shalt  }
0x53: {  	_ =	shalt  }
0x54: {  	_ =	shalt  }
0x55: {  	_ =	shalt  }
0x56: {  	_ =	shalt  }
0x57: {  	_ =	shalt  }
0x58: {  	_ =	shalt  }
0x59: {  	_ =	shalt  }
0x5a: {  	_ =	shalt  }
0x5b: {  	_ =	shalt  }
0x5c: {  	_ =	shalt  }
0x5d: {  	_ =	shalt  }
0x5e: {  	_ =	shalt  }
0x5f: {  	_ =	shalt  }
0x60: {  	_ =	shalt  }
0x61: {  	_ =	shalt  }
0x62: {  	_ =	shalt  }
0x63: {  	_ =	shalt  }
0x64: {  	_ =	shalt  }
0x65: {  	_ =	shalt  }
0x66: {  	_ =	shalt  }
0x67: {  	_ =	shalt  }
0x68: {  	_ =	shalt  }
0x69: {  	_ =	shalt  }
0x6a: {  	_ =	shalt  }
0x6b: {  	_ =	shalt  }
0x6c: {  	_ =	shalt  }
0x6d: {  	_ =	shalt  }
0x6e: {  	_ =	shalt  }
0x6f: {  	_ =	shalt  }
0x70: {  	_ =	shalt  }
0x71: {  	_ =	shalt  }
0x72: {  	_ =	shalt  }
0x73: {  	_ =	shalt  }
0x74: {  	_ =	shalt  }
0x75: {  	_ =	shalt  }
0x76: {  	_ =	shalt  }
0x77: {  	_ =	shalt  }
0x78: {  	_ =	shalt  }
0x79: {  	_ =	shalt  }
0x7a: {  	_ =	shalt  }
0x7b: {  	_ =	shalt  }
0x7c: {  	_ =	shalt  }
0x7d: {  	_ =	shalt  }
0x7e: {  	_ =	shalt  }
0x7f: {  	_ =	shalt  }
0x80: {  	_ =	shalt  }
0x81: {  	_ =	shalt  }
0x82: {  	_ =	shalt  }
0x83: {  	_ =	shalt  }
0x84: {  	_ =	shalt  }
0x85: {  	_ =	shalt  }
0x86: {  	_ =	shalt  }
0x87: {  	_ =	shalt  }
.Lfunc_end0:
.L_simem_size_0:
called_computation.2_lowered:
.L_overlay_start_0:
0x88: {  	s2 =	sld [smem:$0x3FD9]  }
0x89: {  	s3 =	sld [smem:$0x3FFE];
	_ =	sdelay $0x1  }
0x8a: {  	s1 =	srdreg.scid  }
0x8b: {  	s0 =	sand.u32 $0x1, s1  }
0x8c: {  	s16 =	sshll.u32 s0, $0xA;
	s2 =	sadd.s32 s3, s2  }
0x8d: {  	s2 =	sadd.s32 s2, s16  }
0x8e: {  	[smem:$0x3FBD] =	sst s2  }
0x8f: {  	_ = 	snop  }
0x90: {  	(tm) =	ssettm $0x1  }
0x91: {  	s17 =	sld [smem:$0x3FFB];
	_ =	sdelay $0x3  }
0x92: {  	_ =	strace s17  }
0x93: {  	s2 =	sld [smem:$0x3FFC];
	_ =	sdelay $0x3  }
0x94: {  	_ =	strace s2  }
0x95: {  	s2 =	sld [smem:$0x3FFD];
	_ =	sdelay $0x3  }
0x96: {  	_ =	strace s2  }
0x97: {  	_ =	strace $0x8FFFFFFF  }
0x98: {  	s18 =	sld [smem:$0x3FDB];
	_ =	sdelay $0x1  }
0x99: {  	s19 =	simm.s32 $_scs_section_size  }
0x9a: {  	s4 =	simm.s32 $_size__tile_overlayer_lowered;
	s5 =	simm.s32 $_tile_overlayer_lowered  }
0x9b: {  	s22 =	simm.s32 $0x1BFF;
	s21 =	sshll.u32 s5, $0x1;
	s2 =	sadd.s32 s19, s18  }
0x9c: {  	s6 =	simm.s32 $0x0;
	s20 =	sshll.u32 s4, $0x1;
	s4 =	sadd.s32 s21, s2  }
0x9d: {  	[timem:s6], [sflag:s22] =	dma.local [hbm:s4], s20  }
0x9e: {  	_ =	swait.ge [sflag:s22], s20  }
0x9f: {  	s3 =	ssub.s32 $0x0, s20;
	[sflag:s22] =	ssyncset.done $0x0  }
0xa0: {  	[sflag:s22] =	ssyncadd.s32 s3;
	_ =	sdelay $0x1  }
0xa1: {  	s23 =	simm.s32 $0x1B8B  }
0xa2: {  	_ =	swait.ge [sflag:s23], $0x1  }
0xa3: {  	[sflag:s23] =	ssyncset.done $0x0  }
0xa4: {  	s25 =	simm.s32 $0x1B8E;
	s24 =	sld [smem:$0x3FFE];
	[sflag:s23] =	ssyncadd.s32 $0xFFFFFFFF  }
0xa5: {  	s26 =	simm.s32 $execute0_lowered;
	[smem:$0x3FD2] =	sst s25  }
0xa6: {  	s4 =	sshll.u32 s26, $0x1;
	_ =	strace $0x8000004C;
	[dreg:$0x1] =	wrdreg $0xFFFFFFFF  }
0xa7: {  	s28 =	simm.s32 $_size_execute0_lowered;
	s2 =	sadd.s32 s2, s4;
	[dreg:$0x0] =	wrdreg $0x0  }
0xa8: {  	s4 =	sshll.u32 s28, $0x1;
	[dreg:$0x2] =	wrdreg s2  }
0xa9: {  	[dreg:$0x3] =	wrdreg s4  }
0xaa: {  	[dreg:$0x4] =	wrdreg $0xC0  }
0xab: {  	_ =	task [dreg:s6], $0x5FFFF  }
0xac: {  	[dreg:$0x1] =	wrdreg $0xFFFFFFFF  }
0xad: {  	[dreg:$0x0] =	wrdreg $0x60  }
0xae: {  	[dreg:$0x2] =	wrdreg s24  }
0xaf: {  	[dreg:$0x3] =	wrdreg $0x0  }
0xb0: {  	[dreg:$0x4] =	wrdreg $0x9  }
0xb1: {  	_ =	task.clear_ibuf [dreg:s6], $0x5FFFF;
	_ =	strace $0x9000004C  }
0xb2: {  	s29 =	simm.s32 $0x9;
	_ =	strace $0x8000004E  }
0xb3: {  	_ =	swait.ge [sflag:s29], $0x1  }
0xb4: {  	[sflag:s29] =	ssyncadd.s32 $0xFFFFFFFF  }
0xb5: {  	_ =	strace $0x9000004E  }
0xb6: {  	_ =	sfence  }
0xb7: {  	s30 =	sld [smem:$0x0];
	_ =	sdelay $0x2  }
0xb8: {  	s31 =	sshll.u32 s1, $0xD;
	s1 =	sshrl.u32 s1, $0x2  }
0xb9: {  	s3 =	sand.u32 $0x4000, s31;
	s1 =	sadd.s32 s1, s30  }
0xba: {  	s0 =	sor.u32 s3, s0;
	s1 =	sshll.u32 s1, $0x11  }
0xbb: {  	s0 =	sor.u32 s1, s0  }
0xbc: {  	s0 =	sadd.s32 $0x8F2B, s0  }
0xbd: {  	[sflag:s0] =	ssyncadd.remote.s32 $0x1  }
0xbe: {  	_ =	sfence.sel $0xFFFF  }
0xbf: {  	[dreg:$0x0] =	wrdreg $0xFFFFFFFF;
	(pc) =	sbr.abs _section_cstart, $3  }
0xc0: {  	[dreg:$0x1] =	wrdreg $0xFFFFFFFF  }
0xc1: {  	_ =	task.clear_ibuf [dreg:s6], $0x2FFFF;
	_ =	strace $0x9FFFFFFF  }
0xc2: {  	(tm) =	ssettm $0x7FFFFFFF  }
0xc3: {  	_ =	shalt  }
tec
execute0_lowered:
.L_overlay_start_1:
0x0: {  	(tag) =	ssettag $0x1  }
0x1: {  	s0 =	rddreg [dreg:$0x0]  }
0x2: {  	s2 =	rddreg [dreg:$0x1]  }
0x3: {  	s9 =	stileid.u32;
	s1 =	srdreg.scid  }
0x4: {  	s5 =	simm.s32 $0x0;
	s17 =	simm.s32 $0x14000;
	s31 =	simm.s32 $0x1BC00  }
0x5: {  	s28 =	simm.s32 $0x4;
	s29 =	simm.s32 $0x9;
	s10 =	simm.s32 $0xC  }
0x6: {  	s12 =	simm.s32 $0x5;
	s13 =	simm.s32 $0x6;
	s3 =	smul.u32 $0x28, s9  }
0x7: {  	s14 =	simm.s32 $0x7;
	s18 =	simm.s32 $0x8;
	s4 =	smul.u32 $0x78, s9  }
0x8: {  	s15 =	simm.s32 $0xA;
	s1 =	sand.u32 $0x1, s1;
	s19 =	smul.u32 $0x2800, s9  }
0x9: {  	[smem:$0x7FF] =	sst s5;
	s5 =	sadd.s32 $0x4200, s0;
	s9 =	smul.u32 $0x50000, s9  }
0xa: {  	s6 =	sadd.s32 $0x68A00, s0;
	p0 =	seq.s32 s1, $0x0;
	s7 =	smul.u32 $0x28000, s1  }
0xb: {  	_ =	strace $0x8000004D;
	s1 =	ssub.s32 $0x2, s1;
	s3 =	sadd.s32 $0x780, s3  }
0xc: {  	s20 =	sshrl.u32 s1, $0x1;
	s21 =	sshrl.u32 s9, $0x2;
	s3 =	smov.u32 @p0 s4  }
0xd: {  	s1 =	ssub.s32 s1, s20;
	s16 =	sadd.s32 s21, s2;
	s20 =	simm.s32 $0xB  }
0xe: {  	s21 =	simm.s32 $0x1;
	s4 =	sshll.u32 s3, $0x4;
	s3 =	sadd.s32 s19, s7  }
0xf: {  	s7 =	simm.s32 $0x78;
	s23 =	smax.u32 s1, $0x1;
	s24 =	sadd.s32 $0x4000, s16  }
0x10: {  	s25 =	sadd.s32 $0x8000, s16;
	s26 =	sadd.s32 $0xC000, s16;
	[dreg:$0x4] =	wrdreg s16  }
0x11: {  	s30 =	sadd.s32 $0x10000, s16;
	s19 =	simm.s32 $0x17C00;
	[dreg:$0x7] =	wrdreg s23  }
0x12: {  	s1 =	simm.s32 $0x0;
	s8 =	sadd.s32 s4, s0;
	[dreg:$0x8] =	wrdreg s24  }
0x13: {  	s0 =	sadd.s32 s3, s0;
	s7 =	simm.s32 @!p0 $0x28;
	[dreg:$0x9] =	wrdreg s25  }
.Ltmp0:
0x14: {  	s22 =	sadd.s32 s6, s4;
	[dreg:$0xa] =	wrdreg s26;
	(pc) =	sbr.rel .LBB2_1-.Ltmp0, $4  }
0x15: {  	[dreg:$0xb] =	wrdreg s30;
	s24 =	simm.s32 $0x1FC80;
	s25 =	simm.s32 $0x2  }
0x16: {  	s26 =	simm.s32 $0x3;
	s8 =	sadd.s32 $0x5E200, s8;
	[dreg:$0x5] =	wrdreg s22  }
0x17: {  	s11 =	sshrl.u32 s7, $0x1;
	s0 =	sadd.s32 $0x73200, s0;
	[dreg:$0x3] =	wrdreg s8  }
0x18: {  	v0 =	vimm.f32 $0.0e+00;
	s22 =	simm.s32 $0x20;
	[dreg:$0x6] =	wrdreg s0;
	s8 =	simm.s32 $0x80  }
.LBB2_7:
0x19: {  	s0 =	stileid.u32;
	[bflag:$0x0] =	sbarrier.arrive $0xFFFF  }
0x1a: {  	s0 =	sshll.u32 s0, $0x6;
	s16 =	rddreg [dreg:$0x4]  }
0x1b: {  	s3 =	rddreg [dreg:$0x6];
	s0 =	sor.u32 $0x1C0B, s0;
	s1 =	sshrl.u32 s16, $0x3  }
0x1c: {  	[hbm:s3], [sflag:s0] =	dma.local [spmem:s1], $0x2800  }
0x1d: {  	_ =	swait.ge [sflag:s20], $0x2800  }
0x1e: {  	s23 =	rddreg [dreg:$0xc]  }
0x1f: {  	s30 =	rddreg [dreg:$0x7];
	s1 =	sadd.s32 $0x1, s23  }
0x20: {  	p0 =	sne.s32 s1, s30  }
.Ltmp1:
0x21: {  	_ = 	snop;
	(pc) =	sbr.rel @!p0 .LBB2_8-.Ltmp1, $3  }
0x22: {  	_ =	sdelay $0x1  }
0x23: {  	[sflag:s20] =	ssyncset.done $0x0  }
0x24: {  	s17 =	simm.s32 $0x14000;
	[sflag:s20] =	ssyncadd.s32 $0xFFFFD800  }
.LBB2_1:
0x25: {  	[dreg:$0xc] =	wrdreg s1;
	s0 =	simm.s32 $0x0  }
0x26: {  	s30 =	rddreg [dreg:$0x3];
	s3 =	simm.s32 $0x0;
	s9 =	simm.s32 $0x200  }
0x27: {  	[tilespmem:s17], [sflag:$0x1] =	stream.linear.gather [hbm4b:s30+s0], $0x3C00, $0x38;
	[tilespmem:$0x1FD00] =	vst v63  }
.LBB2_2:
0x28: {  	p0 =	sne.s32 s9, $0xFE00;
	[tilespmem:s3+$0x17C70] =	vst v0  }
0x29: {  	[tilespmem:s3+$0x17C00] =	vst v0  }
0x2a: {  	[tilespmem:s3+$0x17C10] =	vst v0  }
.Ltmp2:
0x2b: {  	[tilespmem:s3+$0x17C20] =	vst v0;
	(pc) =	sbr.rel @p0 .LBB2_2-.Ltmp2, $4  }
0x2c: {  	[tilespmem:s3+$0x17C30] =	vst v0  }
0x2d: {  	[tilespmem:s3+$0x17C40] =	vst v0  }
0x2e: {  	[tilespmem:s3+$0x17C50] =	vst v0  }
0x2f: {  	[tilespmem:s3+$0x17C60] =	vst v0;
	s3 =	sshra.s32 s9, $0x2;
	s9 =	sadd.s32 $0x200, s9  }
0x30: {  	[tilespmem:s3+$0x17C70] =	vst v0  }
0x31: {  	[tilespmem:s3+$0x17C00] =	vst v0  }
0x32: {  	[tilespmem:s3+$0x17C10] =	vst v0  }
0x33: {  	[tilespmem:s3+$0x17C20] =	vst v0  }
0x34: {  	[tilespmem:s3+$0x17C30] =	vst v0  }
0x35: {  	[tilespmem:s3+$0x17C40] =	vst v0  }
0x36: {  	[tilespmem:s3+$0x17C50] =	vst v0  }
0x37: {  	[tilespmem:s3+$0x17C60] =	vst v0  }
0x38: {  	[spmem:s16] =	stream.linear.scatter [tilespmem:s19], [sflag:$0xB], $0x4000, $0x38;
	[tilespmem:$0x1FD00] =	vst v63  }
0x39: {  	_ =	swait.ge [sflag:s20], $0x4000  }
0x3a: {  	[sflag:s20] =	ssyncset.done $0x0  }
0x3b: {  	s0 =	rddreg [dreg:$0x8];
	[sflag:s20] =	ssyncadd.s32 $0xFFFFC000  }
0x3c: {  	[spmem:s0] =	stream.linear.scatter [tilespmem:s19], [sflag:$0xB], $0x4000, $0x38;
	[tilespmem:$0x1FD00] =	vst v63  }
0x3d: {  	_ =	swait.ge [sflag:s20], $0x4000  }
0x3e: {  	[sflag:s20] =	ssyncset.done $0x0  }
0x3f: {  	s9 =	rddreg [dreg:$0x9];
	[sflag:s20] =	ssyncadd.s32 $0xFFFFC000  }
0x40: {  	[spmem:s9] =	stream.linear.scatter [tilespmem:s19], [sflag:$0xB], $0x4000, $0x38;
	[tilespmem:$0x1FD00] =	vst v63  }
0x41: {  	_ =	swait.ge [sflag:s20], $0x4000  }
0x42: {  	[sflag:s20] =	ssyncset.done $0x0  }
0x43: {  	s16 =	rddreg [dreg:$0xa];
	[sflag:s20] =	ssyncadd.s32 $0xFFFFC000  }
0x44: {  	[spmem:s16] =	stream.linear.scatter [tilespmem:s19], [sflag:$0xB], $0x4000, $0x38;
	[tilespmem:$0x1FD00] =	vst v63  }
0x45: {  	_ =	swait.ge [sflag:s20], $0x4000  }
0x46: {  	[sflag:s20] =	ssyncset.done $0x0  }
0x47: {  	s23 =	rddreg [dreg:$0xb];
	[sflag:s20] =	ssyncadd.s32 $0xFFFFC000  }
0x48: {  	[spmem:s23] =	stream.linear.scatter [tilespmem:s19], [sflag:$0xB], $0x4000, $0x38;
	[tilespmem:$0x1FD00] =	vst v63  }
0x49: {  	_ =	swait.ge [sflag:s20], $0x4000  }
0x4a: {  	[sflag:s20] =	ssyncset.done $0x0  }
0x4b: {  	[sflag:s20] =	ssyncadd.s32 $0xFFFFC000  }
0x4c: {  	_ =	swait.ge [sflag:s21], $0x3C00  }
0x4d: {  	[sflag:s21] =	ssyncset.done $0x0  }
0x4e: {  	[sflag:s21] =	ssyncadd.s32 $0xFFFFC400  }
0x4f: {  	[bflag:$0x0] =	sbarrier.arrive $0xFFFF  }
0x50: {  	[tilespmem:s19], [sflag:$0x1] =	stream.indirect.gather [hbm4b:s5+s22], $0x80, s17, s22, $0xb8;
	[tilespmem:$0x1FD00] =	vst v63  }
0x51: {  	s30 =	simm.s32 $0x14020;
	s1 =	simm.s32 $0x18C00  }
0x52: {  	[tilespmem:s1], [sflag:$0x2] =	stream.indirect.gather [hbm4b:s5+s22], $0x80, s30, s22, $0xb8;
	[tilespmem:$0x1FD00] =	vst v63  }
0x53: {  	s3 =	simm.s32 $0x14040;
	s9 =	simm.s32 $0x19C00  }
0x54: {  	[tilespmem:s9], [sflag:$0x3] =	stream.indirect.gather [hbm4b:s5+s22], $0x80, s3, s22, $0xb8;
	[tilespmem:$0x1FD00] =	vst v63  }
.Ltmp3:
0x55: {  	s16 =	simm.s32 $0x14060;
	s17 =	simm.s32 $0x1AC00;
	(pc) =	sbr.rel .LBB2_4-.Ltmp3, $4  }
0x56: {  	s23 =	rddreg [dreg:$0x5];
	s30 =	simm.s32 $0x1FC00;
	s9 =	simm.s32 $0x2  }
0x57: {  	[tilespmem:s17], [sflag:$0x4] =	stream.indirect.gather [hbm4b:s5+s22], $0x80, s16, s22, $0xb8;
	[tilespmem:$0x1FD00] =	vst v63  }
0x58: {  	s3 =	simm.s32 $0x0;
	s17 =	simm.s32 $0x0;
	s16 =	simm.s32 $0x0  }
0x59: {  	[tilespmem:s30], [sflag:$0x9] =	stream.linear.gather [hbm4b:s23+s17], $0x80, $0x38;
	[tilespmem:$0x1FD00] =	vst v63  }
.LBB2_6:
0x5a: {  	s17 =	sadd.s32 $0x400, s17  }
0x5b: {  	p0 =	sne.s32 s17, $0xF000  }
.Ltmp4:
0x5c: {  	_ = 	snop;
	(pc) =	sbr.rel @!p0 .LBB2_7-.Ltmp4, $2  }
0x5d: {  	_ =	sdelay $0x2  }
0x5e: {  	s16 =	sadd.s32 $0x1, s16;
	s3 =	sadd.s32 $0x20, s3;
	s9 =	sadd.s32 $0x2, s9  }
.LBB2_4:
0x5f: {  	p0 =	sge.u32 s16, s11  }
.Ltmp5:
0x60: {  	_ = 	snop;
	(pc) =	sbr.rel @p0 .LBB2_6-.Ltmp5, $1  }
0x61: {  	_ =	sdelay $0x3  }
0x62: {  	s0 =	sshra.s32 s17, $0x2  }
0x63: {  	s1 =	sadd.s32 $0x14080, s0  }
0x64: {  	[tilespmem:s31], [sflag:$0x5] =	stream.indirect.gather [hbm4b:s5+s22], $0x80, s1, s22, $0xb8;
	[tilespmem:$0x1FD00] =	vst v63  }
0x65: {  	s23 =	simm.s32 $0x1CC00;
	s30 =	sadd.s32 $0x140A0, s0  }
0x66: {  	[tilespmem:s23], [sflag:$0x6] =	stream.indirect.gather [hbm4b:s5+s22], $0x80, s30, s22, $0xb8;
	[tilespmem:$0x1FD00] =	vst v63  }
0x67: {  	s23 =	sadd.s32 $0x140C0, s0;
	s30 =	simm.s32 $0x1DC00  }
0x68: {  	[tilespmem:s30], [sflag:$0x7] =	stream.indirect.gather [hbm4b:s5+s22], $0x80, s23, s22, $0xb8;
	[tilespmem:$0x1FD00] =	vst v63  }
0x69: {  	s0 =	sadd.s32 $0x140E0, s0;
	s30 =	simm.s32 $0x1EC00;
	s23 =	sadd.s32 $0x10, s3  }
0x6a: {  	[tilespmem:s30], [sflag:$0x8] =	stream.indirect.gather [hbm4b:s5+s22], $0x80, s0, s22, $0xb8;
	[tilespmem:$0x1FD00] =	vst v63  }
0x6b: {  	s30 =	sadd.s32 s3, s4;
	s0 =	sand.u32 $0x70, s23  }
0x6c: {  	s1 =	sand.u32 $0xFFFFF80, s30;
	s0 =	sadd.s32 s6, s0  }
0x6d: {  	s23 =	simm.s32 $0x0;
	s0 =	sadd.s32 s1, s0  }
0x6e: {  	[tilespmem:s24], [sflag:$0xA] =	stream.linear.gather [hbm4b:s0+s23], $0x80, $0x38;
	[tilespmem:$0x1FD00] =	vst v63  }
0x6f: {  	_ =	swait.ge [sflag:s21], $0x1000  }
0x70: {  	[sflag:s21] =	ssyncset.done $0x0  }
0x71: {  	[sflag:s21] =	ssyncadd.s32 $0xFFFFF000  }
0x72: {  	_ =	swait.ge [sflag:s25], $0x1000  }
0x73: {  	[sflag:s25] =	ssyncset.done $0x0  }
0x74: {  	[sflag:s25] =	ssyncadd.s32 $0xFFFFF000  }
0x75: {  	_ =	swait.ge [sflag:s26], $0x1000  }
0x76: {  	[sflag:s26] =	ssyncset.done $0x0  }
0x77: {  	[sflag:s26] =	ssyncadd.s32 $0xFFFFF000  }
0x78: {  	_ =	swait.ge [sflag:s28], $0x1000  }
0x79: {  	[sflag:s28] =	ssyncset.done $0x0  }
0x7a: {  	[sflag:s28] =	ssyncadd.s32 $0xFFFFF000  }
0x7b: {  	_ =	swait.ge [sflag:s29], $0x80  }
0x7c: {  	[sflag:s29] =	ssyncset.done $0x0  }
0x7d: {  	s30 =	simm.s32 $0x1FC00;
	[sflag:s29] =	ssyncadd.s32 $0xFFFFFF80  }
0x7e: {  	[spmem:s2] =	stream.indirect.scatter.add.f32 [tilespmem:s19], [sflag:$0xC], $0x80, s30, s8, $0xb8;
	[tilespmem:$0x1FD00] =	vst v63  }
0x7f: {  	p0 =	sge.u32 s9, s7;
	_ =	swait.ge [sflag:s10], $0x4000  }
0x80: {  	s0 =	sshra.s32 @!p0 s17, $0x2;
	s23 =	simm.s32 @!p0 $0x20;
	[sflag:s10] =	ssyncset.done $0x0  }
0x81: {  	s1 =	sadd.s32 @!p0 $0x14100, s0;
	s30 =	simm.s32 @!p0 $0x17C00;
	[sflag:s10] =	ssyncadd.s32 $0xFFFFC000  }
0x82: {  	[tilespmem:s30], [sflag:$0x1] =	stream.indirect.gather @!p0 [hbm4b:s5+s23], $0x80, s1, s23, $0xb8;
	[tilespmem:$0x1FD00] =	vst v63  }
0x83: {  	s1 =	sadd.s32 @!p0 $0x14120, s0;
	s30 =	simm.s32 @!p0 $0x18C00  }
0x84: {  	[tilespmem:s30], [sflag:$0x2] =	stream.indirect.gather @!p0 [hbm4b:s5+s23], $0x80, s1, s23, $0xb8;
	[tilespmem:$0x1FD00] =	vst v63  }
0x85: {  	s1 =	sadd.s32 @!p0 $0x14140, s0;
	s30 =	simm.s32 @!p0 $0x19C00  }
0x86: {  	[tilespmem:s30], [sflag:$0x3] =	stream.indirect.gather @!p0 [hbm4b:s5+s23], $0x80, s1, s23, $0xb8;
	[tilespmem:$0x1FD00] =	vst v63  }
0x87: {  	s0 =	sadd.s32 @!p0 $0x14160, s0;
	s1 =	simm.s32 @!p0 $0x1AC00  }
0x88: {  	[tilespmem:s1], [sflag:$0x4] =	stream.indirect.gather @!p0 [hbm4b:s5+s23], $0x80, s0, s23, $0xb8;
	[tilespmem:$0x1FD00] =	vst v63  }
0x89: {  	s0 =	sadd.s32 @!p0 $0x20, s3  }
0x8a: {  	s1 =	sadd.s32 @!p0 s4, s0;
	s0 =	sand.u32 @!p0 $0x60, s0  }
0x8b: {  	s1 =	sand.u32 @!p0 $0xFFFFF80, s1;
	s0 =	sadd.s32 @!p0 s6, s0  }
0x8c: {  	s23 =	simm.s32 @!p0 $0x1FC00;
	s0 =	sadd.s32 @!p0 s1, s0;
	s1 =	simm.s32 @!p0 $0x0  }
0x8d: {  	[tilespmem:s23], [sflag:$0x9] =	stream.linear.gather @!p0 [hbm4b:s0+s1], $0x80, $0x38;
	[tilespmem:$0x1FD00] =	vst v63  }
0x8e: {  	_ =	swait.ge [sflag:s12], $0x1000  }
0x8f: {  	[sflag:s12] =	ssyncset.done $0x0  }
0x90: {  	[sflag:s12] =	ssyncadd.s32 $0xFFFFF000  }
0x91: {  	_ =	swait.ge [sflag:s13], $0x1000  }
0x92: {  	[sflag:s13] =	ssyncset.done $0x0  }
0x93: {  	[sflag:s13] =	ssyncadd.s32 $0xFFFFF000  }
0x94: {  	_ =	swait.ge [sflag:s14], $0x1000  }
0x95: {  	[sflag:s14] =	ssyncset.done $0x0  }
0x96: {  	[sflag:s14] =	ssyncadd.s32 $0xFFFFF000  }
0x97: {  	_ =	swait.ge [sflag:s18], $0x1000  }
0x98: {  	[sflag:s18] =	ssyncset.done $0x0  }
0x99: {  	[sflag:s18] =	ssyncadd.s32 $0xFFFFF000  }
0x9a: {  	_ =	swait.ge [sflag:s15], $0x80  }
0x9b: {  	[sflag:s15] =	ssyncset.done $0x0  }
.Ltmp6:
0x9c: {  	[sflag:s15] =	ssyncadd.s32 $0xFFFFFF80;
	(pc) =	sbr.rel .LBB2_6-.Ltmp6, $4  }
0x9d: {  	[spmem:s2] =	stream.indirect.scatter.add.f32 [tilespmem:s31], [sflag:$0xB], $0x80, s24, s8, $0xb8;
	[tilespmem:$0x1FD00] =	vst v63  }
0x9e: {  	_ =	swait.ge [sflag:s20], $0x4000  }
0x9f: {  	[sflag:s20] =	ssyncset.done $0x0  }
0xa0: {  	[sflag:s20] =	ssyncadd.s32 $0xFFFFC000  }
.LBB2_8:
0xa1: {  	_ =	sfence.sel $0x180000  }
0xa2: {  	[bflag:$0x0] =	sbarrier.arrive $0xFFFF  }
0xa3: {  	_ =	strace $0x9000004D  }
0xa4: {  	s0 =	stileid.u32;
	[bflag:$0x2] =	sbarrier.arrive $0xFFFF  }
0xa5: {  	p0 =	sne.s32 s0, $0x0;
	s0 =	rddreg [dreg:$0x2]  }
0xa6: {  	s0 =	sadd.s32 @!p0 $0x100000, s0  }
0xa7: {  	[sflag:s0] =	ssyncadd.tile.s32 @!p0 $0x1;
	_ =	shalt  }
.Lfunc_end2:
_tile_overlayer_lowered:
.L_overlay_start_2:
0xa8: {  	(tag) =	ssettag $0x2  }
0xa9: {  	s0 =	rddreg [dreg:$0x0];
	s2 =	stileid.u32  }
0xaa: {  	s1 =	rddreg [dreg:$0x1];
	p0 =	sne.s32 s2, $0x0  }
0xab: {  	s3 =	rddreg [dreg:$0x2];
	[bflag:$0x3] =	sbarrier.arrive $0xFFFF;
	s2 =	simm.s32 @!p0 $0x1C0B  }
0xac: {  	[timem:s3], [sflag:s2] =	dma.local @!p0 [hbm:s0], s1  }
0xad: {  	s0 =	simm.s32 @!p0 $0xB  }
0xae: {  	_ =	swait.ge @!p0 [sflag:s0], s1  }
0xaf: {  	s1 =	ssub.s32 @!p0 $0x0, s1;
	[sflag:s0] =	ssyncset.done @!p0 $0x0  }
0xb0: {  	[sflag:s0] =	ssyncadd.s32 @!p0 s1  }
0xb1: {  	[bflag:$0x3] =	sbarrier.arrive $0xFFFF  }
0xb2: {  	_ =	shalt  }

// kernel: kernel.9.cloned.1.call-start
scs
__scs_entry_jumppad:
0x0: {  	(pc) =	sbr.rel $0x88, $3  }
0x1: {  	(tag) =	ssettag $0x0;
	lr =	simm.s32 $0x1  }
0x2: {  	[smem:$0x3F96] =	sst lr;
	_ =	strace $0xD0000000  }
0x3: {  	_ = 	snop  }
0x4: {  	_ = 	snop  }
0x5: {  	_ = 	snop  }
0x6: {  	_ = 	snop  }
0x7: {  	_ = 	snop  }
__scs_overlays_trampoline_lowered:
0x8: {  	[smem:$0x3FA5] =	sst s0  }
0x9: {  	[smem:$0x3FA6] =	sst s1  }
0xa: {  	[smem:$0x3FA7] =	sst s2  }
0xb: {  	[smem:$0x3FA8] =	sst s3  }
0xc: {  	[smem:$0x3FA9] =	sst s4  }
0xd: {  	[smem:$0x3FAA] =	sst s5  }
0xe: {  	[smem:$0x3FAB] =	sst s6  }
0xf: {  	[smem:$0x3FAC] =	sst s7  }
0x10: {  	[smem:$0x3FAD] =	sst s8  }
0x11: {  	[smem:$0x3FAE] =	sst s9;
	s0 =	simm.s32 @!p0 $0x0  }
0x12: {  	s1 =	sld [smem:$0x3F94];
	s0 =	simm.s32 @p0 $0x1  }
0x13: {  	[smem:$0x3FAF] =	sst s0;
	s0 =	simm.s32 @!p1 $0x0  }
0x14: {  	s2 =	sld [smem:$0x3F93];
	s0 =	simm.s32 @p1 $0x1  }
0x15: {  	[smem:$0x3FB0] =	sst s0;
	s0 =	simm.s32 @!p2 $0x0  }
0x16: {  	s3 =	sld [smem:$0x3FDB];
	s0 =	simm.s32 @p2 $0x1  }
0x17: {  	s4 =	simm.s32 $0x1BF5;
	[smem:$0x3FB2] =	sst s0  }
0x18: {  	s0 =	sld [smem:$0x3F95];
	_ =	swait.ge [sflag:s4], $0x0  }
0x19: {  	s7 =	sld [smem:$0x3F96]  }
0x1a: {  	s8 =	sadd.s32 $0xFFFFE003, lr  }
0x1b: {  	s9 =	sadd.s32 $0xFFFFFEF7, lr;
	s5 =	simm.s32 $0xFFFFFFFF;
	p2 =	slt.u32 s8, $0xFFFFF086  }
0x1c: {  	p1 =	slt.u32 s9, $0xF7A;
	s5 =	simm.s32 @!p2 $0x0  }
0x1d: {  	s5 =	simm.s32 @p1 $0x1;
	p0 =	seq.s32 s7, s2  }
0x1e: {  	s7 =	smul.u32 @!p0 $0xF7A, s2;
	p2 =	seq.s32 @!p0 s5, $0x0  }
0x1f: {  	s9 =	smul.u32 $0xF7A, s1;
	s8 =	simm.s32 @!p0 $0x1BF5;
	p2 =	por !p2, p0  }
0x20: {  	[sflag:s8] =	ssyncset.s32 @!p0 $0xFFFFF086;
	s6 =	sadd.s32 @!p0 s3, s7;
	s7 =	simm.s32 @!p0 $0x108  }
0x21: {  	s3 =	sadd.s32 s3, s9;
	s6 =	sadd.s32 @!p0 $0x88, s6;
	s7 =	simm.s32 @p2 $0x1082  }
0x22: {  	[simem:s7], [sflag:s8] =	dma.local @!p0 [hbm:s6], $0xF7A  }
0x23: {  	s9 =	sor.u32 $0xD0000000, s2;
	s6 =	simm.s32 $0x108;
	_ =	swait.ge @!p0 [sflag:s8], $0x0  }
0x24: {  	s3 =	sadd.s32 $0x88, s3;
	s6 =	simm.s32 @!p1 $0x1082;
	[sflag:s4] =	ssyncset.s32 $0xFFFFF086  }
0x25: {  	[simem:s6], [sflag:s4] =	dma.local [hbm:s3], $0xF7A  }
0x26: {  	[smem:$0x3F96] =	sst s1;
	(tag) =	ssettag s2;
	_ =	strace s9  }
0x27: {  	s1 =	sld [smem:$0x3FA6]  }
0x28: {  	s2 =	sld [smem:$0x3FA7]  }
0x29: {  	s4 =	sld [smem:$0x3FA9]  }
0x2a: {  	p0 =	seq.s32 s5, $0x0;
	s5 =	sld [smem:$0x3FAA]  }
0x2b: {  	s6 =	sld [smem:$0x3FAB]  }
0x2c: {  	s7 =	sld [smem:$0x3FAC]  }
0x2d: {  	s3 =	simm.s32 $0x108;
	s8 =	sld [smem:$0x3FAD]  }
0x2e: {  	s3 =	simm.s32 @!p0 $0x1082;
	s9 =	sld [smem:$0x3FAE]  }
0x2f: {  	lr =	sadd.s32 s0, s3;
	s0 =	sld [smem:$0x3FA5]  }
0x30: {  	s3 =	sld [smem:$0x3FA8]  }
0x31: {  	[smem:$0x3FB1] =	sst s10  }
0x32: {  	s10 =	sld [smem:$0x3FAF];
	_ =	sdelay $0x3  }
0x33: {  	p0 =	seq.s32 s10, $0x1;
	s10 =	sld [smem:$0x3FB1];
	_ =	sdelay $0x3  }
0x34: {  	[smem:$0x3FB1] =	sst s10  }
0x35: {  	s10 =	sld [smem:$0x3FB0];
	_ =	sdelay $0x3  }
0x36: {  	p1 =	seq.s32 s10, $0x1;
	s10 =	sld [smem:$0x3FB1];
	_ =	sdelay $0x3  }
0x37: {  	[smem:$0x3FB1] =	sst s10  }
0x38: {  	s10 =	sld [smem:$0x3FB2]  }
0x39: {  	_ = 	snop;
	(pc) =	sbr.ind lr, $3  }
0x3a: {  	_ = 	snop  }
0x3b: {  	_ = 	snop  }
0x3c: {  	p2 =	seq.s32 s10, $0x1;
	s10 =	sld [smem:$0x3FB1]  }
0x3d: {  	_ =	shalt  }
0x3e: {  	_ =	shalt  }
0x3f: {  	_ =	shalt  }
0x40: {  	_ =	shalt  }
0x41: {  	_ =	shalt  }
0x42: {  	_ =	shalt  }
0x43: {  	_ =	shalt  }
0x44: {  	_ =	shalt  }
0x45: {  	_ =	shalt  }
0x46: {  	_ =	shalt  }
0x47: {  	_ =	shalt  }
0x48: {  	_ =	shalt  }
0x49: {  	_ =	shalt  }
0x4a: {  	_ =	shalt  }
0x4b: {  	_ =	shalt  }
0x4c: {  	_ =	shalt  }
0x4d: {  	_ =	shalt  }
0x4e: {  	_ =	shalt  }
0x4f: {  	_ =	shalt  }
0x50: {  	_ =	shalt  }
0x51: {  	_ =	shalt  }
0x52: {  	_ =	shalt  }
0x53: {  	_ =	shalt  }
0x54: {  	_ =	shalt  }
0x55: {  	_ =	shalt  }
0x56: {  	_ =	shalt  }
0x57: {  	_ =	shalt  }
0x58: {  	_ =	shalt  }
0x59: {  	_ =	shalt  }
0x5a: {  	_ =	shalt  }
0x5b: {  	_ =	shalt  }
0x5c: {  	_ =	shalt  }
0x5d: {  	_ =	shalt  }
0x5e: {  	_ =	shalt  }
0x5f: {  	_ =	shalt  }
0x60: {  	_ =	shalt  }
0x61: {  	_ =	shalt  }
0x62: {  	_ =	shalt  }
0x63: {  	_ =	shalt  }
0x64: {  	_ =	shalt  }
0x65: {  	_ =	shalt  }
0x66: {  	_ =	shalt  }
0x67: {  	_ =	shalt  }
0x68: {  	_ =	shalt  }
0x69: {  	_ =	shalt  }
0x6a: {  	_ =	shalt  }
0x6b: {  	_ =	shalt  }
0x6c: {  	_ =	shalt  }
0x6d: {  	_ =	shalt  }
0x6e: {  	_ =	shalt  }
0x6f: {  	_ =	shalt  }
0x70: {  	_ =	shalt  }
0x71: {  	_ =	shalt  }
0x72: {  	_ =	shalt  }
0x73: {  	_ =	shalt  }
0x74: {  	_ =	shalt  }
0x75: {  	_ =	shalt  }
0x76: {  	_ =	shalt  }
0x77: {  	_ =	shalt  }
0x78: {  	_ =	shalt  }
0x79: {  	_ =	shalt  }
0x7a: {  	_ =	shalt  }
0x7b: {  	_ =	shalt  }
0x7c: {  	_ =	shalt  }
0x7d: {  	_ =	shalt  }
0x7e: {  	_ =	shalt  }
0x7f: {  	_ =	shalt  }
0x80: {  	_ =	shalt  }
0x81: {  	_ =	shalt  }
0x82: {  	_ =	shalt  }
0x83: {  	_ =	shalt  }
0x84: {  	_ =	shalt  }
0x85: {  	_ =	shalt  }
0x86: {  	_ =	shalt  }
0x87: {  	_ =	shalt  }
.Lfunc_end0:
.L_simem_size_0:
called_computation_lowered:
.L_overlay_start_0:
0x88: {  	s2 =	sld [smem:$0x3FD9]  }
0x89: {  	s3 =	sld [smem:$0x3FFE];
	_ =	sdelay $0x1  }
0x8a: {  	s1 =	srdreg.scid  }
0x8b: {  	s0 =	sand.u32 $0x1, s1  }
0x8c: {  	s16 =	sshll.u32 s0, $0xA;
	s2 =	sadd.s32 s3, s2  }
0x8d: {  	s2 =	sadd.s32 s2, s16  }
0x8e: {  	[smem:$0x3FBD] =	sst s2  }
0x8f: {  	_ = 	snop  }
0x90: {  	(tm) =	ssettm $0x1  }
0x91: {  	s17 =	sld [smem:$0x3FFB];
	_ =	sdelay $0x3  }
0x92: {  	_ =	strace s17  }
0x93: {  	s2 =	sld [smem:$0x3FFC];
	_ =	sdelay $0x3  }
0x94: {  	_ =	strace s2  }
0x95: {  	s2 =	sld [smem:$0x3FFD];
	_ =	sdelay $0x3  }
0x96: {  	_ =	strace s2  }
0x97: {  	_ =	strace $0x8FFFFFFF  }
0x98: {  	s18 =	sld [smem:$0x3FDB];
	_ =	sdelay $0x1  }
0x99: {  	s19 =	simm.s32 $_scs_section_size  }
0x9a: {  	s4 =	simm.s32 $_size__tile_overlayer_lowered;
	s5 =	simm.s32 $_tile_overlayer_lowered  }
0x9b: {  	s22 =	simm.s32 $0x1BFF;
	s21 =	sshll.u32 s5, $0x1;
	s2 =	sadd.s32 s19, s18  }
0x9c: {  	s6 =	simm.s32 $0x0;
	s20 =	sshll.u32 s4, $0x1;
	s4 =	sadd.s32 s21, s2  }
0x9d: {  	[timem:s6], [sflag:s22] =	dma.local [hbm:s4], s20  }
0x9e: {  	_ =	swait.ge [sflag:s22], s20  }
0x9f: {  	s3 =	ssub.s32 $0x0, s20;
	[sflag:s22] =	ssyncset.done $0x0  }
0xa0: {  	[sflag:s22] =	ssyncadd.s32 s3;
	_ =	sdelay $0x1  }
0xa1: {  	s23 =	simm.s32 $0x1B8B  }
0xa2: {  	_ =	swait.ge [sflag:s23], $0x1  }
0xa3: {  	[sflag:s23] =	ssyncset.done $0x0  }
0xa4: {  	s25 =	simm.s32 $0x1B8E;
	s24 =	sld [smem:$0x3FFE];
	[sflag:s23] =	ssyncadd.s32 $0xFFFFFFFF  }
0xa5: {  	s26 =	simm.s32 $execute0_lowered;
	[smem:$0x3FD2] =	sst s25  }
0xa6: {  	s4 =	sshll.u32 s26, $0x1;
	_ =	strace $0x80000046;
	[dreg:$0x1] =	wrdreg $0xFFFFFFFF  }
0xa7: {  	s28 =	simm.s32 $_size_execute0_lowered;
	s2 =	sadd.s32 s2, s4;
	[dreg:$0x0] =	wrdreg $0x0  }
0xa8: {  	s4 =	sshll.u32 s28, $0x1;
	[dreg:$0x2] =	wrdreg s2  }
0xa9: {  	[dreg:$0x3] =	wrdreg s4  }
0xaa: {  	[dreg:$0x4] =	wrdreg $0xC0  }
0xab: {  	_ =	task [dreg:s6], $0x5FFFF  }
0xac: {  	[dreg:$0x1] =	wrdreg $0xFFFFFFFF  }
0xad: {  	[dreg:$0x0] =	wrdreg $0x60  }
0xae: {  	[dreg:$0x2] =	wrdreg s24  }
0xaf: {  	[dreg:$0x3] =	wrdreg $0x0  }
0xb0: {  	[dreg:$0x4] =	wrdreg $0x9  }
0xb1: {  	_ =	task.clear_ibuf [dreg:s6], $0x5FFFF;
	_ =	strace $0x90000046  }
0xb2: {  	s29 =	simm.s32 $0x9;
	_ =	strace $0x80000048  }
0xb3: {  	_ =	swait.ge [sflag:s29], $0x1  }
0xb4: {  	[sflag:s29] =	ssyncadd.s32 $0xFFFFFFFF  }
0xb5: {  	_ =	strace $0x90000048  }
0xb6: {  	_ =	sfence  }
0xb7: {  	s30 =	sld [smem:$0x0];
	_ =	sdelay $0x2  }
0xb8: {  	s31 =	sshll.u32 s1, $0xD;
	s1 =	sshrl.u32 s1, $0x2  }
0xb9: {  	s3 =	sand.u32 $0x4000, s31;
	s1 =	sadd.s32 s1, s30  }
0xba: {  	s0 =	sor.u32 s3, s0;
	s1 =	sshll.u32 s1, $0x11  }
0xbb: {  	s0 =	sor.u32 s1, s0  }
0xbc: {  	s0 =	sadd.s32 $0x8F2B, s0  }
0xbd: {  	[sflag:s0] =	ssyncadd.remote.s32 $0x1  }
0xbe: {  	_ =	sfence.sel $0xFFFF  }
0xbf: {  	[dreg:$0x0] =	wrdreg $0xFFFFFFFF;
	(pc) =	sbr.abs _section_cstart, $3  }
0xc0: {  	[dreg:$0x1] =	wrdreg $0xFFFFFFFF  }
0xc1: {  	_ =	task.clear_ibuf [dreg:s6], $0x2FFFF;
	_ =	strace $0x9FFFFFFF  }
0xc2: {  	(tm) =	ssettm $0x7FFFFFFF  }
0xc3: {  	_ =	shalt  }
tec
execute0_lowered:
.L_overlay_start_1:
0x0: {  	(tag) =	ssettag $0x1  }
0x1: {  	s4 =	rddreg [dreg:$0x0]  }
0x2: {  	s0 =	srdreg.scid;
	s2 =	stileid.u32  }
0x3: {  	s1 =	rddreg [dreg:$0x1];
	s8 =	smul.u32 $0x2800, s2  }
0x4: {  	s3 =	simm.s32 $0x0;
	s11 =	simm.s32 $0x80;
	s9 =	smul.u32 $0x50000, s2  }
0x5: {  	s12 =	simm.s32 $0x14080;
	s5 =	sand.u32 $0x1, s0;
	s30 =	smul.u32 $0x500, s2  }
0x6: {  	s15 =	simm.s32 $0x0;
	s0 =	rddreg [dreg:$0x2];
	s6 =	smul.u32 $0x5000, s5  }
0x7: {  	[smem:$0x7FF] =	sst s3;
	s13 =	sshll.u32 s2, $0x6;
	s7 =	smul.u32 $0x28000, s5  }
0x8: {  	_ =	strace $0x80000047;
	s5 =	ssub.s32 $0x2, s5;
	s13 =	sor.u32 $0x1C01, s13  }
0x9: {  	s31 =	sshrl.u32 s5, $0x1;
	s9 =	sshrl.u32 s9, $0x2;
	s7 =	sadd.s32 s8, s7  }
0xa: {  	s6 =	sadd.s32 s6, s4;
	s10 =	ssub.s32 s5, s31;
	s7 =	sadd.s32 s7, s4  }
0xb: {  	s4 =	sadd.s32 s9, s1;
	s8 =	sadd.s32 s30, s6;
	s6 =	smax.u32 s10, $0x1  }
0xc: {  	s9 =	simm.s32 $0x1;
	s10 =	simm.s32 $0x14000;
	s5 =	sadd.s32 $0xE200, s7  }
0xd: {  	v0 =	vimm.f32 $0.0e+00;
	v1 =	vimm.f32 $1.000000000e+00;
	s7 =	sadd.s32 $0x4200, s8;
	s8 =	simm.s32 $0x18080;
	s14 =	sshrl.u32 s4, $0x3  }
.LBB2_1:
0xe: {  	s16 =	simm.s32 $0x0;
	s17 =	simm.s32 $0x200  }
.LBB2_2:
0xf: {  	p0 =	sne.s32 s17, $0x1E00;
	[tilespmem:s16+$0x180F0] =	vst v0  }
0x10: {  	[tilespmem:s16+$0x18080] =	vst v0  }
0x11: {  	[tilespmem:s16+$0x18090] =	vst v0  }
.Ltmp0:
0x12: {  	[tilespmem:s16+$0x180A0] =	vst v0;
	(pc) =	sbr.rel @p0 .LBB2_2-.Ltmp0, $4  }
0x13: {  	[tilespmem:s16+$0x180B0] =	vst v0  }
0x14: {  	[tilespmem:s16+$0x180C0] =	vst v0  }
0x15: {  	[tilespmem:s16+$0x180D0] =	vst v0  }
0x16: {  	[tilespmem:s16+$0x180E0] =	vst v0;
	s16 =	sshra.s32 s17, $0x2;
	s17 =	sadd.s32 $0x200, s17  }
0x17: {  	[tilespmem:s16+$0x180F0] =	vst v0  }
0x18: {  	[tilespmem:s16+$0x18080] =	vst v0  }
0x19: {  	[tilespmem:s16+$0x18090] =	vst v0  }
0x1a: {  	[tilespmem:s16+$0x180A0] =	vst v0  }
0x1b: {  	[tilespmem:s16+$0x180B0] =	vst v0  }
0x1c: {  	[tilespmem:s16+$0x180C0] =	vst v0  }
0x1d: {  	[tilespmem:s16+$0x180D0] =	vst v0  }
0x1e: {  	[tilespmem:s16+$0x180E0] =	vst v0;
	s16 =	simm.s32 $0x0;
	s17 =	simm.s32 $0x200  }
.LBB2_4:
0x1f: {  	p0 =	sne.s32 s17, $0xFE00;
	[tilespmem:s16+$0x140F0] =	vst v1  }
0x20: {  	[tilespmem:s16+$0x14080] =	vst v1  }
0x21: {  	[tilespmem:s16+$0x14090] =	vst v1  }
.Ltmp1:
0x22: {  	[tilespmem:s16+$0x140A0] =	vst v1;
	(pc) =	sbr.rel @p0 .LBB2_4-.Ltmp1, $4  }
0x23: {  	[tilespmem:s16+$0x140B0] =	vst v1  }
0x24: {  	[tilespmem:s16+$0x140C0] =	vst v1  }
0x25: {  	[tilespmem:s16+$0x140D0] =	vst v1  }
0x26: {  	[tilespmem:s16+$0x140E0] =	vst v1;
	s16 =	sshra.s32 s17, $0x2;
	s17 =	sadd.s32 $0x200, s17  }
0x27: {  	[tilespmem:s16+$0x140F0] =	vst v1  }
0x28: {  	[tilespmem:s16+$0x14080] =	vst v1  }
0x29: {  	[tilespmem:s16+$0x14090] =	vst v1  }
0x2a: {  	[tilespmem:s16+$0x140A0] =	vst v1  }
0x2b: {  	[tilespmem:s16+$0x140B0] =	vst v1  }
0x2c: {  	[tilespmem:s16+$0x140C0] =	vst v1  }
0x2d: {  	[tilespmem:s16+$0x140D0] =	vst v1  }
0x2e: {  	[tilespmem:s16+$0x140E0] =	vst v1;
	s31 =	sadd.s32 $0x0, s4  }
0x2f: {  	[spmem:s31] =	stream.linear.scatter [tilespmem:s8], [sflag:$0x1], $0x800, $0x38;
	[tilespmem:$0x18880] =	vst v63  }
0x30: {  	s16 =	simm.s32 $0x2000;
	_ =	swait.ge [sflag:s9], $0x800  }
.LBB2_6:
0x31: {  	s17 =	sshra.s32 s16, $0x2;
	[sflag:s9] =	ssyncset.done $0x0;
	p0 =	sne.s32 s16, $0x4E000  }
.Ltmp2:
0x32: {  	s17 =	sadd.s32 s17, s4;
	[sflag:s9] =	ssyncadd.s32 $0xFFFFF800;
	(pc) =	sbr.rel @p0 .LBB2_6-.Ltmp2, $3  }
0x33: {  	[spmem:s17] =	stream.linear.scatter [tilespmem:s8], [sflag:$0x1], $0x800, $0x38;
	[tilespmem:$0x18880] =	vst v63  }
0x34: {  	s16 =	sadd.s32 $0x2000, s16;
	_ =	sdelay $0x1  }
0x35: {  	_ =	swait.ge [sflag:s9], $0x800  }
0x36: {  	[sflag:s9] =	ssyncset.done $0x0  }
0x37: {  	[sflag:s9] =	ssyncadd.s32 $0xFFFFF800  }
0x38: {  	s16 =	sadd.s32 $0x0, s7;
	[bflag:$0x0] =	sbarrier.arrive $0xFFFF  }
0x39: {  	[tilespmem:s10], [sflag:$0x1] =	stream.linear.gather [hbm4b:s16+s3], $0x80, $0x38;
	[tilespmem:$0x18880] =	vst v63  }
0x3a: {  	_ =	swait.ge [sflag:s9], $0x80  }
0x3b: {  	[sflag:s9] =	ssyncset.done $0x0  }
0x3c: {  	[sflag:s9] =	ssyncadd.s32 $0xFFFFFF80  }
0x3d: {  	[spmem:s1] =	stream.indirect.scatter.add.f32 [tilespmem:s12], [sflag:$0x1], $0x80, s10, s11, $0xb8;
	[tilespmem:$0x18880] =	vst v63  }
0x3e: {  	_ =	swait.ge [sflag:s9], $0x4000  }
0x3f: {  	s17 =	simm.s32 $0x20;
	s16 =	simm.s32 $0x10;
	[sflag:s9] =	ssyncset.done $0x0  }
.LBB2_8:
0x40: {  	s18 =	sadd.s32 s16, s7  }
0x41: {  	[sflag:s9] =	ssyncadd.s32 $0xFFFFC000;
	s16 =	smov.u32 s17;
	s19 =	sadd.s32 $0x10, s17  }
0x42: {  	[tilespmem:s10], [sflag:$0x1] =	stream.linear.gather [hbm4b:s18+s3], $0x80, $0x38;
	[tilespmem:$0x18880] =	vst v63  }
0x43: {  	p0 =	sne.s32 s17, $0x4F0;
	_ =	swait.ge [sflag:s9], $0x80  }
.Ltmp3:
0x44: {  	[sflag:s9] =	ssyncset.done $0x0;
	(pc) =	sbr.rel @p0 .LBB2_8-.Ltmp3, $4  }
0x45: {  	[sflag:s9] =	ssyncadd.s32 $0xFFFFFF80  }
0x46: {  	[spmem:s1] =	stream.indirect.scatter.add.f32 [tilespmem:s12], [sflag:$0x1], $0x80, s10, s11, $0xb8;
	[tilespmem:$0x18880] =	vst v63  }
0x47: {  	_ =	swait.ge [sflag:s9], $0x4000  }
0x48: {  	s17 =	smov.u32 s19;
	[sflag:s9] =	ssyncset.done $0x0  }
0x49: {  	s16 =	sadd.s32 s16, s7;
	[sflag:s9] =	ssyncadd.s32 $0xFFFFC000  }
0x4a: {  	[tilespmem:s10], [sflag:$0x1] =	stream.linear.gather [hbm4b:s16+s3], $0x80, $0x38;
	[tilespmem:$0x18880] =	vst v63  }
0x4b: {  	_ =	swait.ge [sflag:s9], $0x80  }
0x4c: {  	[sflag:s9] =	ssyncset.done $0x0  }
0x4d: {  	[sflag:s9] =	ssyncadd.s32 $0xFFFFFF80  }
0x4e: {  	[spmem:s1] =	stream.indirect.scatter.add.f32 [tilespmem:s12], [sflag:$0x1], $0x80, s10, s11, $0xb8;
	[tilespmem:$0x18880] =	vst v63  }
0x4f: {  	_ =	swait.ge [sflag:s9], $0x4000  }
0x50: {  	s15 =	sadd.s32 $0x1, s15;
	[sflag:s9] =	ssyncset.done $0x0  }
0x51: {  	p0 =	sne.s32 s15, s6;
	[sflag:s9] =	ssyncadd.s32 $0xFFFFC000  }
.Ltmp4:
0x52: {  	[bflag:$0x0] =	sbarrier.arrive $0xFFFF;
	(pc) =	sbr.rel @p0 .LBB2_1-.Ltmp4, $4  }
0x53: {  	[hbm:s5], [sflag:s13] =	dma.local [spmem:s14], $0x2800  }
0x54: {  	_ =	swait.ge [sflag:s9], $0x2800  }
0x55: {  	[sflag:s9] =	ssyncset.done $0x0  }
0x56: {  	[sflag:s9] =	ssyncadd.s32 $0xFFFFD800  }
0x57: {  	_ =	sfence.sel $0x180000  }
0x58: {  	[bflag:$0x0] =	sbarrier.arrive $0xFFFF  }
0x59: {  	p0 =	sne.s32 s2, $0x0;
	_ =	strace $0x90000047  }
0x5a: {  	s0 =	sadd.s32 @!p0 $0x100000, s0;
	[bflag:$0x2] =	sbarrier.arrive $0xFFFF  }
0x5b: {  	[sflag:s0] =	ssyncadd.tile.s32 @!p0 $0x1;
	_ =	shalt  }
.Lfunc_end2:
_tile_overlayer_lowered:
.L_overlay_start_2:
0x5c: {  	(tag) =	ssettag $0x2  }
0x5d: {  	s0 =	rddreg [dreg:$0x0];
	s2 =	stileid.u32  }
0x5e: {  	s1 =	rddreg [dreg:$0x1];
	p0 =	sne.s32 s2, $0x0  }
0x5f: {  	s3 =	rddreg [dreg:$0x2];
	[bflag:$0x3] =	sbarrier.arrive $0xFFFF;
	s2 =	simm.s32 @!p0 $0x1C01  }
0x60: {  	[timem:s3], [sflag:s2] =	dma.local @!p0 [hbm:s0], s1  }
0x61: {  	s0 =	simm.s32 @!p0 $0x1  }
0x62: {  	_ =	swait.ge @!p0 [sflag:s0], s1  }
0x63: {  	s1 =	ssub.s32 @!p0 $0x0, s1;
	[sflag:s0] =	ssyncset.done @!p0 $0x0  }
0x64: {  	[sflag:s0] =	ssyncadd.s32 @!p0 s1  }
0x65: {  	[bflag:$0x3] =	sbarrier.arrive $0xFFFF  }
0x66: {  	_ =	shalt  }

</sc_bundles>
